<compile_context>
chip_gen: v7x
topology: tpu7x:2x2x1
jax: 0.10.2.dev20260603
libtpu: 0.0.44.dev20260713+nightly
codegen_flags: <defaults>
</compile_context>

<pallas_src>
import functools

import jax
import jax.numpy as jnp
from jax import lax
from jax.experimental import pallas as pl
from jax.experimental.pallas import tpu as pltpu
from jax.experimental.pallas import tpu_sc as plsc

N = 10000
S = 20
T = N * S
E = 320000
E_ORIG = 160000
DIM = 128
DE = 16

NW = 32
TP = 200704
PER_W = TP // NW
NCH_G = PER_W // 128

EPT = 20096
EP = EPT * 16
NCH_E = EPT // 128
HALF = 100000
PACK_Q = 6272
DUMP_R = 6250
QUART = 50000
PACK_Z = 392
ACC_C = 2560
ZROWS_C = 160
NQ = 2500


def _mesh():
    return plsc.VectorSubcoreMesh(core_axis_name="c", subcore_axis_name="s")


def _sc_gather(table, idx_p):

    @functools.partial(
        pl.kernel, mesh=_mesh(),
        out_type=jax.ShapeDtypeStruct((TP, DIM), jnp.float32),
        scratch_types=[
            pltpu.VMEM((128,), jnp.int32),
            pltpu.VMEM((128, DIM), jnp.float32),
            pltpu.SemaphoreType.DMA,
        ],
    )
    def k(table_hbm, idx_hbm, out_hbm, idx_v, rows_v, sem):
        wid = lax.axis_index("s") * 2 + lax.axis_index("c")
        base = pl.multiple_of(wid * PER_W, 128)

        def body(i, carry):
            off = pl.multiple_of(base + i * 128, 128)
            pltpu.sync_copy(idx_hbm.at[pl.ds(off, 128)], idx_v)
            pltpu.async_copy(table_hbm.at[idx_v], rows_v, sem).wait()
            pltpu.sync_copy(rows_v, out_hbm.at[pl.ds(off, 128)])
            return carry

        lax.fori_loop(0, NCH_G, body, 0)

    return k(table, idx_p)


def _sc_edge_segsum(ea_shift, eidx_p, dst_p):

    @functools.partial(
        pl.kernel, mesh=_mesh(),
        out_type=jax.ShapeDtypeStruct((4, PACK_Q, DIM), jnp.float32),
        scratch_types=[
            pltpu.VMEM((128,), jnp.int32),
            pltpu.VMEM((128,), jnp.int32),
            pltpu.VMEM((1, 128), jnp.int32),
            pltpu.VMEM((128, DIM), jnp.float32),
            pltpu.VMEM((PACK_Z, DIM), jnp.float32),
            pltpu.VMEM_SHARED((PACK_Q, DIM), jnp.float32),
            pltpu.SemaphoreType.DMA,
        ],
    )
    def k(ea_hbm, eidx_hbm, dst_hbm, out_hbm,
          eidx_v, dst_v, idx_v, rows_v, zbuf, acc, sem):
        c = lax.axis_index("c")
        s = lax.axis_index("s")

        def zrow(i, carry):
            def z16(j, carry2):
                zbuf[i, pl.ds(j * 16, 16)] = jnp.zeros((16,), jnp.float32)
                return carry2
            lax.fori_loop(0, 8, z16, 0)
            return carry

        lax.fori_loop(0, PACK_Z, zrow, 0)
        base_e = pl.multiple_of(s * EPT, 128)

        def one_pass(p, carry):
            base_d = (2 * p + c) * QUART
            pltpu.sync_copy(zbuf, acc.at[pl.ds(s * PACK_Z, PACK_Z)])
            plsc.subcore_barrier()

            def body(i, carry2):
                off = pl.multiple_of(base_e + i * 128, 128)
                pltpu.sync_copy(eidx_hbm.at[pl.ds(off, 128)], eidx_v)
                pltpu.sync_copy(dst_hbm.at[pl.ds(off, 128)], dst_v)
                pltpu.async_copy(ea_hbm.at[eidx_v], rows_v, sem).wait()

                def rowidx(j, carry3):
                    d = dst_v[pl.ds(j * 16, 16)]
                    li = d - base_d
                    owned = (li >= 0) & (li < QUART)
                    row = lax.shift_right_logical(
                        jnp.where(owned, li, 8 * DUMP_R), 3)
                    idx_v[0, pl.ds(j * 16, 16)] = row
                    return carry3

                lax.fori_loop(0, 8, rowidx, 0)
                pltpu.sync_copy(rows_v, acc.at[idx_v.at[0]], add=True)
                return carry2

            lax.fori_loop(0, NCH_E, body, 0)
            plsc.subcore_barrier()
            pltpu.sync_copy(acc.at[pl.ds(s * PACK_Z, PACK_Z)],
                            out_hbm.at[2 * p + c, pl.ds(s * PACK_Z, PACK_Z)])
            plsc.subcore_barrier()
            return carry

        lax.fori_loop(0, 2, one_pass, 0)

    return k(ea_shift, eidx_p, dst_p)


def _sc_ctx_scatter(ctx_p, map_p):

    @functools.partial(
        pl.kernel, mesh=_mesh(),
        out_type=jax.ShapeDtypeStruct((2, 4, ACC_C, DIM), jnp.float32),
        scratch_types=[
            pltpu.VMEM((1, 128), jnp.int32),
            pltpu.VMEM((128, DIM), jnp.float32),
            pltpu.VMEM((ZROWS_C, DIM), jnp.float32),
            pltpu.VMEM_SHARED((ACC_C, DIM), jnp.float32),
            pltpu.SemaphoreType.DMA,
        ],
    )
    def k(src_hbm, map_hbm, out_hbm, idx_v, rows_v, zbuf, acc, sem):
        c = lax.axis_index("c")
        s = lax.axis_index("s")

        def zb(i, carry):
            def zb16(j, carry2):
                zbuf[i, pl.ds(j * 16, 16)] = jnp.zeros((16,), jnp.float32)
                return carry2
            lax.fori_loop(0, DIM // 16, zb16, 0)
            return carry

        lax.fori_loop(0, ZROWS_C, zb, 0)
        base = pl.multiple_of((c * 16 + s) * PER_W, 128)

        def one_pass(q, carry):
            base_n = q * NQ
            pltpu.sync_copy(zbuf, acc.at[pl.ds(s * ZROWS_C, ZROWS_C)])
            plsc.subcore_barrier()

            def body(i, carry2):
                off = pl.multiple_of(base + i * 128, 128)
                pltpu.sync_copy(map_hbm.at[pl.ds(off, 128)], idx_v.at[0])
                pltpu.sync_copy(src_hbm.at[pl.ds(off, 128)], rows_v)

                def rowidx(j, carry3):
                    m = idx_v[0, pl.ds(j * 16, 16)]
                    li = m - base_n
                    owned = (li >= 0) & (li < NQ)
                    idx_v[0, pl.ds(j * 16, 16)] = jnp.where(owned, li, NQ)
                    return carry3

                lax.fori_loop(0, 8, rowidx, 0)
                pltpu.sync_copy(rows_v, acc.at[idx_v.at[0]], add=True)
                return carry2

            lax.fori_loop(0, NCH_G, body, 0)
            plsc.subcore_barrier()
            pltpu.sync_copy(acc.at[pl.ds(s * ZROWS_C, ZROWS_C)],
                            out_hbm.at[c, q, pl.ds(s * ZROWS_C, ZROWS_C)])
            plsc.subcore_barrier()
            return carry

        lax.fori_loop(0, 4, one_pass, 0)

    return k(ctx_p, map_p)


def _tc_shift_table(ea):

    def body(x_ref, o_ref):
        x = x_ref[...]
        col = lax.broadcasted_iota(jnp.int32, (DE, DIM), 1)
        row = lax.broadcasted_iota(jnp.int32, (DE, DIM), 0)
        for g in range(8):
            pg = (col == row + g * DE).astype(jnp.float32)
            o_ref[:, g, :] = jnp.dot(x, pg, preferred_element_type=jnp.float32)

    return pl.pallas_call(
        body,
        grid=(160,),
        in_specs=[pl.BlockSpec((1000, DE), lambda i: (i, 0))],
        out_specs=pl.BlockSpec((1000, 8, DIM), lambda i: (i, 0, 0)),
        out_shape=jax.ShapeDtypeStruct((E_ORIG, 8, DIM), jnp.float32),
    )(ea)


def _tc_project(x, wx):
    def body(x_ref, w_ref, o_ref):
        o_ref[...] = jnp.dot(x_ref[...], w_ref[...],
                             preferred_element_type=jnp.float32)

    return pl.pallas_call(
        body,
        grid=(25,),
        in_specs=[pl.BlockSpec((400, DIM), lambda i: (i, 0)),
                  pl.BlockSpec((DIM, DIM), lambda i: (0, 0))],
        out_specs=pl.BlockSpec((400, DIM), lambda i: (i, 0)),
        out_shape=jax.ShapeDtypeStruct((N, DIM), jnp.float32),
    )(x, wx)


G = 8
BR = G * S
NBLK = N // G


def _tc_main(y2, hi1, a2, es, httab, whh,
             ws1, wn1, we1, b1, ws2, wn2, we2, b2,
             wsub, bsub, wctx, bctx, wgs, bgs, wgx, bgx, wgc, bgc):
    f32 = jnp.float32

    def body(y2_ref, hi_ref, a_ref, es_ref, ht_ref, whh_ref,
             ws1_ref, wn1_ref, we1_ref, b1_ref,
             ws2_ref, wn2_ref, we2_ref, b2_ref,
             wsub_ref, bsub_ref, wctx_ref, bctx_ref,
             wgs_ref, bgs_ref, wgx_ref, bgx_ref, wgc_ref, bgc_ref,
             ctx_ref, sub_ref, cen_ref):
        def dot(a, b):
            return jnp.dot(a, b, preferred_element_type=f32)

        hi = hi_ref[...]
        oh = (hi == lax.broadcasted_iota(jnp.int32, (BR, 32), 1)).astype(f32)
        hop = dot(oh, ht_ref[...])
        xc = y2_ref[...] + dot(hop, whh_ref[...])

        a2b = a_ref[...].reshape(BR, S)
        col = lax.broadcasted_iota(jnp.int32, (S, BR), 1)
        rowi = lax.broadcasted_iota(jnp.int32, (S, BR), 0)
        expand = (col % S == rowi).astype(f32)
        r2 = lax.broadcasted_iota(jnp.int32, (BR, BR), 0)
        c2 = lax.broadcasted_iota(jnp.int32, (BR, BR), 1)
        blockmask = (r2 // S == c2 // S).astype(f32)
        bd = dot(a2b, expand) * blockmask

        cnt = jnp.maximum(jnp.sum(a2b, axis=1, keepdims=True), 1.0)
        esn = es_ref[...] / cnt

        for ws, wn, we, b in ((ws1_ref, wn1_ref, we1_ref, b1_ref),
                              (ws2_ref, wn2_ref, we2_ref, b2_ref)):
            sagg = dot(bd, xc) / cnt
            agg = dot(sagg, wn[...]) + dot(esn, we[...])
            xc = jnp.maximum(dot(xc, ws[...]) + agg + b[...], 0.0)

        sub = jnp.maximum(dot(xc, wsub_ref[...]) + bsub_ref[...], 0.0)
        ctx = jnp.maximum(dot(xc, wctx_ref[...]) + bctx_ref[...], 0.0)
        gs = jax.nn.sigmoid(dot(hop, wgs_ref[...]) + bgs_ref[...])
        gx = jax.nn.sigmoid(dot(hop, wgx_ref[...]) + bgx_ref[...])
        ctx_ref[...] = ctx * gx
        subg = sub * gs

        rg = lax.broadcasted_iota(jnp.int32, (G, BR), 0)
        cg = lax.broadcasted_iota(jnp.int32, (G, BR), 1)
        pool = (cg // S == rg).astype(f32) * (1.0 / S)
        pick = (cg == rg * S).astype(f32)
        sub_ref[...] = dot(pool, subg)
        cenx = dot(pick, xc)
        hopc = dot(pick, hop)
        gc = jax.nn.sigmoid(dot(hopc, wgc_ref[...]) + bgc_ref[...])
        cen_ref[...] = cenx * gc

    full = lambda i: (0, 0)
    wspec = pl.BlockSpec((DIM, DIM), full)
    espec = pl.BlockSpec((DE, DIM), full)
    bspec = pl.BlockSpec((1, DIM), full)
    return pl.pallas_call(
        body,
        grid=(NBLK,),
        in_specs=[
            pl.BlockSpec((BR, DIM), lambda i: (i, 0)),
            pl.BlockSpec((BR, 1), lambda i: (i, 0)),
            pl.BlockSpec((BR, S), lambda i: (i, 0)),
            pl.BlockSpec((BR, DE), lambda i: (i, 0)),
            pl.BlockSpec((32, DE), full),
            pl.BlockSpec((DE, DIM), full),
            wspec, wspec, espec, bspec,
            wspec, wspec, espec, bspec,
            wspec, bspec, wspec, bspec,
            espec, bspec, espec, bspec, espec, bspec,
        ],
        out_specs=[
            pl.BlockSpec((BR, DIM), lambda i: (i, 0)),
            pl.BlockSpec((G, DIM), lambda i: (i, 0)),
            pl.BlockSpec((G, DIM), lambda i: (i, 0)),
        ],
        out_shape=[
            jax.ShapeDtypeStruct((T, DIM), jnp.float32),
            jax.ShapeDtypeStruct((N, DIM), jnp.float32),
            jax.ShapeDtypeStruct((N, DIM), jnp.float32),
        ],
    )(y2, hi1, a2, es, httab, whh,
      ws1, wn1, we1, b1, ws2, wn2, we2, b2,
      wsub, bsub, wctx, bctx, wgs, bgs, wgx, bgx, wgc, bgc)


def _tc_final(cen, sub, parts, cm, wo1, wo2, wo3, bo, lng, lnb):
    f32 = jnp.float32

    def body(cen_ref, sub_ref, p_ref, cm_ref,
             w1_ref, w2_ref, w3_ref, bo_ref, g_ref, b_ref, o_ref):
        def dot(a, b):
            return jnp.dot(a, b, preferred_element_type=f32)

        ctxm = (p_ref[0] + p_ref[1]) / jnp.maximum(cm_ref[...], 1.0)
        out = (dot(cen_ref[...], w1_ref[...]) + dot(sub_ref[...], w2_ref[...])
               + dot(ctxm, w3_ref[...]) + bo_ref[...])
        mu = jnp.mean(out, axis=-1, keepdims=True)
        var = jnp.mean((out - mu) ** 2, axis=-1, keepdims=True)
        o_ref[...] = (out - mu) * lax.rsqrt(var + 1e-5) * g_ref[...] + b_ref[...]

    full = lambda i: (0, 0)
    wspec = pl.BlockSpec((DIM, DIM), full)
    bspec = pl.BlockSpec((1, DIM), full)
    return pl.pallas_call(
        body,
        grid=(25,),
        in_specs=[
            pl.BlockSpec((400, DIM), lambda i: (i, 0)),
            pl.BlockSpec((400, DIM), lambda i: (i, 0)),
            pl.BlockSpec((2, 400, DIM), lambda i: (0, i, 0)),
            pl.BlockSpec((400, 1), lambda i: (i, 0)),
            wspec, wspec, wspec, bspec, bspec, bspec,
        ],
        out_specs=pl.BlockSpec((400, DIM), lambda i: (i, 0)),
        out_shape=jax.ShapeDtypeStruct((N, DIM), jnp.float32),
    )(cen, sub, parts, cm, wo1, wo2, wo3, bo, lng, lnb)


def kernel(x, pos, edge_attr, subgraphs_nodes_mapper, subgraphs_edges_mapper,
           combined_subgraphs, subgraphs_batch, hop_indicator, W_hop,
           hop_table, Ws1, Wn1, We1, b1, Ws2, Wn2, We2, b2, W_sub, b_sub,
           W_ctx, b_ctx, Wg_cen, bg_cen, Wg_sub, bg_sub, Wg_ctx, bg_ctx,
           W_out, b_out, ln_g, ln_b):
    f32 = jnp.float32
    mapper = subgraphs_nodes_mapper
    src = combined_subgraphs[0]
    dst = combined_subgraphs[1]

    eg = dst // S
    flat = (eg * S + (dst - eg * S)) * S + (src - (src // S) * S)
    a2 = jnp.zeros((T * S,), f32).at[flat].add(1.0).reshape(T, S)
    cnt_map = jnp.zeros((N,), f32).at[mapper].add(1.0).reshape(N, 1)
    hi1 = (hop_indicator + 1).reshape(T, 1)
    map_g = jnp.concatenate([mapper, jnp.zeros((TP - T,), jnp.int32)])
    eidx = subgraphs_edges_mapper * 8 + (dst & 7)
    eidx_p = jnp.concatenate([eidx, jnp.zeros((EP - E,), jnp.int32)])
    dst_p = jnp.concatenate(
        [dst, jnp.full((EP - E,), -1, jnp.int32)])

    wx = W_hop[:DIM]
    whh = W_hop[DIM:]
    httab = jnp.concatenate([hop_table, jnp.zeros((12, DE), f32)])
    wo1, wo2, wo3 = W_out[:DIM], W_out[DIM:2 * DIM], W_out[2 * DIM:]
    b1r, b2r = b1.reshape(1, DIM), b2.reshape(1, DIM)
    bsub, bctx = b_sub.reshape(1, DIM), b_ctx.reshape(1, DIM)
    bgs, bgx, bgc = (bg_sub.reshape(1, DIM), bg_ctx.reshape(1, DIM),
                     bg_cen.reshape(1, DIM))
    bo, lng, lnb = (b_out.reshape(1, DIM), ln_g.reshape(1, DIM),
                    ln_b.reshape(1, DIM))

    y = _tc_project(x, wx)
    ea_shift = _tc_shift_table(edge_attr).reshape(E_ORIG * 8, DIM)
    y2p = _sc_gather(y, map_g)
    esp = _sc_edge_segsum(ea_shift, eidx_p, dst_p)
    es = jnp.concatenate([esp[0, :QUART // 8], esp[1, :QUART // 8],
                          esp[2, :QUART // 8], esp[3, :QUART // 8]])
    es = es.reshape(T, DE)
    y2 = y2p[:T]
    ctx, sub, cen = _tc_main(
        y2, hi1, a2, es, httab, whh,
        Ws1, Wn1, We1, b1r, Ws2, Wn2, We2, b2r,
        W_sub, bsub, W_ctx, bctx, Wg_sub, bgs,
        Wg_ctx, bgx, Wg_cen, bgc)
    ctx_p = jnp.concatenate([ctx, jnp.zeros((TP - T, DIM), f32)])
    partsq = _sc_ctx_scatter(ctx_p, map_g)
    parts = partsq[:, :, :NQ, :].reshape(2, N, DIM)
    out = _tc_final(cen, sub, parts, cnt_map,
                    wo1, wo2, wo3, bo, lng, lnb)
    return out

# --- scband reference (transcript-rebuilt; emitter-appended) ---
"""Pipeline reference for scband-subgraph-11063835754637 (READ-ONLY COPY).

The authoritative reference and input builder live on the scoring server;
editing this copy changes nothing except your own understanding.
"""

import jax, jax.numpy as jnp
import numpy as np

N_NODES = 10000
SUB_SIZE = 20
T = N_NODES * SUB_SIZE
E_ORIG = 160000
E_C = 320000
D_FEAT = 128
D_EDGE = 16
D_HOP = 16
DIM = 128


def _lin(k, din, dout):
    return (jax.random.normal(k, (din, dout), jnp.float32) * (1.0 / np.sqrt(din))).astype(jnp.float32)


def setup_inputs(seed: int = 0):
    key = jax.random.key(seed)
    ks = jax.random.split(key, 40)
    x = jax.random.normal(ks[0], (N_NODES, D_FEAT), jnp.float32)
    pos = jax.random.normal(ks[1], (N_NODES, 3), jnp.float32)
    edge_attr = jax.random.normal(ks[2], (E_ORIG, D_EDGE), jnp.float32)
    subgraphs_batch = jnp.repeat(jnp.arange(N_NODES, dtype=jnp.int32), SUB_SIZE)
    off = jax.random.randint(ks[3], (N_NODES, SUB_SIZE), 1, N_NODES, dtype=jnp.int32)
    mapper = (jnp.arange(N_NODES, dtype=jnp.int32)[:, None] + off) % N_NODES
    mapper = mapper.at[:, 0].set(jnp.arange(N_NODES, dtype=jnp.int32))
    subgraphs_nodes_mapper = mapper.reshape(-1)
    subgraphs_edges_mapper = jax.random.randint(ks[4], (E_C,), 0, E_ORIG, dtype=jnp.int32)
    eg = jax.random.randint(ks[5], (E_C,), 0, N_NODES, dtype=jnp.int32)
    src = eg * SUB_SIZE + jax.random.randint(ks[6], (E_C,), 0, SUB_SIZE, dtype=jnp.int32)
    dst = eg * SUB_SIZE + jax.random.randint(ks[7], (E_C,), 0, SUB_SIZE, dtype=jnp.int32)
    combined_subgraphs = jnp.stack([src, dst], axis=0)
    hop_indicator = jax.random.randint(ks[8], (T,), 0, 19, dtype=jnp.int32)
    inp = dict(x=x, pos=pos, edge_attr=edge_attr,
               subgraphs_nodes_mapper=subgraphs_nodes_mapper,
               subgraphs_edges_mapper=subgraphs_edges_mapper,
               combined_subgraphs=combined_subgraphs,
               subgraphs_batch=subgraphs_batch,
               hop_indicator=hop_indicator)
    inp.update(dict(
        W_hop=_lin(ks[9], D_FEAT + D_HOP, DIM),
        hop_table=jax.random.normal(ks[10], (20, D_HOP), jnp.float32) * 0.02,
        Ws1=_lin(ks[11], DIM, DIM), Wn1=_lin(ks[12], DIM, DIM), We1=_lin(ks[13], D_EDGE, DIM), b1=jnp.zeros((DIM,), jnp.float32),
        Ws2=_lin(ks[14], DIM, DIM), Wn2=_lin(ks[15], DIM, DIM), We2=_lin(ks[16], D_EDGE, DIM), b2=jnp.zeros((DIM,), jnp.float32),
        W_sub=_lin(ks[17], DIM, DIM), b_sub=jnp.zeros((DIM,), jnp.float32),
        W_ctx=_lin(ks[18], DIM, DIM), b_ctx=jnp.zeros((DIM,), jnp.float32),
        Wg_cen=_lin(ks[19], D_HOP, DIM), bg_cen=jnp.zeros((DIM,), jnp.float32),
        Wg_sub=_lin(ks[20], D_HOP, DIM), bg_sub=jnp.zeros((DIM,), jnp.float32),
        Wg_ctx=_lin(ks[21], D_HOP, DIM), bg_ctx=jnp.zeros((DIM,), jnp.float32),
        W_out=_lin(ks[22], 3 * DIM, DIM), b_out=jnp.zeros((DIM,), jnp.float32),
        ln_g=jnp.ones((DIM,), jnp.float32), ln_b=jnp.zeros((DIM,), jnp.float32),
    ))
    return inp


def _segment_mean(data, seg, num):
    s = jax.ops.segment_sum(data, seg, num_segments=num)
    c = jax.ops.segment_sum(jnp.ones((data.shape[0], 1), data.dtype), seg, num_segments=num)
    return s / jnp.maximum(c, 1.0)


def reference(x, pos, edge_attr, subgraphs_nodes_mapper, subgraphs_edges_mapper, combined_subgraphs, subgraphs_batch, hop_indicator, W_hop, hop_table, Ws1, Wn1, We1, b1, Ws2, Wn2, We2, b2, W_sub, b_sub, W_ctx, b_ctx, Wg_cen, bg_cen, Wg_sub, bg_sub, Wg_ctx, bg_ctx, W_out, b_out, ln_g, ln_b):
    n_nodes = x.shape[0]
    mapper = subgraphs_nodes_mapper
    batch = subgraphs_batch
    xc = jnp.take(x, mapper, axis=0)
    _coords = jnp.take(pos, mapper, axis=0)  # data.pos gather; unused on dynamic path
    ea = jnp.take(edge_attr, subgraphs_edges_mapper, axis=0)
    src, dst = combined_subgraphs[0], combined_subgraphs[1]
    hop = jnp.take(hop_table, hop_indicator + 1, axis=0)
    xc = jnp.concatenate([xc, hop], axis=-1) @ W_hop
    t = xc.shape[0]
    for (Ws, Wn, We, b) in ((Ws1, Wn1, We1, b1), (Ws2, Wn2, We2, b2)):
        msg = jnp.take(xc, src, axis=0) @ Wn + ea @ We
        agg = _segment_mean(msg, dst, t)
        xc = jax.nn.relu(xc @ Ws + agg + b)
    cen_idx = jnp.nonzero(mapper == batch, size=n_nodes)[0]
    centroid_x = jnp.take(xc, cen_idx, axis=0)
    subgraph_x = jax.nn.relu(xc @ W_sub + b_sub)
    context_x = jax.nn.relu(xc @ W_ctx + b_ctx)
    centroid_x = centroid_x * jax.nn.sigmoid(jnp.take(hop, cen_idx, axis=0) @ Wg_cen + bg_cen)
    subgraph_x = subgraph_x * jax.nn.sigmoid(hop @ Wg_sub + bg_sub)
    context_x = context_x * jax.nn.sigmoid(hop @ Wg_ctx + bg_ctx)
    subgraph_x = _segment_mean(subgraph_x, batch, n_nodes)
    context_x = _segment_mean(context_x, mapper, n_nodes)
    out = jnp.concatenate([centroid_x, subgraph_x, context_x], axis=-1) @ W_out + b_out
    mu = jnp.mean(out, axis=-1, keepdims=True)
    var = jnp.var(out, axis=-1, keepdims=True)
    out = (out - mu) / jnp.sqrt(var + 1e-5) * ln_g + ln_b
    return out

if __name__ == "__main__":
    import jax
    _d = setup_inputs()
    print(jax.jit(kernel)(*tuple(_d.values())))

</pallas_src>

<mosaic_0001>
#map = affine_map<(d0, d1) -> (0, 0)>
#map1 = affine_map<(d0, d1) -> (0)>
module attributes {stable_mosaic.version = 14 : i64} {
  func.func @k(%arg0: i32, %arg1: i32, %arg2: memref<10000x128xf32, #tpu.memory_space<hbm>>, %arg3: memref<200704xi32, #tpu.memory_space<hbm>>, %arg4: memref<200704x128xf32, #tpu.memory_space<hbm>>, %arg5: memref<128xi32, #tpu.memory_space<vmem>>, %arg6: memref<128x128xf32, #tpu.memory_space<vmem>>, %arg7: memref<!tpu.dma_semaphore, #tpu.memory_space<semaphore_mem>>) attributes {dimension_semantics = [#tpu.dimension_semantics<core_parallel>, #tpu.dimension_semantics<subcore_parallel>], iteration_bounds = array<i64: 2, 16>, scalar_prefetch = 0 : i64, scratch_operands = 3 : i64, tpu.core_type = #tpu.core_type<sc_vector_subcore>, window_params = [{transform_indices = #map}, {transform_indices = #map1}, {transform_indices = #map}]} {
    %mul3A = arith.constant 2 : i32
    %mul3A_0 = arith.muli %arg1, %mul3A : i32
    %add3A = arith.addi %mul3A_0, %arg0 : i32
    %mul3A_1 = arith.constant 6272 : i32
    %mul3A_2 = arith.muli %add3A, %mul3A_1 : i32
    %multiple_of3A = tpu.assume_multiple %mul3A_2, 128 : i32
    %scan3A = arith.constant 0 : i32
    %scan3A_3 = arith.constant 0 : i32
    %scan3A_4 = arith.constant 49 : i32
    %scan3A_5 = arith.addi %scan3A_3, %scan3A_4 : i32
    %scan3A_6 = arith.constant 1 : i32
    scf.for %scan3A_8 = %scan3A_3 to %scan3A_5 step %scan3A_6  : i32 {
      %mul3A_9 = arith.constant 128 : i32
      %mul3A_10 = arith.muli %scan3A_8, %mul3A_9 : i32
      %add3A_11 = arith.addi %multiple_of3A, %mul3A_10 : i32
      %multiple_of3A_12 = tpu.assume_multiple %add3A_11, 128 : i32
      "tpu.region"() ({
        %run_scoped3A = tpu.sem_alloc : memref<!tpu.dma_semaphore, #tpu.memory_space<semaphore_mem>>
        %dma_start3A_17 = tpu.memref_slice %arg3[%multiple_of3A_12] : memref<200704xi32, #tpu.memory_space<hbm>> -> memref<128xi32, #tpu.memory_space<hbm>>
        %dma_start3A_18 = tpu.memref_slice %arg3[%multiple_of3A_12] : memref<200704xi32, #tpu.memory_space<hbm>> -> memref<128xi32, #tpu.memory_space<hbm>>
        tpu.enqueue_dma source(%dma_start3A_18 : memref<128xi32, #tpu.memory_space<hbm>>) target(%arg5 : memref<128xi32, #tpu.memory_space<vmem>>) target_semaphore(%run_scoped3A : memref<!tpu.dma_semaphore, #tpu.memory_space<semaphore_mem>>)
        %dma_wait3A_19 = tpu.memref_slice %arg3[%multiple_of3A_12] : memref<200704xi32, #tpu.memory_space<hbm>> -> memref<128xi32, #tpu.memory_space<hbm>>
        %dma_wait3A_20 = tpu.memref_slice %arg3[%multiple_of3A_12] : memref<200704xi32, #tpu.memory_space<hbm>> -> memref<128xi32, #tpu.memory_space<hbm>>
        tpu.wait_dma2 semaphore(%run_scoped3A : memref<!tpu.dma_semaphore, #tpu.memory_space<semaphore_mem>>) src(%dma_wait3A_20 : memref<128xi32, #tpu.memory_space<hbm>>) dst(%arg5 : memref<128xi32, #tpu.memory_space<vmem>>)
        tpu.yield
      }) : () -> ()
      %dma_start3A = arith.constant 0 : i32
      %dma_start3A_13 = arith.constant 0 : i32
      %dma_start3A_14 = tpu.memref_slice %arg2[%dma_start3A, %dma_start3A_13] : memref<10000x128xf32, #tpu.memory_space<hbm>> -> memref<10000x128xf32, #tpu.memory_space<hbm>>
      tpu.enqueue_indirect_dma source(%dma_start3A_14 : memref<10000x128xf32, #tpu.memory_space<hbm>>) target(%arg6 : memref<128x128xf32, #tpu.memory_space<vmem>>) offsets(%arg5 : memref<128xi32, #tpu.memory_space<vmem>>) semaphore(%arg7 : memref<!tpu.dma_semaphore, #tpu.memory_space<semaphore_mem>>)
      %dma_wait3A = arith.constant 0 : i32
      %dma_wait3A_15 = arith.constant 0 : i32
      %dma_wait3A_16 = tpu.memref_slice %arg2[%dma_wait3A, %dma_wait3A_15] : memref<10000x128xf32, #tpu.memory_space<hbm>> -> memref<10000x128xf32, #tpu.memory_space<hbm>>
      tpu.wait_indirect_dma semaphore(%arg7 : memref<!tpu.dma_semaphore, #tpu.memory_space<semaphore_mem>>) src(%dma_wait3A_16 : memref<10000x128xf32, #tpu.memory_space<hbm>>) dst(%arg6 : memref<128x128xf32, #tpu.memory_space<vmem>>)
      "tpu.region"() ({
        %run_scoped3A = tpu.sem_alloc : memref<!tpu.dma_semaphore, #tpu.memory_space<semaphore_mem>>
        %dma_start3A_17 = arith.constant 0 : i32
        %dma_start3A_18 = tpu.memref_slice %arg4[%multiple_of3A_12, %dma_start3A_17] : memref<200704x128xf32, #tpu.memory_space<hbm>> -> memref<128x128xf32, #tpu.memory_space<hbm>>
        %dma_start3A_19 = arith.constant 0 : i32
        %dma_start3A_20 = tpu.memref_slice %arg4[%multiple_of3A_12, %dma_start3A_19] : memref<200704x128xf32, #tpu.memory_space<hbm>> -> memref<128x128xf32, #tpu.memory_space<hbm>>
        tpu.enqueue_dma source(%arg6 : memref<128x128xf32, #tpu.memory_space<vmem>>) target(%dma_start3A_20 : memref<128x128xf32, #tpu.memory_space<hbm>>) target_semaphore(%run_scoped3A : memref<!tpu.dma_semaphore, #tpu.memory_space<semaphore_mem>>)
        %dma_wait3A_21 = arith.constant 0 : i32
        %dma_wait3A_22 = tpu.memref_slice %arg4[%multiple_of3A_12, %dma_wait3A_21] : memref<200704x128xf32, #tpu.memory_space<hbm>> -> memref<128x128xf32, #tpu.memory_space<hbm>>
        %dma_wait3A_23 = arith.constant 0 : i32
        %dma_wait3A_24 = tpu.memref_slice %arg4[%multiple_of3A_12, %dma_wait3A_23] : memref<200704x128xf32, #tpu.memory_space<hbm>> -> memref<128x128xf32, #tpu.memory_space<hbm>>
        tpu.wait_dma2 semaphore(%run_scoped3A : memref<!tpu.dma_semaphore, #tpu.memory_space<semaphore_mem>>) src(%arg6 : memref<128x128xf32, #tpu.memory_space<vmem>>) dst(%dma_wait3A_24 : memref<128x128xf32, #tpu.memory_space<hbm>>)
        tpu.yield
      }) : () -> ()
    }
    %scan3A_7 = arith.constant 49 : i32
    return
  }
}

#map = affine_map<(d0, d1) -> (0, 0)>
#map1 = affine_map<(d0, d1) -> (0)>
#map2 = affine_map<(d0, d1) -> (0, 0, 0)>
module attributes {stable_mosaic.version = 14 : i64} {
  func.func @k(%arg0: i32, %arg1: i32, %arg2: memref<1280000x128xf32, #tpu.memory_space<hbm>>, %arg3: memref<321536xi32, #tpu.memory_space<hbm>>, %arg4: memref<321536xi32, #tpu.memory_space<hbm>>, %arg5: memref<4x6272x128xf32, #tpu.memory_space<hbm>>, %arg6: memref<128xi32, #tpu.memory_space<vmem>>, %arg7: memref<128xi32, #tpu.memory_space<vmem>>, %arg8: memref<1x128xi32, #tpu.memory_space<vmem>>, %arg9: memref<128x128xf32, #tpu.memory_space<vmem>>, %arg10: memref<392x128xf32, #tpu.memory_space<vmem>>, %arg11: memref<6272x128xf32, #tpu.memory_space<vmem_shared>>, %arg12: memref<!tpu.dma_semaphore, #tpu.memory_space<semaphore_mem>>) attributes {dimension_semantics = [#tpu.dimension_semantics<core_parallel>, #tpu.dimension_semantics<subcore_parallel>], iteration_bounds = array<i64: 2, 16>, scalar_prefetch = 0 : i64, scratch_operands = 7 : i64, tpu.core_type = #tpu.core_type<sc_vector_subcore>, window_params = [{transform_indices = #map}, {transform_indices = #map1}, {transform_indices = #map1}, {transform_indices = #map2}]} {
    %scan3A = arith.constant 0 : i32
    %scan3A_0 = arith.constant 0 : i32
    %scan3A_1 = arith.constant 392 : i32
    %scan3A_2 = arith.addi %scan3A_0, %scan3A_1 : i32
    %scan3A_3 = arith.constant 1 : i32
    scf.for %scan3A_12 = %scan3A_0 to %scan3A_2 step %scan3A_3  : i32 {
      %scan3A_13 = arith.constant 0 : i32
      %scan3A_14 = arith.constant 0 : i32
      %scan3A_15 = arith.constant 8 : i32
      %scan3A_16 = arith.addi %scan3A_14, %scan3A_15 : i32
      %scan3A_17 = arith.constant 1 : i32
      scf.for %scan3A_19 = %scan3A_14 to %scan3A_16 step %scan3A_17  : i32 {
        %broadcast_in_dim3A = arith.constant 0.000000e+00 : f32
        %broadcast_in_dim3A_20 = vector.broadcast %broadcast_in_dim3A : f32 to vector<16xf32>
        %mul3A_21 = arith.constant 16 : i32
        %mul3A_22 = arith.muli %scan3A_19, %mul3A_21 : i32
        %swap3A = arith.index_cast %scan3A_12 : i32 to index
        %swap3A_23 = arith.index_cast %mul3A_22 : i32 to index
        %swap3A_24 = tpu.vector_load %arg10[%swap3A, %swap3A_23] {strides = array<i32>} : memref<392x128xf32, #tpu.memory_space<vmem>>, vector<1x16xf32>,
        %swap3A_25 = vector.shape_cast %swap3A_24 : vector<1x16xf32> to vector<16xf32>
        %swap3A_26 = vector.shape_cast %broadcast_in_dim3A_20 : vector<16xf32> to vector<1x16xf32>
        tpu.vector_store %arg10[%swap3A, %swap3A_23], %swap3A_26 {strides = array<i32>} : memref<392x128xf32, #tpu.memory_space<vmem>>, vector<1x16xf32>,
      }
      %scan3A_18 = arith.constant 8 : i32
    }
    %scan3A_4 = arith.constant 392 : i32
    %mul3A = arith.constant 20096 : i32
    %mul3A_5 = arith.muli %arg1, %mul3A : i32
    %multiple_of3A = tpu.assume_multiple %mul3A_5, 128 : i32
    %scan3A_6 = arith.constant 0 : i32
    %scan3A_7 = arith.constant 0 : i32
    %scan3A_8 = arith.constant 2 : i32
    %scan3A_9 = arith.addi %scan3A_7, %scan3A_8 : i32
    %scan3A_10 = arith.constant 1 : i32
    scf.for %scan3A_12 = %scan3A_7 to %scan3A_9 step %scan3A_10  : i32 {
      %mul3A_13 = arith.constant 2 : i32
      %mul3A_14 = arith.muli %mul3A_13, %scan3A_12 : i32
      %add3A = arith.addi %mul3A_14, %arg0 : i32
      %mul3A_15 = arith.constant 50000 : i32
      %mul3A_16 = arith.muli %add3A, %mul3A_15 : i32
      %mul3A_17 = arith.constant 392 : i32
      %mul3A_18 = arith.muli %arg1, %mul3A_17 : i32
      "tpu.region"() ({
        %run_scoped3A = tpu.sem_alloc : memref<!tpu.dma_semaphore, #tpu.memory_space<semaphore_mem>>
        %dma_start3A = arith.constant 0 : i32
        %dma_start3A_34 = tpu.memref_slice %arg11[%mul3A_18, %dma_start3A] : memref<6272x128xf32, #tpu.memory_space<vmem_shared>> -> memref<392x128xf32, #tpu.memory_space<vmem_shared>>
        %dma_start3A_35 = arith.constant 0 : i32
        %dma_start3A_36 = tpu.memref_slice %arg11[%mul3A_18, %dma_start3A_35] : memref<6272x128xf32, #tpu.memory_space<vmem_shared>> -> memref<392x128xf32, #tpu.memory_space<vmem_shared>>
        tpu.enqueue_dma source(%arg10 : memref<392x128xf32, #tpu.memory_space<vmem>>) target(%dma_start3A_36 : memref<392x128xf32, #tpu.memory_space<vmem_shared>>) target_semaphore(%run_scoped3A : memref<!tpu.dma_semaphore, #tpu.memory_space<semaphore_mem>>)
        %dma_wait3A = arith.constant 0 : i32
        %dma_wait3A_37 = tpu.memref_slice %arg11[%mul3A_18, %dma_wait3A] : memref<6272x128xf32, #tpu.memory_space<vmem_shared>> -> memref<392x128xf32, #tpu.memory_space<vmem_shared>>
        %dma_wait3A_38 = arith.constant 0 : i32
        %dma_wait3A_39 = tpu.memref_slice %arg11[%mul3A_18, %dma_wait3A_38] : memref<6272x128xf32, #tpu.memory_space<vmem_shared>> -> memref<392x128xf32, #tpu.memory_space<vmem_shared>>
        tpu.wait_dma2 semaphore(%run_scoped3A : memref<!tpu.dma_semaphore, #tpu.memory_space<semaphore_mem>>) src(%arg10 : memref<392x128xf32, #tpu.memory_space<vmem>>) dst(%dma_wait3A_39 : memref<392x128xf32, #tpu.memory_space<vmem_shared>>)
        tpu.yield
      }) : () -> ()
      %barrier3A = arith.constant 0 : index
      tpu.barrier barrier_id(%barrier3A)
      %scan3A_19 = arith.constant 0 : i32
      %scan3A_20 = arith.constant 0 : i32
      %scan3A_21 = arith.constant 157 : i32
      %scan3A_22 = arith.addi %scan3A_20, %scan3A_21 : i32
      %scan3A_23 = arith.constant 1 : i32
      scf.for %scan3A_34 = %scan3A_20 to %scan3A_22 step %scan3A_23  : i32 {
        %mul3A_35 = arith.constant 128 : i32
        %mul3A_36 = arith.muli %scan3A_34, %mul3A_35 : i32
        %add3A_37 = arith.addi %multiple_of3A, %mul3A_36 : i32
        %multiple_of3A_38 = tpu.assume_multiple %add3A_37, 128 : i32
        "tpu.region"() ({
          %run_scoped3A_49 = tpu.sem_alloc : memref<!tpu.dma_semaphore, #tpu.memory_space<semaphore_mem>>
          %dma_start3A_50 = tpu.memref_slice %arg3[%multiple_of3A_38] : memref<321536xi32, #tpu.memory_space<hbm>> -> memref<128xi32, #tpu.memory_space<hbm>>
          %dma_start3A_51 = tpu.memref_slice %arg3[%multiple_of3A_38] : memref<321536xi32, #tpu.memory_space<hbm>> -> memref<128xi32, #tpu.memory_space<hbm>>
          tpu.enqueue_dma source(%dma_start3A_51 : memref<128xi32, #tpu.memory_space<hbm>>) target(%arg6 : memref<128xi32, #tpu.memory_space<vmem>>) target_semaphore(%run_scoped3A_49 : memref<!tpu.dma_semaphore, #tpu.memory_space<semaphore_mem>>)
          %dma_wait3A_52 = tpu.memref_slice %arg3[%multiple_of3A_38] : memref<321536xi32, #tpu.memory_space<hbm>> -> memref<128xi32, #tpu.memory_space<hbm>>
          %dma_wait3A_53 = tpu.memref_slice %arg3[%multiple_of3A_38] : memref<321536xi32, #tpu.memory_space<hbm>> -> memref<128xi32, #tpu.memory_space<hbm>>
          tpu.wait_dma2 semaphore(%run_scoped3A_49 : memref<!tpu.dma_semaphore, #tpu.memory_space<semaphore_mem>>) src(%dma_wait3A_53 : memref<128xi32, #tpu.memory_space<hbm>>) dst(%arg6 : memref<128xi32, #tpu.memory_space<vmem>>)
          tpu.yield
        }) : () -> ()
        "tpu.region"() ({
          %run_scoped3A_49 = tpu.sem_alloc : memref<!tpu.dma_semaphore, #tpu.memory_space<semaphore_mem>>
          %dma_start3A_50 = tpu.memref_slice %arg4[%multiple_of3A_38] : memref<321536xi32, #tpu.memory_space<hbm>> -> memref<128xi32, #tpu.memory_space<hbm>>
          %dma_start3A_51 = tpu.memref_slice %arg4[%multiple_of3A_38] : memref<321536xi32, #tpu.memory_space<hbm>> -> memref<128xi32, #tpu.memory_space<hbm>>
          tpu.enqueue_dma source(%dma_start3A_51 : memref<128xi32, #tpu.memory_space<hbm>>) target(%arg7 : memref<128xi32, #tpu.memory_space<vmem>>) target_semaphore(%run_scoped3A_49 : memref<!tpu.dma_semaphore, #tpu.memory_space<semaphore_mem>>)
          %dma_wait3A_52 = tpu.memref_slice %arg4[%multiple_of3A_38] : memref<321536xi32, #tpu.memory_space<hbm>> -> memref<128xi32, #tpu.memory_space<hbm>>
          %dma_wait3A_53 = tpu.memref_slice %arg4[%multiple_of3A_38] : memref<321536xi32, #tpu.memory_space<hbm>> -> memref<128xi32, #tpu.memory_space<hbm>>
          tpu.wait_dma2 semaphore(%run_scoped3A_49 : memref<!tpu.dma_semaphore, #tpu.memory_space<semaphore_mem>>) src(%dma_wait3A_53 : memref<128xi32, #tpu.memory_space<hbm>>) dst(%arg7 : memref<128xi32, #tpu.memory_space<vmem>>)
          tpu.yield
        }) : () -> ()
        %dma_start3A = arith.constant 0 : i32
        %dma_start3A_39 = arith.constant 0 : i32
        %dma_start3A_40 = tpu.memref_slice %arg2[%dma_start3A, %dma_start3A_39] : memref<1280000x128xf32, #tpu.memory_space<hbm>> -> memref<1280000x128xf32, #tpu.memory_space<hbm>>
        tpu.enqueue_indirect_dma source(%dma_start3A_40 : memref<1280000x128xf32, #tpu.memory_space<hbm>>) target(%arg9 : memref<128x128xf32, #tpu.memory_space<vmem>>) offsets(%arg6 : memref<128xi32, #tpu.memory_space<vmem>>) semaphore(%arg12 : memref<!tpu.dma_semaphore, #tpu.memory_space<semaphore_mem>>)
        %dma_wait3A = arith.constant 0 : i32
        %dma_wait3A_41 = arith.constant 0 : i32
        %dma_wait3A_42 = tpu.memref_slice %arg2[%dma_wait3A, %dma_wait3A_41] : memref<1280000x128xf32, #tpu.memory_space<hbm>> -> memref<1280000x128xf32, #tpu.memory_space<hbm>>
        tpu.wait_indirect_dma semaphore(%arg12 : memref<!tpu.dma_semaphore, #tpu.memory_space<semaphore_mem>>) src(%dma_wait3A_42 : memref<1280000x128xf32, #tpu.memory_space<hbm>>) dst(%arg9 : memref<128x128xf32, #tpu.memory_space<vmem>>)
        %scan3A_43 = arith.constant 0 : i32
        %scan3A_44 = arith.constant 0 : i32
        %scan3A_45 = arith.constant 8 : i32
        %scan3A_46 = arith.addi %scan3A_44, %scan3A_45 : i32
        %scan3A_47 = arith.constant 1 : i32
        scf.for %scan3A_49 = %scan3A_44 to %scan3A_46 step %scan3A_47  : i32 {
          %mul3A_50 = arith.constant 16 : i32
          %mul3A_51 = arith.muli %scan3A_49, %mul3A_50 : i32
          %get3A = arith.index_cast %mul3A_51 : i32 to index
          %get3A_52 = tpu.vector_load %arg7[%get3A] {strides = array<i32>} : memref<128xi32, #tpu.memory_space<vmem>>, vector<16xi32>,
          %get3A_53 = vector.shape_cast %get3A_52 : vector<16xi32> to vector<16xi32>
          %sub3A = vector.broadcast %mul3A_16 : i32 to vector<16xi32>
          %sub3A_54 = arith.subi %get3A_53, %sub3A : vector<16xi32>
          %ge3A = arith.constant 0 : i32
          %ge3A_55 = vector.broadcast %ge3A : i32 to vector<16xi32>
          %ge3A_56 = arith.cmpi sge, %sub3A_54, %ge3A_55 : vector<16xi32>
          %lt3A = arith.constant 50000 : i32
          %lt3A_57 = vector.broadcast %lt3A : i32 to vector<16xi32>
          %lt3A_58 = arith.cmpi slt, %sub3A_54, %lt3A_57 : vector<16xi32>
          %and3A = arith.andi %ge3A_56, %lt3A_58 : vector<16xi1>
          %jit3A = arith.constant 50000 : i32
          %broadcast_in_dim3A = vector.broadcast %jit3A : i32 to vector<16xi32>
          %select_n3A = arith.select %and3A, %sub3A_54, %broadcast_in_dim3A : vector<16xi1>, vector<16xi32>
          %shift_right_logical3A = arith.constant 3 : i32
          %shift_right_logical3A_59 = vector.broadcast %shift_right_logical3A : i32 to vector<16xi32>
          %shift_right_logical3A_60 = arith.shrui %select_n3A, %shift_right_logical3A_59 : vector<16xi32>
          %mul3A_61 = arith.constant 16 : i32
          %mul3A_62 = arith.muli %scan3A_49, %mul3A_61 : i32
          %swap3A = arith.constant 0 : i32
          %swap3A_63 = arith.index_cast %swap3A : i32 to index
          %swap3A_64 = arith.index_cast %mul3A_62 : i32 to index
          %swap3A_65 = tpu.vector_load %arg8[%swap3A_63, %swap3A_64] {strides = array<i32>} : memref<1x128xi32, #tpu.memory_space<vmem>>, vector<1x16xi32>,
          %swap3A_66 = vector.shape_cast %swap3A_65 : vector<1x16xi32> to vector<16xi32>
          %swap3A_67 = vector.shape_cast %shift_right_logical3A_60 : vector<16xi32> to vector<1x16xi32>
          tpu.vector_store %arg8[%swap3A_63, %swap3A_64], %swap3A_67 {strides = array<i32>} : memref<1x128xi32, #tpu.memory_space<vmem>>, vector<1x16xi32>,
        }
        %scan3A_48 = arith.constant 8 : i32
        %run_scoped3A = arith.constant 0 : i32
        "tpu.region"() ({
          %run_scoped3A_49 = tpu.sem_alloc : memref<!tpu.dma_semaphore, #tpu.memory_space<semaphore_mem>>
          %dma_start3A_50 = arith.constant 0 : i32
          %dma_start3A_51 = tpu.memref_slice %arg8[%run_scoped3A, %dma_start3A_50] : memref<1x128xi32, #tpu.memory_space<vmem>> -> memref<1x128xi32, #tpu.memory_space<vmem>>
          %dma_start3A_52 = tpu.memref_squeeze %dma_start3A_51 : memref<1x128xi32, #tpu.memory_space<vmem>> -> memref<128xi32, #tpu.memory_space<vmem>>
          %dma_start3A_53 = arith.constant 0 : i32
          %dma_start3A_54 = arith.constant 0 : i32
          %dma_start3A_55 = tpu.memref_slice %arg11[%dma_start3A_53, %dma_start3A_54] : memref<6272x128xf32, #tpu.memory_space<vmem_shared>> -> memref<6272x128xf32, #tpu.memory_space<vmem_shared>>
          tpu.enqueue_indirect_dma source(%arg9 : memref<128x128xf32, #tpu.memory_space<vmem>>) target(%dma_start3A_55 : memref<6272x128xf32, #tpu.memory_space<vmem_shared>>) offsets(%dma_start3A_52 : memref<128xi32, #tpu.memory_space<vmem>>) semaphore(%run_scoped3A_49 : memref<!tpu.dma_semaphore, #tpu.memory_space<semaphore_mem>>) {add = true}
          %dma_wait3A_56 = arith.constant 0 : i32
          %dma_wait3A_57 = tpu.memref_slice %arg8[%run_scoped3A, %dma_wait3A_56] : memref<1x128xi32, #tpu.memory_space<vmem>> -> memref<1x128xi32, #tpu.memory_space<vmem>>
          %dma_wait3A_58 = tpu.memref_squeeze %dma_wait3A_57 : memref<1x128xi32, #tpu.memory_space<vmem>> -> memref<128xi32, #tpu.memory_space<vmem>>
          %dma_wait3A_59 = arith.constant 0 : i32
          %dma_wait3A_60 = arith.constant 0 : i32
          %dma_wait3A_61 = tpu.memref_slice %arg11[%dma_wait3A_59, %dma_wait3A_60] : memref<6272x128xf32, #tpu.memory_space<vmem_shared>> -> memref<6272x128xf32, #tpu.memory_space<vmem_shared>>
          tpu.wait_indirect_dma semaphore(%run_scoped3A_49 : memref<!tpu.dma_semaphore, #tpu.memory_space<semaphore_mem>>) src(%arg9 : memref<128x128xf32, #tpu.memory_space<vmem>>) dst(%dma_wait3A_61 : memref<6272x128xf32, #tpu.memory_space<vmem_shared>>)
          tpu.yield
        }) : () -> ()
      }
      %scan3A_24 = arith.constant 157 : i32
      %barrier3A_25 = arith.constant 0 : index
      tpu.barrier barrier_id(%barrier3A_25)
      %mul3A_26 = arith.constant 392 : i32
      %mul3A_27 = arith.muli %arg1, %mul3A_26 : i32
      %mul3A_28 = arith.constant 2 : i32
      %mul3A_29 = arith.muli %mul3A_28, %scan3A_12 : i32
      %add3A_30 = arith.addi %mul3A_29, %arg0 : i32
      %mul3A_31 = arith.constant 392 : i32
      %mul3A_32 = arith.muli %arg1, %mul3A_31 : i32
      "tpu.region"() ({
        %run_scoped3A = tpu.sem_alloc : memref<!tpu.dma_semaphore, #tpu.memory_space<semaphore_mem>>
        %dma_start3A = arith.constant 0 : i32
        %dma_start3A_34 = tpu.memref_slice %arg5[%add3A_30, %mul3A_32, %dma_start3A] : memref<4x6272x128xf32, #tpu.memory_space<hbm>> -> memref<1x392x128xf32, #tpu.memory_space<hbm>>
        %dma_start3A_35 = tpu.memref_squeeze %dma_start3A_34 : memref<1x392x128xf32, #tpu.memory_space<hbm>> -> memref<392x128xf32, #tpu.memory_space<hbm>>
        %dma_start3A_36 = arith.constant 0 : i32
        %dma_start3A_37 = tpu.memref_slice %arg11[%mul3A_27, %dma_start3A_36] : memref<6272x128xf32, #tpu.memory_space<vmem_shared>> -> memref<392x128xf32, #tpu.memory_space<vmem_shared>>
        tpu.enqueue_dma source(%dma_start3A_37 : memref<392x128xf32, #tpu.memory_space<vmem_shared>>) target(%dma_start3A_35 : memref<392x128xf32, #tpu.memory_space<hbm>>) target_semaphore(%run_scoped3A : memref<!tpu.dma_semaphore, #tpu.memory_space<semaphore_mem>>)
        %dma_wait3A = arith.constant 0 : i32
        %dma_wait3A_38 = tpu.memref_slice %arg5[%add3A_30, %mul3A_32, %dma_wait3A] : memref<4x6272x128xf32, #tpu.memory_space<hbm>> -> memref<1x392x128xf32, #tpu.memory_space<hbm>>
        %dma_wait3A_39 = tpu.memref_squeeze %dma_wait3A_38 : memref<1x392x128xf32, #tpu.memory_space<hbm>> -> memref<392x128xf32, #tpu.memory_space<hbm>>
        %dma_wait3A_40 = arith.constant 0 : i32
        %dma_wait3A_41 = tpu.memref_slice %arg11[%mul3A_27, %dma_wait3A_40] : memref<6272x128xf32, #tpu.memory_space<vmem_shared>> -> memref<392x128xf32, #tpu.memory_space<vmem_shared>>
        tpu.wait_dma2 semaphore(%run_scoped3A : memref<!tpu.dma_semaphore, #tpu.memory_space<semaphore_mem>>) src(%dma_wait3A_41 : memref<392x128xf32, #tpu.memory_space<vmem_shared>>) dst(%dma_wait3A_39 : memref<392x128xf32, #tpu.memory_space<hbm>>)
        tpu.yield
      }) : () -> ()
      %barrier3A_33 = arith.constant 0 : index
      tpu.barrier barrier_id(%barrier3A_33)
    }
    %scan3A_11 = arith.constant 2 : i32
    return
  }
}

#map = affine_map<(d0, d1) -> (0, 0)>
#map1 = affine_map<(d0, d1) -> (0)>
#map2 = affine_map<(d0, d1) -> (0, 0, 0, 0)>
module attributes {stable_mosaic.version = 14 : i64} {
  func.func @k(%arg0: i32, %arg1: i32, %arg2: memref<200704x128xf32, #tpu.memory_space<hbm>>, %arg3: memref<200704xi32, #tpu.memory_space<hbm>>, %arg4: memref<2x4x2560x128xf32, #tpu.memory_space<hbm>>, %arg5: memref<1x128xi32, #tpu.memory_space<vmem>>, %arg6: memref<128x128xf32, #tpu.memory_space<vmem>>, %arg7: memref<160x128xf32, #tpu.memory_space<vmem>>, %arg8: memref<2560x128xf32, #tpu.memory_space<vmem_shared>>, %arg9: memref<!tpu.dma_semaphore, #tpu.memory_space<semaphore_mem>>) attributes {dimension_semantics = [#tpu.dimension_semantics<core_parallel>, #tpu.dimension_semantics<subcore_parallel>], iteration_bounds = array<i64: 2, 16>, scalar_prefetch = 0 : i64, scratch_operands = 5 : i64, tpu.core_type = #tpu.core_type<sc_vector_subcore>, window_params = [{transform_indices = #map}, {transform_indices = #map1}, {transform_indices = #map2}]} {
    %scan3A = arith.constant 0 : i32
    %scan3A_0 = arith.constant 0 : i32
    %scan3A_1 = arith.constant 160 : i32
    %scan3A_2 = arith.addi %scan3A_0, %scan3A_1 : i32
    %scan3A_3 = arith.constant 1 : i32
    scf.for %scan3A_14 = %scan3A_0 to %scan3A_2 step %scan3A_3  : i32 {
      %scan3A_15 = arith.constant 0 : i32
      %scan3A_16 = arith.constant 0 : i32
      %scan3A_17 = arith.constant 8 : i32
      %scan3A_18 = arith.addi %scan3A_16, %scan3A_17 : i32
      %scan3A_19 = arith.constant 1 : i32
      scf.for %scan3A_21 = %scan3A_16 to %scan3A_18 step %scan3A_19  : i32 {
        %broadcast_in_dim3A = arith.constant 0.000000e+00 : f32
        %broadcast_in_dim3A_22 = vector.broadcast %broadcast_in_dim3A : f32 to vector<16xf32>
        %mul3A_23 = arith.constant 16 : i32
        %mul3A_24 = arith.muli %scan3A_21, %mul3A_23 : i32
        %swap3A = arith.index_cast %scan3A_14 : i32 to index
        %swap3A_25 = arith.index_cast %mul3A_24 : i32 to index
        %swap3A_26 = tpu.vector_load %arg7[%swap3A, %swap3A_25] {strides = array<i32>} : memref<160x128xf32, #tpu.memory_space<vmem>>, vector<1x16xf32>,
        %swap3A_27 = vector.shape_cast %swap3A_26 : vector<1x16xf32> to vector<16xf32>
        %swap3A_28 = vector.shape_cast %broadcast_in_dim3A_22 : vector<16xf32> to vector<1x16xf32>
        tpu.vector_store %arg7[%swap3A, %swap3A_25], %swap3A_28 {strides = array<i32>} : memref<160x128xf32, #tpu.memory_space<vmem>>, vector<1x16xf32>,
      }
      %scan3A_20 = arith.constant 8 : i32
    }
    %scan3A_4 = arith.constant 160 : i32
    %mul3A = arith.constant 16 : i32
    %mul3A_5 = arith.muli %arg0, %mul3A : i32
    %add3A = arith.addi %mul3A_5, %arg1 : i32
    %mul3A_6 = arith.constant 6272 : i32
    %mul3A_7 = arith.muli %add3A, %mul3A_6 : i32
    %multiple_of3A = tpu.assume_multiple %mul3A_7, 128 : i32
    %scan3A_8 = arith.constant 0 : i32
    %scan3A_9 = arith.constant 0 : i32
    %scan3A_10 = arith.constant 4 : i32
    %scan3A_11 = arith.addi %scan3A_9, %scan3A_10 : i32
    %scan3A_12 = arith.constant 1 : i32
    scf.for %scan3A_14 = %scan3A_9 to %scan3A_11 step %scan3A_12  : i32 {
      %mul3A_15 = arith.constant 2500 : i32
      %mul3A_16 = arith.muli %scan3A_14, %mul3A_15 : i32
      %mul3A_17 = arith.constant 160 : i32
      %mul3A_18 = arith.muli %arg1, %mul3A_17 : i32
      "tpu.region"() ({
        %run_scoped3A = tpu.sem_alloc : memref<!tpu.dma_semaphore, #tpu.memory_space<semaphore_mem>>
        %dma_start3A = arith.constant 0 : i32
        %dma_start3A_31 = tpu.memref_slice %arg8[%mul3A_18, %dma_start3A] : memref<2560x128xf32, #tpu.memory_space<vmem_shared>> -> memref<160x128xf32, #tpu.memory_space<vmem_shared>>
        %dma_start3A_32 = arith.constant 0 : i32
        %dma_start3A_33 = tpu.memref_slice %arg8[%mul3A_18, %dma_start3A_32] : memref<2560x128xf32, #tpu.memory_space<vmem_shared>> -> memref<160x128xf32, #tpu.memory_space<vmem_shared>>
        tpu.enqueue_dma source(%arg7 : memref<160x128xf32, #tpu.memory_space<vmem>>) target(%dma_start3A_33 : memref<160x128xf32, #tpu.memory_space<vmem_shared>>) target_semaphore(%run_scoped3A : memref<!tpu.dma_semaphore, #tpu.memory_space<semaphore_mem>>)
        %dma_wait3A = arith.constant 0 : i32
        %dma_wait3A_34 = tpu.memref_slice %arg8[%mul3A_18, %dma_wait3A] : memref<2560x128xf32, #tpu.memory_space<vmem_shared>> -> memref<160x128xf32, #tpu.memory_space<vmem_shared>>
        %dma_wait3A_35 = arith.constant 0 : i32
        %dma_wait3A_36 = tpu.memref_slice %arg8[%mul3A_18, %dma_wait3A_35] : memref<2560x128xf32, #tpu.memory_space<vmem_shared>> -> memref<160x128xf32, #tpu.memory_space<vmem_shared>>
        tpu.wait_dma2 semaphore(%run_scoped3A : memref<!tpu.dma_semaphore, #tpu.memory_space<semaphore_mem>>) src(%arg7 : memref<160x128xf32, #tpu.memory_space<vmem>>) dst(%dma_wait3A_36 : memref<160x128xf32, #tpu.memory_space<vmem_shared>>)
        tpu.yield
      }) : () -> ()
      %barrier3A = arith.constant 0 : index
      tpu.barrier barrier_id(%barrier3A)
      %scan3A_19 = arith.constant 0 : i32
      %scan3A_20 = arith.constant 0 : i32
      %scan3A_21 = arith.constant 49 : i32
      %scan3A_22 = arith.addi %scan3A_20, %scan3A_21 : i32
      %scan3A_23 = arith.constant 1 : i32
      scf.for %scan3A_31 = %scan3A_20 to %scan3A_22 step %scan3A_23  : i32 {
        %mul3A_32 = arith.constant 128 : i32
        %mul3A_33 = arith.muli %scan3A_31, %mul3A_32 : i32
        %add3A_34 = arith.addi %multiple_of3A, %mul3A_33 : i32
        %multiple_of3A_35 = tpu.assume_multiple %add3A_34, 128 : i32
        %run_scoped3A = arith.constant 0 : i32
        "tpu.region"() ({
          %run_scoped3A_43 = tpu.sem_alloc : memref<!tpu.dma_semaphore, #tpu.memory_space<semaphore_mem>>
          %dma_start3A = arith.constant 0 : i32
          %dma_start3A_44 = tpu.memref_slice %arg5[%run_scoped3A, %dma_start3A] : memref<1x128xi32, #tpu.memory_space<vmem>> -> memref<1x128xi32, #tpu.memory_space<vmem>>
          %dma_start3A_45 = tpu.memref_squeeze %dma_start3A_44 : memref<1x128xi32, #tpu.memory_space<vmem>> -> memref<128xi32, #tpu.memory_space<vmem>>
          %dma_start3A_46 = tpu.memref_slice %arg3[%multiple_of3A_35] : memref<200704xi32, #tpu.memory_space<hbm>> -> memref<128xi32, #tpu.memory_space<hbm>>
          %dma_start3A_47 = arith.constant 0 : i32
          %dma_start3A_48 = tpu.memref_slice %arg5[%run_scoped3A, %dma_start3A_47] : memref<1x128xi32, #tpu.memory_space<vmem>> -> memref<1x128xi32, #tpu.memory_space<vmem>>
          %dma_start3A_49 = tpu.memref_squeeze %dma_start3A_48 : memref<1x128xi32, #tpu.memory_space<vmem>> -> memref<128xi32, #tpu.memory_space<vmem>>
          %dma_start3A_50 = tpu.memref_slice %arg3[%multiple_of3A_35] : memref<200704xi32, #tpu.memory_space<hbm>> -> memref<128xi32, #tpu.memory_space<hbm>>
          tpu.enqueue_dma source(%dma_start3A_50 : memref<128xi32, #tpu.memory_space<hbm>>) target(%dma_start3A_49 : memref<128xi32, #tpu.memory_space<vmem>>) target_semaphore(%run_scoped3A_43 : memref<!tpu.dma_semaphore, #tpu.memory_space<semaphore_mem>>)
          %dma_wait3A = arith.constant 0 : i32
          %dma_wait3A_51 = tpu.memref_slice %arg5[%run_scoped3A, %dma_wait3A] : memref<1x128xi32, #tpu.memory_space<vmem>> -> memref<1x128xi32, #tpu.memory_space<vmem>>
          %dma_wait3A_52 = tpu.memref_squeeze %dma_wait3A_51 : memref<1x128xi32, #tpu.memory_space<vmem>> -> memref<128xi32, #tpu.memory_space<vmem>>
          %dma_wait3A_53 = tpu.memref_slice %arg3[%multiple_of3A_35] : memref<200704xi32, #tpu.memory_space<hbm>> -> memref<128xi32, #tpu.memory_space<hbm>>
          %dma_wait3A_54 = arith.constant 0 : i32
          %dma_wait3A_55 = tpu.memref_slice %arg5[%run_scoped3A, %dma_wait3A_54] : memref<1x128xi32, #tpu.memory_space<vmem>> -> memref<1x128xi32, #tpu.memory_space<vmem>>
          %dma_wait3A_56 = tpu.memref_squeeze %dma_wait3A_55 : memref<1x128xi32, #tpu.memory_space<vmem>> -> memref<128xi32, #tpu.memory_space<vmem>>
          %dma_wait3A_57 = tpu.memref_slice %arg3[%multiple_of3A_35] : memref<200704xi32, #tpu.memory_space<hbm>> -> memref<128xi32, #tpu.memory_space<hbm>>
          tpu.wait_dma2 semaphore(%run_scoped3A_43 : memref<!tpu.dma_semaphore, #tpu.memory_space<semaphore_mem>>) src(%dma_wait3A_57 : memref<128xi32, #tpu.memory_space<hbm>>) dst(%dma_wait3A_56 : memref<128xi32, #tpu.memory_space<vmem>>)
          tpu.yield
        }) : () -> ()
        "tpu.region"() ({
          %run_scoped3A_43 = tpu.sem_alloc : memref<!tpu.dma_semaphore, #tpu.memory_space<semaphore_mem>>
          %dma_start3A = arith.constant 0 : i32
          %dma_start3A_44 = tpu.memref_slice %arg2[%multiple_of3A_35, %dma_start3A] : memref<200704x128xf32, #tpu.memory_space<hbm>> -> memref<128x128xf32, #tpu.memory_space<hbm>>
          %dma_start3A_45 = arith.constant 0 : i32
          %dma_start3A_46 = tpu.memref_slice %arg2[%multiple_of3A_35, %dma_start3A_45] : memref<200704x128xf32, #tpu.memory_space<hbm>> -> memref<128x128xf32, #tpu.memory_space<hbm>>
          tpu.enqueue_dma source(%dma_start3A_46 : memref<128x128xf32, #tpu.memory_space<hbm>>) target(%arg6 : memref<128x128xf32, #tpu.memory_space<vmem>>) target_semaphore(%run_scoped3A_43 : memref<!tpu.dma_semaphore, #tpu.memory_space<semaphore_mem>>)
          %dma_wait3A = arith.constant 0 : i32
          %dma_wait3A_47 = tpu.memref_slice %arg2[%multiple_of3A_35, %dma_wait3A] : memref<200704x128xf32, #tpu.memory_space<hbm>> -> memref<128x128xf32, #tpu.memory_space<hbm>>
          %dma_wait3A_48 = arith.constant 0 : i32
          %dma_wait3A_49 = tpu.memref_slice %arg2[%multiple_of3A_35, %dma_wait3A_48] : memref<200704x128xf32, #tpu.memory_space<hbm>> -> memref<128x128xf32, #tpu.memory_space<hbm>>
          tpu.wait_dma2 semaphore(%run_scoped3A_43 : memref<!tpu.dma_semaphore, #tpu.memory_space<semaphore_mem>>) src(%dma_wait3A_49 : memref<128x128xf32, #tpu.memory_space<hbm>>) dst(%arg6 : memref<128x128xf32, #tpu.memory_space<vmem>>)
          tpu.yield
        }) : () -> ()
        %scan3A_36 = arith.constant 0 : i32
        %scan3A_37 = arith.constant 0 : i32
        %scan3A_38 = arith.constant 8 : i32
        %scan3A_39 = arith.addi %scan3A_37, %scan3A_38 : i32
        %scan3A_40 = arith.constant 1 : i32
        scf.for %scan3A_43 = %scan3A_37 to %scan3A_39 step %scan3A_40  : i32 {
          %mul3A_44 = arith.constant 16 : i32
          %mul3A_45 = arith.muli %scan3A_43, %mul3A_44 : i32
          %get3A = arith.constant 0 : i32
          %get3A_46 = arith.index_cast %get3A : i32 to index
          %get3A_47 = arith.index_cast %mul3A_45 : i32 to index
          %get3A_48 = tpu.vector_load %arg5[%get3A_46, %get3A_47] {strides = array<i32>} : memref<1x128xi32, #tpu.memory_space<vmem>>, vector<1x16xi32>,
          %get3A_49 = vector.shape_cast %get3A_48 : vector<1x16xi32> to vector<16xi32>
          %sub3A = vector.broadcast %mul3A_16 : i32 to vector<16xi32>
          %sub3A_50 = arith.subi %get3A_49, %sub3A : vector<16xi32>
          %ge3A = arith.constant 0 : i32
          %ge3A_51 = vector.broadcast %ge3A : i32 to vector<16xi32>
          %ge3A_52 = arith.cmpi sge, %sub3A_50, %ge3A_51 : vector<16xi32>
          %lt3A = arith.constant 2500 : i32
          %lt3A_53 = vector.broadcast %lt3A : i32 to vector<16xi32>
          %lt3A_54 = arith.cmpi slt, %sub3A_50, %lt3A_53 : vector<16xi32>
          %and3A = arith.andi %ge3A_52, %lt3A_54 : vector<16xi1>
          %jit3A = arith.constant 2500 : i32
          %broadcast_in_dim3A = vector.broadcast %jit3A : i32 to vector<16xi32>
          %select_n3A = arith.select %and3A, %sub3A_50, %broadcast_in_dim3A : vector<16xi1>, vector<16xi32>
          %mul3A_55 = arith.constant 16 : i32
          %mul3A_56 = arith.muli %scan3A_43, %mul3A_55 : i32
          %swap3A = arith.constant 0 : i32
          %swap3A_57 = arith.index_cast %swap3A : i32 to index
          %swap3A_58 = arith.index_cast %mul3A_56 : i32 to index
          %swap3A_59 = tpu.vector_load %arg5[%swap3A_57, %swap3A_58] {strides = array<i32>} : memref<1x128xi32, #tpu.memory_space<vmem>>, vector<1x16xi32>,
          %swap3A_60 = vector.shape_cast %swap3A_59 : vector<1x16xi32> to vector<16xi32>
          %swap3A_61 = vector.shape_cast %select_n3A : vector<16xi32> to vector<1x16xi32>
          tpu.vector_store %arg5[%swap3A_57, %swap3A_58], %swap3A_61 {strides = array<i32>} : memref<1x128xi32, #tpu.memory_space<vmem>>, vector<1x16xi32>,
        }
        %scan3A_41 = arith.constant 8 : i32
        %run_scoped3A_42 = arith.constant 0 : i32
        "tpu.region"() ({
          %run_scoped3A_43 = tpu.sem_alloc : memref<!tpu.dma_semaphore, #tpu.memory_space<semaphore_mem>>
          %dma_start3A = arith.constant 0 : i32
          %dma_start3A_44 = tpu.memref_slice %arg5[%run_scoped3A_42, %dma_start3A] : memref<1x128xi32, #tpu.memory_space<vmem>> -> memref<1x128xi32, #tpu.memory_space<vmem>>
          %dma_start3A_45 = tpu.memref_squeeze %dma_start3A_44 : memref<1x128xi32, #tpu.memory_space<vmem>> -> memref<128xi32, #tpu.memory_space<vmem>>
          %dma_start3A_46 = arith.constant 0 : i32
          %dma_start3A_47 = arith.constant 0 : i32
          %dma_start3A_48 = tpu.memref_slice %arg8[%dma_start3A_46, %dma_start3A_47] : memref<2560x128xf32, #tpu.memory_space<vmem_shared>> -> memref<2560x128xf32, #tpu.memory_space<vmem_shared>>
          tpu.enqueue_indirect_dma source(%arg6 : memref<128x128xf32, #tpu.memory_space<vmem>>) target(%dma_start3A_48 : memref<2560x128xf32, #tpu.memory_space<vmem_shared>>) offsets(%dma_start3A_45 : memref<128xi32, #tpu.memory_space<vmem>>) semaphore(%run_scoped3A_43 : memref<!tpu.dma_semaphore, #tpu.memory_space<semaphore_mem>>) {add = true}
          %dma_wait3A = arith.constant 0 : i32
          %dma_wait3A_49 = tpu.memref_slice %arg5[%run_scoped3A_42, %dma_wait3A] : memref<1x128xi32, #tpu.memory_space<vmem>> -> memref<1x128xi32, #tpu.memory_space<vmem>>
          %dma_wait3A_50 = tpu.memref_squeeze %dma_wait3A_49 : memref<1x128xi32, #tpu.memory_space<vmem>> -> memref<128xi32, #tpu.memory_space<vmem>>
          %dma_wait3A_51 = arith.constant 0 : i32
          %dma_wait3A_52 = arith.constant 0 : i32
          %dma_wait3A_53 = tpu.memref_slice %arg8[%dma_wait3A_51, %dma_wait3A_52] : memref<2560x128xf32, #tpu.memory_space<vmem_shared>> -> memref<2560x128xf32, #tpu.memory_space<vmem_shared>>
          tpu.wait_indirect_dma semaphore(%run_scoped3A_43 : memref<!tpu.dma_semaphore, #tpu.memory_space<semaphore_mem>>) src(%arg6 : memref<128x128xf32, #tpu.memory_space<vmem>>) dst(%dma_wait3A_53 : memref<2560x128xf32, #tpu.memory_space<vmem_shared>>)
          tpu.yield
        }) : () -> ()
      }
      %scan3A_24 = arith.constant 49 : i32
      %barrier3A_25 = arith.constant 0 : index
      tpu.barrier barrier_id(%barrier3A_25)
      %mul3A_26 = arith.constant 160 : i32
      %mul3A_27 = arith.muli %arg1, %mul3A_26 : i32
      %mul3A_28 = arith.constant 160 : i32
      %mul3A_29 = arith.muli %arg1, %mul3A_28 : i32
      "tpu.region"() ({
        %run_scoped3A = tpu.sem_alloc : memref<!tpu.dma_semaphore, #tpu.memory_space<semaphore_mem>>
        %dma_start3A = arith.constant 0 : i32
        %dma_start3A_31 = tpu.memref_slice %arg4[%arg0, %scan3A_14, %mul3A_29, %dma_start3A] : memref<2x4x2560x128xf32, #tpu.memory_space<hbm>> -> memref<1x1x160x128xf32, #tpu.memory_space<hbm>>
        %dma_start3A_32 = tpu.memref_squeeze %dma_start3A_31 : memref<1x1x160x128xf32, #tpu.memory_space<hbm>> -> memref<160x128xf32, #tpu.memory_space<hbm>>
        %dma_start3A_33 = arith.constant 0 : i32
        %dma_start3A_34 = tpu.memref_slice %arg8[%mul3A_27, %dma_start3A_33] : memref<2560x128xf32, #tpu.memory_space<vmem_shared>> -> memref<160x128xf32, #tpu.memory_space<vmem_shared>>
        tpu.enqueue_dma source(%dma_start3A_34 : memref<160x128xf32, #tpu.memory_space<vmem_shared>>) target(%dma_start3A_32 : memref<160x128xf32, #tpu.memory_space<hbm>>) target_semaphore(%run_scoped3A : memref<!tpu.dma_semaphore, #tpu.memory_space<semaphore_mem>>)
        %dma_wait3A = arith.constant 0 : i32
        %dma_wait3A_35 = tpu.memref_slice %arg4[%arg0, %scan3A_14, %mul3A_29, %dma_wait3A] : memref<2x4x2560x128xf32, #tpu.memory_space<hbm>> -> memref<1x1x160x128xf32, #tpu.memory_space<hbm>>
        %dma_wait3A_36 = tpu.memref_squeeze %dma_wait3A_35 : memref<1x1x160x128xf32, #tpu.memory_space<hbm>> -> memref<160x128xf32, #tpu.memory_space<hbm>>
        %dma_wait3A_37 = arith.constant 0 : i32
        %dma_wait3A_38 = tpu.memref_slice %arg8[%mul3A_27, %dma_wait3A_37] : memref<2560x128xf32, #tpu.memory_space<vmem_shared>> -> memref<160x128xf32, #tpu.memory_space<vmem_shared>>
        tpu.wait_dma2 semaphore(%run_scoped3A : memref<!tpu.dma_semaphore, #tpu.memory_space<semaphore_mem>>) src(%dma_wait3A_38 : memref<160x128xf32, #tpu.memory_space<vmem_shared>>) dst(%dma_wait3A_36 : memref<160x128xf32, #tpu.memory_space<hbm>>)
        tpu.yield
      }) : () -> ()
      %barrier3A_30 = arith.constant 0 : index
      tpu.barrier barrier_id(%barrier3A_30)
    }
    %scan3A_13 = arith.constant 4 : i32
    return
  }
}

module attributes {stable_mosaic.version = 14 : i64} {
  func.func @body(%arg0: i32, %arg1: memref<1000x16xf32, #tpu.memory_space<vmem>>, %arg2: memref<1000x8x128xf32, #tpu.memory_space<vmem>>) attributes {dimension_semantics = [#tpu.dimension_semantics<arbitrary>], iteration_bounds = array<i64: 160>, scalar_prefetch = 0 : i64, scratch_operands = 0 : i64, tpu.core_type = #tpu.core_type<tc>, window_params = [{transform_indices = @transform_0, window_bounds = array<i64: 1000, 16>}, {transform_indices = @transform_1, window_bounds = array<i64: 1000, 8, 128>}]} {
    %get3A = arith.constant 0 : index
    %get3A_0 = arith.constant 0 : index
    %get3A_1 = vector.load %arg1[%get3A, %get3A_0] : memref<1000x16xf32, #tpu.memory_space<vmem>>, vector<1000x16xf32>
    %iota3A = tpu.iota {dimensions = array<i32: 1>} : vector<16x128xi32>
    %iota3A_2 = tpu.iota {dimensions = array<i32: 0>} : vector<16x128xi32>
    %add3A = arith.constant 0 : i32
    %add3A_3 = vector.broadcast %add3A : i32 to vector<16x128xi32>
    %add3A_4 = arith.addi %iota3A_2, %add3A_3 : vector<16x128xi32>
    %eq3A = arith.cmpi eq, %iota3A, %add3A_4 : vector<16x128xi32>
    %convert_element_type3A = arith.extui %eq3A : vector<16x128xi1> to vector<16x128xi32>
    %convert_element_type3A_5 = arith.sitofp %convert_element_type3A : vector<16x128xi32> to vector<16x128xf32>
    %dot_general3A = arith.constant dense<0.000000e+00> : vector<1000x128xf32>
    %dot_general3A_6 = tpu.matmul %get3A_1, %convert_element_type3A_5, %dot_general3A {dimension_numbers = #tpu.dot_dimension_numbers<[1], [0], [0], [1], [0, 0, 1, 1], [], []>, transpose_lhs_hint = false} : vector<1000x16xf32>, vector<16x128xf32>, vector<1000x128xf32> -> vector<1000x128xf32>
    %swap3A = arith.constant 0 : index
    %swap3A_7 = arith.constant 0 : index
    %swap3A_8 = arith.constant 0 : index
    %swap3A_9 = vector.load %arg2[%swap3A, %swap3A_7, %swap3A_8] : memref<1000x8x128xf32, #tpu.memory_space<vmem>>, vector<1000x1x128xf32>
    %swap3A_10 = vector.shape_cast %swap3A_9 : vector<1000x1x128xf32> to vector<1000x128xf32>
    %swap3A_11 = vector.shape_cast %dot_general3A_6 : vector<1000x128xf32> to vector<1000x1x128xf32>
    tpu.vector_store %arg2[%swap3A, %swap3A_7, %swap3A_8], %swap3A_11 {strides = array<i32>} : memref<1000x8x128xf32, #tpu.memory_space<vmem>>, vector<1000x1x128xf32>,
    %add3A_12 = arith.constant 16 : i32
    %add3A_13 = vector.broadcast %add3A_12 : i32 to vector<16x128xi32>
    %add3A_14 = arith.addi %iota3A_2, %add3A_13 : vector<16x128xi32>
    %eq3A_15 = arith.cmpi eq, %iota3A, %add3A_14 : vector<16x128xi32>
    %convert_element_type3A_16 = arith.extui %eq3A_15 : vector<16x128xi1> to vector<16x128xi32>
    %convert_element_type3A_17 = arith.sitofp %convert_element_type3A_16 : vector<16x128xi32> to vector<16x128xf32>
    %dot_general3A_18 = arith.constant dense<0.000000e+00> : vector<1000x128xf32>
    %dot_general3A_19 = tpu.matmul %get3A_1, %convert_element_type3A_17, %dot_general3A_18 {dimension_numbers = #tpu.dot_dimension_numbers<[1], [0], [0], [1], [0, 0, 1, 1], [], []>, transpose_lhs_hint = false} : vector<1000x16xf32>, vector<16x128xf32>, vector<1000x128xf32> -> vector<1000x128xf32>
    %swap3A_20 = arith.constant 0 : index
    %swap3A_21 = arith.constant 1 : index
    %swap3A_22 = arith.constant 0 : index
    %swap3A_23 = vector.load %arg2[%swap3A_20, %swap3A_21, %swap3A_22] : memref<1000x8x128xf32, #tpu.memory_space<vmem>>, vector<1000x1x128xf32>
    %swap3A_24 = vector.shape_cast %swap3A_23 : vector<1000x1x128xf32> to vector<1000x128xf32>
    %swap3A_25 = vector.shape_cast %dot_general3A_19 : vector<1000x128xf32> to vector<1000x1x128xf32>
    tpu.vector_store %arg2[%swap3A_20, %swap3A_21, %swap3A_22], %swap3A_25 {strides = array<i32>} : memref<1000x8x128xf32, #tpu.memory_space<vmem>>, vector<1000x1x128xf32>,
    %add3A_26 = arith.constant 32 : i32
    %add3A_27 = vector.broadcast %add3A_26 : i32 to vector<16x128xi32>
    %add3A_28 = arith.addi %iota3A_2, %add3A_27 : vector<16x128xi32>
    %eq3A_29 = arith.cmpi eq, %iota3A, %add3A_28 : vector<16x128xi32>
    %convert_element_type3A_30 = arith.extui %eq3A_29 : vector<16x128xi1> to vector<16x128xi32>
    %convert_element_type3A_31 = arith.sitofp %convert_element_type3A_30 : vector<16x128xi32> to vector<16x128xf32>
    %dot_general3A_32 = arith.constant dense<0.000000e+00> : vector<1000x128xf32>
    %dot_general3A_33 = tpu.matmul %get3A_1, %convert_element_type3A_31, %dot_general3A_32 {dimension_numbers = #tpu.dot_dimension_numbers<[1], [0], [0], [1], [0, 0, 1, 1], [], []>, transpose_lhs_hint = false} : vector<1000x16xf32>, vector<16x128xf32>, vector<1000x128xf32> -> vector<1000x128xf32>
    %swap3A_34 = arith.constant 0 : index
    %swap3A_35 = arith.constant 2 : index
    %swap3A_36 = arith.constant 0 : index
    %swap3A_37 = vector.load %arg2[%swap3A_34, %swap3A_35, %swap3A_36] : memref<1000x8x128xf32, #tpu.memory_space<vmem>>, vector<1000x1x128xf32>
    %swap3A_38 = vector.shape_cast %swap3A_37 : vector<1000x1x128xf32> to vector<1000x128xf32>
    %swap3A_39 = vector.shape_cast %dot_general3A_33 : vector<1000x128xf32> to vector<1000x1x128xf32>
    tpu.vector_store %arg2[%swap3A_34, %swap3A_35, %swap3A_36], %swap3A_39 {strides = array<i32>} : memref<1000x8x128xf32, #tpu.memory_space<vmem>>, vector<1000x1x128xf32>,
    %add3A_40 = arith.constant 48 : i32
    %add3A_41 = vector.broadcast %add3A_40 : i32 to vector<16x128xi32>
    %add3A_42 = arith.addi %iota3A_2, %add3A_41 : vector<16x128xi32>
    %eq3A_43 = arith.cmpi eq, %iota3A, %add3A_42 : vector<16x128xi32>
    %convert_element_type3A_44 = arith.extui %eq3A_43 : vector<16x128xi1> to vector<16x128xi32>
    %convert_element_type3A_45 = arith.sitofp %convert_element_type3A_44 : vector<16x128xi32> to vector<16x128xf32>
    %dot_general3A_46 = arith.constant dense<0.000000e+00> : vector<1000x128xf32>
    %dot_general3A_47 = tpu.matmul %get3A_1, %convert_element_type3A_45, %dot_general3A_46 {dimension_numbers = #tpu.dot_dimension_numbers<[1], [0], [0], [1], [0, 0, 1, 1], [], []>, transpose_lhs_hint = false} : vector<1000x16xf32>, vector<16x128xf32>, vector<1000x128xf32> -> vector<1000x128xf32>
    %swap3A_48 = arith.constant 0 : index
    %swap3A_49 = arith.constant 3 : index
    %swap3A_50 = arith.constant 0 : index
    %swap3A_51 = vector.load %arg2[%swap3A_48, %swap3A_49, %swap3A_50] : memref<1000x8x128xf32, #tpu.memory_space<vmem>>, vector<1000x1x128xf32>
    %swap3A_52 = vector.shape_cast %swap3A_51 : vector<1000x1x128xf32> to vector<1000x128xf32>
    %swap3A_53 = vector.shape_cast %dot_general3A_47 : vector<1000x128xf32> to vector<1000x1x128xf32>
    tpu.vector_store %arg2[%swap3A_48, %swap3A_49, %swap3A_50], %swap3A_53 {strides = array<i32>} : memref<1000x8x128xf32, #tpu.memory_space<vmem>>, vector<1000x1x128xf32>,
    %add3A_54 = arith.constant 64 : i32
    %add3A_55 = vector.broadcast %add3A_54 : i32 to vector<16x128xi32>
    %add3A_56 = arith.addi %iota3A_2, %add3A_55 : vector<16x128xi32>
    %eq3A_57 = arith.cmpi eq, %iota3A, %add3A_56 : vector<16x128xi32>
    %convert_element_type3A_58 = arith.extui %eq3A_57 : vector<16x128xi1> to vector<16x128xi32>
    %convert_element_type3A_59 = arith.sitofp %convert_element_type3A_58 : vector<16x128xi32> to vector<16x128xf32>
    %dot_general3A_60 = arith.constant dense<0.000000e+00> : vector<1000x128xf32>
    %dot_general3A_61 = tpu.matmul %get3A_1, %convert_element_type3A_59, %dot_general3A_60 {dimension_numbers = #tpu.dot_dimension_numbers<[1], [0], [0], [1], [0, 0, 1, 1], [], []>, transpose_lhs_hint = false} : vector<1000x16xf32>, vector<16x128xf32>, vector<1000x128xf32> -> vector<1000x128xf32>
    %swap3A_62 = arith.constant 0 : index
    %swap3A_63 = arith.constant 4 : index
    %swap3A_64 = arith.constant 0 : index
    %swap3A_65 = vector.load %arg2[%swap3A_62, %swap3A_63, %swap3A_64] : memref<1000x8x128xf32, #tpu.memory_space<vmem>>, vector<1000x1x128xf32>
    %swap3A_66 = vector.shape_cast %swap3A_65 : vector<1000x1x128xf32> to vector<1000x128xf32>
    %swap3A_67 = vector.shape_cast %dot_general3A_61 : vector<1000x128xf32> to vector<1000x1x128xf32>
    tpu.vector_store %arg2[%swap3A_62, %swap3A_63, %swap3A_64], %swap3A_67 {strides = array<i32>} : memref<1000x8x128xf32, #tpu.memory_space<vmem>>, vector<1000x1x128xf32>,
    %add3A_68 = arith.constant 80 : i32
    %add3A_69 = vector.broadcast %add3A_68 : i32 to vector<16x128xi32>
    %add3A_70 = arith.addi %iota3A_2, %add3A_69 : vector<16x128xi32>
    %eq3A_71 = arith.cmpi eq, %iota3A, %add3A_70 : vector<16x128xi32>
    %convert_element_type3A_72 = arith.extui %eq3A_71 : vector<16x128xi1> to vector<16x128xi32>
    %convert_element_type3A_73 = arith.sitofp %convert_element_type3A_72 : vector<16x128xi32> to vector<16x128xf32>
    %dot_general3A_74 = arith.constant dense<0.000000e+00> : vector<1000x128xf32>
    %dot_general3A_75 = tpu.matmul %get3A_1, %convert_element_type3A_73, %dot_general3A_74 {dimension_numbers = #tpu.dot_dimension_numbers<[1], [0], [0], [1], [0, 0, 1, 1], [], []>, transpose_lhs_hint = false} : vector<1000x16xf32>, vector<16x128xf32>, vector<1000x128xf32> -> vector<1000x128xf32>
    %swap3A_76 = arith.constant 0 : index
    %swap3A_77 = arith.constant 5 : index
    %swap3A_78 = arith.constant 0 : index
    %swap3A_79 = vector.load %arg2[%swap3A_76, %swap3A_77, %swap3A_78] : memref<1000x8x128xf32, #tpu.memory_space<vmem>>, vector<1000x1x128xf32>
    %swap3A_80 = vector.shape_cast %swap3A_79 : vector<1000x1x128xf32> to vector<1000x128xf32>
    %swap3A_81 = vector.shape_cast %dot_general3A_75 : vector<1000x128xf32> to vector<1000x1x128xf32>
    tpu.vector_store %arg2[%swap3A_76, %swap3A_77, %swap3A_78], %swap3A_81 {strides = array<i32>} : memref<1000x8x128xf32, #tpu.memory_space<vmem>>, vector<1000x1x128xf32>,
    %add3A_82 = arith.constant 96 : i32
    %add3A_83 = vector.broadcast %add3A_82 : i32 to vector<16x128xi32>
    %add3A_84 = arith.addi %iota3A_2, %add3A_83 : vector<16x128xi32>
    %eq3A_85 = arith.cmpi eq, %iota3A, %add3A_84 : vector<16x128xi32>
    %convert_element_type3A_86 = arith.extui %eq3A_85 : vector<16x128xi1> to vector<16x128xi32>
    %convert_element_type3A_87 = arith.sitofp %convert_element_type3A_86 : vector<16x128xi32> to vector<16x128xf32>
    %dot_general3A_88 = arith.constant dense<0.000000e+00> : vector<1000x128xf32>
    %dot_general3A_89 = tpu.matmul %get3A_1, %convert_element_type3A_87, %dot_general3A_88 {dimension_numbers = #tpu.dot_dimension_numbers<[1], [0], [0], [1], [0, 0, 1, 1], [], []>, transpose_lhs_hint = false} : vector<1000x16xf32>, vector<16x128xf32>, vector<1000x128xf32> -> vector<1000x128xf32>
    %swap3A_90 = arith.constant 0 : index
    %swap3A_91 = arith.constant 6 : index
    %swap3A_92 = arith.constant 0 : index
    %swap3A_93 = vector.load %arg2[%swap3A_90, %swap3A_91, %swap3A_92] : memref<1000x8x128xf32, #tpu.memory_space<vmem>>, vector<1000x1x128xf32>
    %swap3A_94 = vector.shape_cast %swap3A_93 : vector<1000x1x128xf32> to vector<1000x128xf32>
    %swap3A_95 = vector.shape_cast %dot_general3A_89 : vector<1000x128xf32> to vector<1000x1x128xf32>
    tpu.vector_store %arg2[%swap3A_90, %swap3A_91, %swap3A_92], %swap3A_95 {strides = array<i32>} : memref<1000x8x128xf32, #tpu.memory_space<vmem>>, vector<1000x1x128xf32>,
    %add3A_96 = arith.constant 112 : i32
    %add3A_97 = vector.broadcast %add3A_96 : i32 to vector<16x128xi32>
    %add3A_98 = arith.addi %iota3A_2, %add3A_97 : vector<16x128xi32>
    %eq3A_99 = arith.cmpi eq, %iota3A, %add3A_98 : vector<16x128xi32>
    %convert_element_type3A_100 = arith.extui %eq3A_99 : vector<16x128xi1> to vector<16x128xi32>
    %convert_element_type3A_101 = arith.sitofp %convert_element_type3A_100 : vector<16x128xi32> to vector<16x128xf32>
    %dot_general3A_102 = arith.constant dense<0.000000e+00> : vector<1000x128xf32>
    %dot_general3A_103 = tpu.matmul %get3A_1, %convert_element_type3A_101, %dot_general3A_102 {dimension_numbers = #tpu.dot_dimension_numbers<[1], [0], [0], [1], [0, 0, 1, 1], [], []>, transpose_lhs_hint = false} : vector<1000x16xf32>, vector<16x128xf32>, vector<1000x128xf32> -> vector<1000x128xf32>
    %swap3A_104 = arith.constant 0 : index
    %swap3A_105 = arith.constant 7 : index
    %swap3A_106 = arith.constant 0 : index
    %swap3A_107 = vector.load %arg2[%swap3A_104, %swap3A_105, %swap3A_106] : memref<1000x8x128xf32, #tpu.memory_space<vmem>>, vector<1000x1x128xf32>
    %swap3A_108 = vector.shape_cast %swap3A_107 : vector<1000x1x128xf32> to vector<1000x128xf32>
    %swap3A_109 = vector.shape_cast %dot_general3A_103 : vector<1000x128xf32> to vector<1000x1x128xf32>
    tpu.vector_store %arg2[%swap3A_104, %swap3A_105, %swap3A_106], %swap3A_109 {strides = array<i32>} : memref<1000x8x128xf32, #tpu.memory_space<vmem>>, vector<1000x1x128xf32>,
    return
  }
  func.func @transform_0(%arg0: i32) -> (i32, i32) {
    %c0_i32 = arith.constant 0 : i32
    %c0_i32_0 = arith.constant 0 : i32
    return %arg0, %c0_i32 : i32, i32
  }
  func.func @transform_1(%arg0: i32) -> (i32, i32, i32) {
    %c0_i32 = arith.constant 0 : i32
    %c0_i32_0 = arith.constant 0 : i32
    %c0_i32_1 = arith.constant 0 : i32
    return %arg0, %c0_i32, %c0_i32_0 : i32, i32, i32
  }
}

module attributes {stable_mosaic.version = 14 : i64} {
  func.func @body(%arg0: i32, %arg1: memref<400x128xf32, #tpu.memory_space<vmem>>, %arg2: memref<128x128xf32, #tpu.memory_space<vmem>>, %arg3: memref<400x128xf32, #tpu.memory_space<vmem>>) attributes {dimension_semantics = [#tpu.dimension_semantics<arbitrary>], iteration_bounds = array<i64: 25>, scalar_prefetch = 0 : i64, scratch_operands = 0 : i64, tpu.core_type = #tpu.core_type<tc>, window_params = [{transform_indices = @transform_0, window_bounds = array<i64: 400, 128>}, {pipeline_mode = #tpu.pipeline_mode<synchronous>, transform_indices = @transform_1, window_bounds = array<i64: 128, 128>}, {transform_indices = @transform_2, window_bounds = array<i64: 400, 128>}]} {
    %get3A = arith.constant 0 : index
    %get3A_0 = arith.constant 0 : index
    %get3A_1 = vector.load %arg1[%get3A, %get3A_0] : memref<400x128xf32, #tpu.memory_space<vmem>>, vector<400x128xf32>
    %get3A_2 = arith.constant 0 : index
    %get3A_3 = arith.constant 0 : index
    %get3A_4 = vector.load %arg2[%get3A_2, %get3A_3] : memref<128x128xf32, #tpu.memory_space<vmem>>, vector<128x128xf32>
    %dot_general3A = arith.constant dense<0.000000e+00> : vector<400x128xf32>
    %dot_general3A_5 = tpu.matmul %get3A_1, %get3A_4, %dot_general3A {dimension_numbers = #tpu.dot_dimension_numbers<[1], [0], [0], [1], [0, 0, 1, 1], [], []>, transpose_lhs_hint = false} : vector<400x128xf32>, vector<128x128xf32>, vector<400x128xf32> -> vector<400x128xf32>
    %swap3A = arith.constant 0 : index
    %swap3A_6 = arith.constant 0 : index
    %swap3A_7 = vector.load %arg3[%swap3A, %swap3A_6] : memref<400x128xf32, #tpu.memory_space<vmem>>, vector<400x128xf32>
    tpu.vector_store %arg3[%swap3A, %swap3A_6], %dot_general3A_5 {strides = array<i32>} : memref<400x128xf32, #tpu.memory_space<vmem>>, vector<400x128xf32>,
    return
  }
  func.func @transform_0(%arg0: i32) -> (i32, i32) {
    %c0_i32 = arith.constant 0 : i32
    %c0_i32_0 = arith.constant 0 : i32
    return %arg0, %c0_i32 : i32, i32
  }
  func.func @transform_1(%arg0: i32) -> (i32, i32) {
    %c0_i32 = arith.constant 0 : i32
    %c0_i32_0 = arith.constant 0 : i32
    %c0_i32_1 = arith.constant 0 : i32
    return %c0_i32, %c0_i32_0 : i32, i32
  }
  func.func @transform_2(%arg0: i32) -> (i32, i32) {
    %c0_i32 = arith.constant 0 : i32
    %c0_i32_0 = arith.constant 0 : i32
    return %arg0, %c0_i32 : i32, i32
  }
}

module attributes {stable_mosaic.version = 14 : i64} {
  func.func @body(%arg0: i32, %arg1: memref<160x128xf32, #tpu.memory_space<vmem>>, %arg2: memref<160x1xi32, #tpu.memory_space<vmem>>, %arg3: memref<160x20xf32, #tpu.memory_space<vmem>>, %arg4: memref<160x16xf32, #tpu.memory_space<vmem>>, %arg5: memref<32x16xf32, #tpu.memory_space<vmem>>, %arg6: memref<16x128xf32, #tpu.memory_space<vmem>>, %arg7: memref<128x128xf32, #tpu.memory_space<vmem>>, %arg8: memref<128x128xf32, #tpu.memory_space<vmem>>, %arg9: memref<16x128xf32, #tpu.memory_space<vmem>>, %arg10: memref<1x128xf32, #tpu.memory_space<vmem>>, %arg11: memref<128x128xf32, #tpu.memory_space<vmem>>, %arg12: memref<128x128xf32, #tpu.memory_space<vmem>>, %arg13: memref<16x128xf32, #tpu.memory_space<vmem>>, %arg14: memref<1x128xf32, #tpu.memory_space<vmem>>, %arg15: memref<128x128xf32, #tpu.memory_space<vmem>>, %arg16: memref<1x128xf32, #tpu.memory_space<vmem>>, %arg17: memref<128x128xf32, #tpu.memory_space<vmem>>, %arg18: memref<1x128xf32, #tpu.memory_space<vmem>>, %arg19: memref<16x128xf32, #tpu.memory_space<vmem>>, %arg20: memref<1x128xf32, #tpu.memory_space<vmem>>, %arg21: memref<16x128xf32, #tpu.memory_space<vmem>>, %arg22: memref<1x128xf32, #tpu.memory_space<vmem>>, %arg23: memref<16x128xf32, #tpu.memory_space<vmem>>, %arg24: memref<1x128xf32, #tpu.memory_space<vmem>>, %arg25: memref<160x128xf32, #tpu.memory_space<vmem>>, %arg26: memref<8x128xf32, #tpu.memory_space<vmem>>, %arg27: memref<8x128xf32, #tpu.memory_space<vmem>>) attributes {dimension_semantics = [#tpu.dimension_semantics<arbitrary>], iteration_bounds = array<i64: 1250>, scalar_prefetch = 0 : i64, scratch_operands = 0 : i64, tpu.core_type = #tpu.core_type<tc>, window_params = [{transform_indices = @transform_0, window_bounds = array<i64: 160, 128>}, {transform_indices = @transform_1, window_bounds = array<i64: 160, 1>}, {transform_indices = @transform_2, window_bounds = array<i64: 160, 20>}, {transform_indices = @transform_3, window_bounds = array<i64: 160, 16>}, {pipeline_mode = #tpu.pipeline_mode<synchronous>, transform_indices = @transform_4, window_bounds = array<i64: 32, 16>}, {pipeline_mode = #tpu.pipeline_mode<synchronous>, transform_indices = @transform_5, window_bounds = array<i64: 16, 128>}, {pipeline_mode = #tpu.pipeline_mode<synchronous>, transform_indices = @transform_6, window_bounds = array<i64: 128, 128>}, {pipeline_mode = #tpu.pipeline_mode<synchronous>, transform_indices = @transform_7, window_bounds = array<i64: 128, 128>}, {pipeline_mode = #tpu.pipeline_mode<synchronous>, transform_indices = @transform_8, window_bounds = array<i64: 16, 128>}, {pipeline_mode = #tpu.pipeline_mode<synchronous>, transform_indices = @transform_9, window_bounds = array<i64: 1, 128>}, {pipeline_mode = #tpu.pipeline_mode<synchronous>, transform_indices = @transform_10, window_bounds = array<i64: 128, 128>}, {pipeline_mode = #tpu.pipeline_mode<synchronous>, transform_indices = @transform_11, window_bounds = array<i64: 128, 128>}, {pipeline_mode = #tpu.pipeline_mode<synchronous>, transform_indices = @transform_12, window_bounds = array<i64: 16, 128>}, {pipeline_mode = #tpu.pipeline_mode<synchronous>, transform_indices = @transform_13, window_bounds = array<i64: 1, 128>}, {pipeline_mode = #tpu.pipeline_mode<synchronous>, transform_indices = @transform_14, window_bounds = array<i64: 128, 128>}, {pipeline_mode = #tpu.pipeline_mode<synchronous>, transform_indices = @transform_15, window_bounds = array<i64: 1, 128>}, {pipeline_mode = #tpu.pipeline_mode<synchronous>, transform_indices = @transform_16, window_bounds = array<i64: 128, 128>}, {pipeline_mode = #tpu.pipeline_mode<synchronous>, transform_indices = @transform_17, window_bounds = array<i64: 1, 128>}, {pipeline_mode = #tpu.pipeline_mode<synchronous>, transform_indices = @transform_18, window_bounds = array<i64: 16, 128>}, {pipeline_mode = #tpu.pipeline_mode<synchronous>, transform_indices = @transform_19, window_bounds = array<i64: 1, 128>}, {pipeline_mode = #tpu.pipeline_mode<synchronous>, transform_indices = @transform_20, window_bounds = array<i64: 16, 128>}, {pipeline_mode = #tpu.pipeline_mode<synchronous>, transform_indices = @transform_21, window_bounds = array<i64: 1, 128>}, {pipeline_mode = #tpu.pipeline_mode<synchronous>, transform_indices = @transform_22, window_bounds = array<i64: 16, 128>}, {pipeline_mode = #tpu.pipeline_mode<synchronous>, transform_indices = @transform_23, window_bounds = array<i64: 1, 128>}, {transform_indices = @transform_24, window_bounds = array<i64: 160, 128>}, {transform_indices = @transform_25, window_bounds = array<i64: 8, 128>}, {transform_indices = @transform_26, window_bounds = array<i64: 8, 128>}]} {
    %get3A = arith.constant 0 : index
    %get3A_0 = arith.constant 0 : index
    %get3A_1 = vector.load %arg2[%get3A, %get3A_0] : memref<160x1xi32, #tpu.memory_space<vmem>>, vector<160x1xi32>
    %iota3A = tpu.iota {dimensions = array<i32: 1>} : vector<160x32xi32>
    %eq3A = vector.broadcast %get3A_1 : vector<160x1xi32> to vector<160x32xi32>
    %eq3A_2 = arith.cmpi eq, %eq3A, %iota3A : vector<160x32xi32>
    %convert_element_type3A = arith.extui %eq3A_2 : vector<160x32xi1> to vector<160x32xi32>
    %convert_element_type3A_3 = arith.sitofp %convert_element_type3A : vector<160x32xi32> to vector<160x32xf32>
    %get3A_4 = arith.constant 0 : index
    %get3A_5 = arith.constant 0 : index
    %get3A_6 = vector.load %arg5[%get3A_4, %get3A_5] : memref<32x16xf32, #tpu.memory_space<vmem>>, vector<32x16xf32>
    %dot_general3A = arith.constant dense<0.000000e+00> : vector<160x16xf32>
    %dot_general3A_7 = tpu.matmul %convert_element_type3A_3, %get3A_6, %dot_general3A {dimension_numbers = #tpu.dot_dimension_numbers<[1], [0], [0], [1], [0, 0, 1, 1], [], []>, transpose_lhs_hint = false} : vector<160x32xf32>, vector<32x16xf32>, vector<160x16xf32> -> vector<160x16xf32>
    %get3A_8 = arith.constant 0 : index
    %get3A_9 = arith.constant 0 : index
    %get3A_10 = vector.load %arg1[%get3A_8, %get3A_9] : memref<160x128xf32, #tpu.memory_space<vmem>>, vector<160x128xf32>
    %get3A_11 = arith.constant 0 : index
    %get3A_12 = arith.constant 0 : index
    %get3A_13 = vector.load %arg6[%get3A_11, %get3A_12] : memref<16x128xf32, #tpu.memory_space<vmem>>, vector<16x128xf32>
    %dot_general3A_14 = arith.constant dense<0.000000e+00> : vector<160x128xf32>
    %dot_general3A_15 = tpu.matmul %dot_general3A_7, %get3A_13, %dot_general3A_14 {dimension_numbers = #tpu.dot_dimension_numbers<[1], [0], [0], [1], [0, 0, 1, 1], [], []>, transpose_lhs_hint = false} : vector<160x16xf32>, vector<16x128xf32>, vector<160x128xf32> -> vector<160x128xf32>
    %add3A = arith.addf %get3A_10, %dot_general3A_15 : vector<160x128xf32>
    %get3A_16 = arith.constant 0 : index
    %get3A_17 = arith.constant 0 : index
    %get3A_18 = vector.load %arg3[%get3A_16, %get3A_17] : memref<160x20xf32, #tpu.memory_space<vmem>>, vector<160x20xf32>
    %iota3A_19 = tpu.iota {dimensions = array<i32: 1>} : vector<20x160xi32>
    %iota3A_20 = tpu.iota {dimensions = array<i32: 0>} : vector<20x160xi32>
    %jit3A = arith.constant 20 : i32
    %eq3A_21 = arith.constant 0 : i32
    %eq3A_22 = arith.cmpi eq, %jit3A, %eq3A_21 : i32
    %jit3A_23 = arith.constant 1 : i32
    %select_n3A = arith.select %eq3A_22, %jit3A_23, %jit3A : i32
    %rem3A = vector.broadcast %select_n3A : i32 to vector<20x160xi32>
    %rem3A_24 = arith.remsi %iota3A_19, %rem3A : vector<20x160xi32>
    %ne3A = arith.constant 0 : i32
    %ne3A_25 = vector.broadcast %ne3A : i32 to vector<20x160xi32>
    %ne3A_26 = arith.cmpi ne, %rem3A_24, %ne3A_25 : vector<20x160xi32>
    %lt3A = arith.constant 0 : i32
    %lt3A_27 = vector.broadcast %lt3A : i32 to vector<20x160xi32>
    %lt3A_28 = arith.cmpi slt, %rem3A_24, %lt3A_27 : vector<20x160xi32>
    %lt3A_29 = arith.constant 0 : i32
    %lt3A_30 = arith.cmpi slt, %select_n3A, %lt3A_29 : i32
    %ne3A_31 = vector.broadcast %lt3A_30 : i1 to vector<20x160xi1>
    %ne3A_32 = vector.broadcast %ne3A_31 : vector<20x160xi1> to vector<20x160xi1>
    %ne3A_33 = arith.xori %lt3A_28, %ne3A_32 : vector<20x160xi1>
    %and3A = arith.andi %ne3A_33, %ne3A_26 : vector<20x160xi1>
    %add3A_34 = vector.broadcast %select_n3A : i32 to vector<20x160xi32>
    %add3A_35 = arith.addi %rem3A_24, %add3A_34 : vector<20x160xi32>
    %select_n3A_36 = arith.select %and3A, %add3A_35, %rem3A_24 : vector<20x160xi1>, vector<20x160xi32>
    %eq3A_37 = arith.cmpi eq, %select_n3A_36, %iota3A_20 : vector<20x160xi32>
    %convert_element_type3A_38 = arith.extui %eq3A_37 : vector<20x160xi1> to vector<20x160xi32>
    %convert_element_type3A_39 = arith.sitofp %convert_element_type3A_38 : vector<20x160xi32> to vector<20x160xf32>
    %iota3A_40 = tpu.iota {dimensions = array<i32: 0>} : vector<160x160xi32>
    %iota3A_41 = tpu.iota {dimensions = array<i32: 1>} : vector<160x160xi32>
    %jit3A_42 = arith.constant 20 : i32
    %div3A = vector.broadcast %jit3A_42 : i32 to vector<160x160xi32>
    %div3A_43 = arith.divsi %iota3A_40, %div3A : vector<160x160xi32>
    %sign3A = arith.constant 0 : i32
    %sign3A_44 = vector.broadcast %sign3A : i32 to vector<160x160xi32>
    %sign3A_45 = arith.cmpi sgt, %iota3A_40, %sign3A_44 : vector<160x160xi32>
    %sign3A_46 = arith.extui %sign3A_45 : vector<160x160xi1> to vector<160x160xi32>
    %sign3A_47 = arith.constant 0 : i32
    %sign3A_48 = vector.broadcast %sign3A_47 : i32 to vector<160x160xi32>
    %sign3A_49 = arith.cmpi slt, %iota3A_40, %sign3A_48 : vector<160x160xi32>
    %sign3A_50 = arith.extui %sign3A_49 : vector<160x160xi1> to vector<160x160xi32>
    %sign3A_51 = arith.subi %sign3A_46, %sign3A_50 : vector<160x160xi32>
    %sign3A_52 = arith.constant 0 : i32
    %sign3A_53 = arith.cmpi sgt, %jit3A_42, %sign3A_52 : i32
    %sign3A_54 = arith.extui %sign3A_53 : i1 to i32
    %sign3A_55 = arith.constant 0 : i32
    %sign3A_56 = arith.cmpi slt, %jit3A_42, %sign3A_55 : i32
    %sign3A_57 = arith.extui %sign3A_56 : i1 to i32
    %sign3A_58 = arith.subi %sign3A_54, %sign3A_57 : i32
    %ne3A_59 = vector.broadcast %sign3A_58 : i32 to vector<160x160xi32>
    %ne3A_60 = arith.cmpi ne, %sign3A_51, %ne3A_59 : vector<160x160xi32>
    %rem3A_61 = vector.broadcast %jit3A_42 : i32 to vector<160x160xi32>
    %rem3A_62 = arith.remsi %iota3A_40, %rem3A_61 : vector<160x160xi32>
    %ne3A_63 = arith.constant 0 : i32
    %ne3A_64 = vector.broadcast %ne3A_63 : i32 to vector<160x160xi32>
    %ne3A_65 = arith.cmpi ne, %rem3A_62, %ne3A_64 : vector<160x160xi32>
    %and3A_66 = arith.andi %ne3A_60, %ne3A_65 : vector<160x160xi1>
    %sub3A = arith.constant 1 : i32
    %sub3A_67 = vector.broadcast %sub3A : i32 to vector<160x160xi32>
    %sub3A_68 = arith.subi %div3A_43, %sub3A_67 : vector<160x160xi32>
    %select_n3A_69 = arith.select %and3A_66, %sub3A_68, %div3A_43 : vector<160x160xi1>, vector<160x160xi32>
    %jit3A_70 = arith.constant 20 : i32
    %div3A_71 = vector.broadcast %jit3A_70 : i32 to vector<160x160xi32>
    %div3A_72 = arith.divsi %iota3A_41, %div3A_71 : vector<160x160xi32>
    %sign3A_73 = arith.constant 0 : i32
    %sign3A_74 = vector.broadcast %sign3A_73 : i32 to vector<160x160xi32>
    %sign3A_75 = arith.cmpi sgt, %iota3A_41, %sign3A_74 : vector<160x160xi32>
    %sign3A_76 = arith.extui %sign3A_75 : vector<160x160xi1> to vector<160x160xi32>
    %sign3A_77 = arith.constant 0 : i32
    %sign3A_78 = vector.broadcast %sign3A_77 : i32 to vector<160x160xi32>
    %sign3A_79 = arith.cmpi slt, %iota3A_41, %sign3A_78 : vector<160x160xi32>
    %sign3A_80 = arith.extui %sign3A_79 : vector<160x160xi1> to vector<160x160xi32>
    %sign3A_81 = arith.subi %sign3A_76, %sign3A_80 : vector<160x160xi32>
    %sign3A_82 = arith.constant 0 : i32
    %sign3A_83 = arith.cmpi sgt, %jit3A_70, %sign3A_82 : i32
    %sign3A_84 = arith.extui %sign3A_83 : i1 to i32
    %sign3A_85 = arith.constant 0 : i32
    %sign3A_86 = arith.cmpi slt, %jit3A_70, %sign3A_85 : i32
    %sign3A_87 = arith.extui %sign3A_86 : i1 to i32
    %sign3A_88 = arith.subi %sign3A_84, %sign3A_87 : i32
    %ne3A_89 = vector.broadcast %sign3A_88 : i32 to vector<160x160xi32>
    %ne3A_90 = arith.cmpi ne, %sign3A_81, %ne3A_89 : vector<160x160xi32>
    %rem3A_91 = vector.broadcast %jit3A_70 : i32 to vector<160x160xi32>
    %rem3A_92 = arith.remsi %iota3A_41, %rem3A_91 : vector<160x160xi32>
    %ne3A_93 = arith.constant 0 : i32
    %ne3A_94 = vector.broadcast %ne3A_93 : i32 to vector<160x160xi32>
    %ne3A_95 = arith.cmpi ne, %rem3A_92, %ne3A_94 : vector<160x160xi32>
    %and3A_96 = arith.andi %ne3A_90, %ne3A_95 : vector<160x160xi1>
    %sub3A_97 = arith.constant 1 : i32
    %sub3A_98 = vector.broadcast %sub3A_97 : i32 to vector<160x160xi32>
    %sub3A_99 = arith.subi %div3A_72, %sub3A_98 : vector<160x160xi32>
    %select_n3A_100 = arith.select %and3A_96, %sub3A_99, %div3A_72 : vector<160x160xi1>, vector<160x160xi32>
    %eq3A_101 = arith.cmpi eq, %select_n3A_69, %select_n3A_100 : vector<160x160xi32>
    %convert_element_type3A_102 = arith.extui %eq3A_101 : vector<160x160xi1> to vector<160x160xi32>
    %convert_element_type3A_103 = arith.sitofp %convert_element_type3A_102 : vector<160x160xi32> to vector<160x160xf32>
    %dot_general3A_104 = arith.constant dense<0.000000e+00> : vector<160x160xf32>
    %dot_general3A_105 = tpu.matmul %get3A_18, %convert_element_type3A_39, %dot_general3A_104 {dimension_numbers = #tpu.dot_dimension_numbers<[1], [0], [0], [1], [0, 0, 1, 1], [], []>, transpose_lhs_hint = false} : vector<160x20xf32>, vector<20x160xf32>, vector<160x160xf32> -> vector<160x160xf32>
    %mul3A = arith.mulf %dot_general3A_105, %convert_element_type3A_103 : vector<160x160xf32>
    %reduce_sum3A = arith.constant dense<0.000000e+00> : vector<160xf32>
    %reduce_sum3A_106 = vector.multi_reduction <add>, %get3A_18, %reduce_sum3A [1] : vector<160x20xf32> to vector<160xf32>
    %broadcast_in_dim3A = vector.shape_cast %reduce_sum3A_106 : vector<160xf32> to vector<160x1xf32>
    %max3A = arith.constant 1.000000e+00 : f32
    %max3A_107 = vector.broadcast %max3A : f32 to vector<160x1xf32>
    %max3A_108 = arith.maximumf %broadcast_in_dim3A, %max3A_107 : vector<160x1xf32>
    %get3A_109 = arith.constant 0 : index
    %get3A_110 = arith.constant 0 : index
    %get3A_111 = vector.load %arg4[%get3A_109, %get3A_110] : memref<160x16xf32, #tpu.memory_space<vmem>>, vector<160x16xf32>
    %div3A_112 = vector.broadcast %max3A_108 : vector<160x1xf32> to vector<160x16xf32>
    %div3A_113 = arith.divf %get3A_111, %div3A_112 : vector<160x16xf32>
    %dot_general3A_114 = arith.constant dense<0.000000e+00> : vector<160x128xf32>
    %dot_general3A_115 = tpu.matmul %mul3A, %add3A, %dot_general3A_114 {dimension_numbers = #tpu.dot_dimension_numbers<[1], [0], [0], [1], [0, 0, 1, 1], [], []>, transpose_lhs_hint = false} : vector<160x160xf32>, vector<160x128xf32>, vector<160x128xf32> -> vector<160x128xf32>
    %div3A_116 = vector.broadcast %max3A_108 : vector<160x1xf32> to vector<160x128xf32>
    %div3A_117 = arith.divf %dot_general3A_115, %div3A_116 : vector<160x128xf32>
    %get3A_118 = arith.constant 0 : index
    %get3A_119 = arith.constant 0 : index
    %get3A_120 = vector.load %arg8[%get3A_118, %get3A_119] : memref<128x128xf32, #tpu.memory_space<vmem>>, vector<128x128xf32>
    %dot_general3A_121 = arith.constant dense<0.000000e+00> : vector<160x128xf32>
    %dot_general3A_122 = tpu.matmul %div3A_117, %get3A_120, %dot_general3A_121 {dimension_numbers = #tpu.dot_dimension_numbers<[1], [0], [0], [1], [0, 0, 1, 1], [], []>, transpose_lhs_hint = false} : vector<160x128xf32>, vector<128x128xf32>, vector<160x128xf32> -> vector<160x128xf32>
    %get3A_123 = arith.constant 0 : index
    %get3A_124 = arith.constant 0 : index
    %get3A_125 = vector.load %arg9[%get3A_123, %get3A_124] : memref<16x128xf32, #tpu.memory_space<vmem>>, vector<16x128xf32>
    %dot_general3A_126 = arith.constant dense<0.000000e+00> : vector<160x128xf32>
    %dot_general3A_127 = tpu.matmul %div3A_113, %get3A_125, %dot_general3A_126 {dimension_numbers = #tpu.dot_dimension_numbers<[1], [0], [0], [1], [0, 0, 1, 1], [], []>, transpose_lhs_hint = false} : vector<160x16xf32>, vector<16x128xf32>, vector<160x128xf32> -> vector<160x128xf32>
    %add3A_128 = arith.addf %dot_general3A_122, %dot_general3A_127 : vector<160x128xf32>
    %get3A_129 = arith.constant 0 : index
    %get3A_130 = arith.constant 0 : index
    %get3A_131 = vector.load %arg7[%get3A_129, %get3A_130] : memref<128x128xf32, #tpu.memory_space<vmem>>, vector<128x128xf32>
    %dot_general3A_132 = arith.constant dense<0.000000e+00> : vector<160x128xf32>
    %dot_general3A_133 = tpu.matmul %add3A, %get3A_131, %dot_general3A_132 {dimension_numbers = #tpu.dot_dimension_numbers<[1], [0], [0], [1], [0, 0, 1, 1], [], []>, transpose_lhs_hint = false} : vector<160x128xf32>, vector<128x128xf32>, vector<160x128xf32> -> vector<160x128xf32>
    %add3A_134 = arith.addf %dot_general3A_133, %add3A_128 : vector<160x128xf32>
    %get3A_135 = arith.constant 0 : index
    %get3A_136 = arith.constant 0 : index
    %get3A_137 = vector.load %arg10[%get3A_135, %get3A_136] : memref<1x128xf32, #tpu.memory_space<vmem>>, vector<1x128xf32>
    %add3A_138 = vector.broadcast %get3A_137 : vector<1x128xf32> to vector<160x128xf32>
    %add3A_139 = arith.addf %add3A_134, %add3A_138 : vector<160x128xf32>
    %max3A_140 = arith.constant 0.000000e+00 : f32
    %max3A_141 = vector.broadcast %max3A_140 : f32 to vector<160x128xf32>
    %max3A_142 = arith.maximumf %add3A_139, %max3A_141 : vector<160x128xf32>
    %dot_general3A_143 = arith.constant dense<0.000000e+00> : vector<160x128xf32>
    %dot_general3A_144 = tpu.matmul %mul3A, %max3A_142, %dot_general3A_143 {dimension_numbers = #tpu.dot_dimension_numbers<[1], [0], [0], [1], [0, 0, 1, 1], [], []>, transpose_lhs_hint = false} : vector<160x160xf32>, vector<160x128xf32>, vector<160x128xf32> -> vector<160x128xf32>
    %div3A_145 = vector.broadcast %max3A_108 : vector<160x1xf32> to vector<160x128xf32>
    %div3A_146 = arith.divf %dot_general3A_144, %div3A_145 : vector<160x128xf32>
    %get3A_147 = arith.constant 0 : index
    %get3A_148 = arith.constant 0 : index
    %get3A_149 = vector.load %arg12[%get3A_147, %get3A_148] : memref<128x128xf32, #tpu.memory_space<vmem>>, vector<128x128xf32>
    %dot_general3A_150 = arith.constant dense<0.000000e+00> : vector<160x128xf32>
    %dot_general3A_151 = tpu.matmul %div3A_146, %get3A_149, %dot_general3A_150 {dimension_numbers = #tpu.dot_dimension_numbers<[1], [0], [0], [1], [0, 0, 1, 1], [], []>, transpose_lhs_hint = false} : vector<160x128xf32>, vector<128x128xf32>, vector<160x128xf32> -> vector<160x128xf32>
    %get3A_152 = arith.constant 0 : index
    %get3A_153 = arith.constant 0 : index
    %get3A_154 = vector.load %arg13[%get3A_152, %get3A_153] : memref<16x128xf32, #tpu.memory_space<vmem>>, vector<16x128xf32>
    %dot_general3A_155 = arith.constant dense<0.000000e+00> : vector<160x128xf32>
    %dot_general3A_156 = tpu.matmul %div3A_113, %get3A_154, %dot_general3A_155 {dimension_numbers = #tpu.dot_dimension_numbers<[1], [0], [0], [1], [0, 0, 1, 1], [], []>, transpose_lhs_hint = false} : vector<160x16xf32>, vector<16x128xf32>, vector<160x128xf32> -> vector<160x128xf32>
    %add3A_157 = arith.addf %dot_general3A_151, %dot_general3A_156 : vector<160x128xf32>
    %get3A_158 = arith.constant 0 : index
    %get3A_159 = arith.constant 0 : index
    %get3A_160 = vector.load %arg11[%get3A_158, %get3A_159] : memref<128x128xf32, #tpu.memory_space<vmem>>, vector<128x128xf32>
    %dot_general3A_161 = arith.constant dense<0.000000e+00> : vector<160x128xf32>
    %dot_general3A_162 = tpu.matmul %max3A_142, %get3A_160, %dot_general3A_161 {dimension_numbers = #tpu.dot_dimension_numbers<[1], [0], [0], [1], [0, 0, 1, 1], [], []>, transpose_lhs_hint = false} : vector<160x128xf32>, vector<128x128xf32>, vector<160x128xf32> -> vector<160x128xf32>
    %add3A_163 = arith.addf %dot_general3A_162, %add3A_157 : vector<160x128xf32>
    %get3A_164 = arith.constant 0 : index
    %get3A_165 = arith.constant 0 : index
    %get3A_166 = vector.load %arg14[%get3A_164, %get3A_165] : memref<1x128xf32, #tpu.memory_space<vmem>>, vector<1x128xf32>
    %add3A_167 = vector.broadcast %get3A_166 : vector<1x128xf32> to vector<160x128xf32>
    %add3A_168 = arith.addf %add3A_163, %add3A_167 : vector<160x128xf32>
    %max3A_169 = arith.constant 0.000000e+00 : f32
    %max3A_170 = vector.broadcast %max3A_169 : f32 to vector<160x128xf32>
    %max3A_171 = arith.maximumf %add3A_168, %max3A_170 : vector<160x128xf32>
    %get3A_172 = arith.constant 0 : index
    %get3A_173 = arith.constant 0 : index
    %get3A_174 = vector.load %arg15[%get3A_172, %get3A_173] : memref<128x128xf32, #tpu.memory_space<vmem>>, vector<128x128xf32>
    %dot_general3A_175 = arith.constant dense<0.000000e+00> : vector<160x128xf32>
    %dot_general3A_176 = tpu.matmul %max3A_171, %get3A_174, %dot_general3A_175 {dimension_numbers = #tpu.dot_dimension_numbers<[1], [0], [0], [1], [0, 0, 1, 1], [], []>, transpose_lhs_hint = false} : vector<160x128xf32>, vector<128x128xf32>, vector<160x128xf32> -> vector<160x128xf32>
    %get3A_177 = arith.constant 0 : index
    %get3A_178 = arith.constant 0 : index
    %get3A_179 = vector.load %arg16[%get3A_177, %get3A_178] : memref<1x128xf32, #tpu.memory_space<vmem>>, vector<1x128xf32>
    %add3A_180 = vector.broadcast %get3A_179 : vector<1x128xf32> to vector<160x128xf32>
    %add3A_181 = arith.addf %dot_general3A_176, %add3A_180 : vector<160x128xf32>
    %max3A_182 = arith.constant 0.000000e+00 : f32
    %max3A_183 = vector.broadcast %max3A_182 : f32 to vector<160x128xf32>
    %max3A_184 = arith.maximumf %add3A_181, %max3A_183 : vector<160x128xf32>
    %get3A_185 = arith.constant 0 : index
    %get3A_186 = arith.constant 0 : index
    %get3A_187 = vector.load %arg17[%get3A_185, %get3A_186] : memref<128x128xf32, #tpu.memory_space<vmem>>, vector<128x128xf32>
    %dot_general3A_188 = arith.constant dense<0.000000e+00> : vector<160x128xf32>
    %dot_general3A_189 = tpu.matmul %max3A_171, %get3A_187, %dot_general3A_188 {dimension_numbers = #tpu.dot_dimension_numbers<[1], [0], [0], [1], [0, 0, 1, 1], [], []>, transpose_lhs_hint = false} : vector<160x128xf32>, vector<128x128xf32>, vector<160x128xf32> -> vector<160x128xf32>
    %get3A_190 = arith.constant 0 : index
    %get3A_191 = arith.constant 0 : index
    %get3A_192 = vector.load %arg18[%get3A_190, %get3A_191] : memref<1x128xf32, #tpu.memory_space<vmem>>, vector<1x128xf32>
    %add3A_193 = vector.broadcast %get3A_192 : vector<1x128xf32> to vector<160x128xf32>
    %add3A_194 = arith.addf %dot_general3A_189, %add3A_193 : vector<160x128xf32>
    %max3A_195 = arith.constant 0.000000e+00 : f32
    %max3A_196 = vector.broadcast %max3A_195 : f32 to vector<160x128xf32>
    %max3A_197 = arith.maximumf %add3A_194, %max3A_196 : vector<160x128xf32>
    %get3A_198 = arith.constant 0 : index
    %get3A_199 = arith.constant 0 : index
    %get3A_200 = vector.load %arg19[%get3A_198, %get3A_199] : memref<16x128xf32, #tpu.memory_space<vmem>>, vector<16x128xf32>
    %dot_general3A_201 = arith.constant dense<0.000000e+00> : vector<160x128xf32>
    %dot_general3A_202 = tpu.matmul %dot_general3A_7, %get3A_200, %dot_general3A_201 {dimension_numbers = #tpu.dot_dimension_numbers<[1], [0], [0], [1], [0, 0, 1, 1], [], []>, transpose_lhs_hint = false} : vector<160x16xf32>, vector<16x128xf32>, vector<160x128xf32> -> vector<160x128xf32>
    %get3A_203 = arith.constant 0 : index
    %get3A_204 = arith.constant 0 : index
    %get3A_205 = vector.load %arg20[%get3A_203, %get3A_204] : memref<1x128xf32, #tpu.memory_space<vmem>>, vector<1x128xf32>
    %add3A_206 = vector.broadcast %get3A_205 : vector<1x128xf32> to vector<160x128xf32>
    %add3A_207 = arith.addf %dot_general3A_202, %add3A_206 : vector<160x128xf32>
    %logistic3A = arith.negf %add3A_207 : vector<160x128xf32>
    %logistic3A_208 = math.exp %logistic3A : vector<160x128xf32>
    %logistic3A_209 = arith.constant 1.000000e+00 : f32
    %logistic3A_210 = vector.broadcast %logistic3A_209 : f32 to vector<160x128xf32>
    %logistic3A_211 = arith.addf %logistic3A_210, %logistic3A_208 : vector<160x128xf32>
    %logistic3A_212 = arith.divf %logistic3A_210, %logistic3A_211 : vector<160x128xf32>
    %get3A_213 = arith.constant 0 : index
    %get3A_214 = arith.constant 0 : index
    %get3A_215 = vector.load %arg21[%get3A_213, %get3A_214] : memref<16x128xf32, #tpu.memory_space<vmem>>, vector<16x128xf32>
    %dot_general3A_216 = arith.constant dense<0.000000e+00> : vector<160x128xf32>
    %dot_general3A_217 = tpu.matmul %dot_general3A_7, %get3A_215, %dot_general3A_216 {dimension_numbers = #tpu.dot_dimension_numbers<[1], [0], [0], [1], [0, 0, 1, 1], [], []>, transpose_lhs_hint = false} : vector<160x16xf32>, vector<16x128xf32>, vector<160x128xf32> -> vector<160x128xf32>
    %get3A_218 = arith.constant 0 : index
    %get3A_219 = arith.constant 0 : index
    %get3A_220 = vector.load %arg22[%get3A_218, %get3A_219] : memref<1x128xf32, #tpu.memory_space<vmem>>, vector<1x128xf32>
    %add3A_221 = vector.broadcast %get3A_220 : vector<1x128xf32> to vector<160x128xf32>
    %add3A_222 = arith.addf %dot_general3A_217, %add3A_221 : vector<160x128xf32>
    %logistic3A_223 = arith.negf %add3A_222 : vector<160x128xf32>
    %logistic3A_224 = math.exp %logistic3A_223 : vector<160x128xf32>
    %logistic3A_225 = arith.constant 1.000000e+00 : f32
    %logistic3A_226 = vector.broadcast %logistic3A_225 : f32 to vector<160x128xf32>
    %logistic3A_227 = arith.addf %logistic3A_226, %logistic3A_224 : vector<160x128xf32>
    %logistic3A_228 = arith.divf %logistic3A_226, %logistic3A_227 : vector<160x128xf32>
    %mul3A_229 = arith.mulf %max3A_197, %logistic3A_228 : vector<160x128xf32>
    %swap3A = arith.constant 0 : index
    %swap3A_230 = arith.constant 0 : index
    %swap3A_231 = vector.load %arg25[%swap3A, %swap3A_230] : memref<160x128xf32, #tpu.memory_space<vmem>>, vector<160x128xf32>
    tpu.vector_store %arg25[%swap3A, %swap3A_230], %mul3A_229 {strides = array<i32>} : memref<160x128xf32, #tpu.memory_space<vmem>>, vector<160x128xf32>,
    %mul3A_232 = arith.mulf %max3A_184, %logistic3A_212 : vector<160x128xf32>
    %iota3A_233 = tpu.iota {dimensions = array<i32: 0>} : vector<8x160xi32>
    %iota3A_234 = tpu.iota {dimensions = array<i32: 1>} : vector<8x160xi32>
    %jit3A_235 = arith.constant 20 : i32
    %div3A_236 = vector.broadcast %jit3A_235 : i32 to vector<8x160xi32>
    %div3A_237 = arith.divsi %iota3A_234, %div3A_236 : vector<8x160xi32>
    %sign3A_238 = arith.constant 0 : i32
    %sign3A_239 = vector.broadcast %sign3A_238 : i32 to vector<8x160xi32>
    %sign3A_240 = arith.cmpi sgt, %iota3A_234, %sign3A_239 : vector<8x160xi32>
    %sign3A_241 = arith.extui %sign3A_240 : vector<8x160xi1> to vector<8x160xi32>
    %sign3A_242 = arith.constant 0 : i32
    %sign3A_243 = vector.broadcast %sign3A_242 : i32 to vector<8x160xi32>
    %sign3A_244 = arith.cmpi slt, %iota3A_234, %sign3A_243 : vector<8x160xi32>
    %sign3A_245 = arith.extui %sign3A_244 : vector<8x160xi1> to vector<8x160xi32>
    %sign3A_246 = arith.subi %sign3A_241, %sign3A_245 : vector<8x160xi32>
    %sign3A_247 = arith.constant 0 : i32
    %sign3A_248 = arith.cmpi sgt, %jit3A_235, %sign3A_247 : i32
    %sign3A_249 = arith.extui %sign3A_248 : i1 to i32
    %sign3A_250 = arith.constant 0 : i32
    %sign3A_251 = arith.cmpi slt, %jit3A_235, %sign3A_250 : i32
    %sign3A_252 = arith.extui %sign3A_251 : i1 to i32
    %sign3A_253 = arith.subi %sign3A_249, %sign3A_252 : i32
    %ne3A_254 = vector.broadcast %sign3A_253 : i32 to vector<8x160xi32>
    %ne3A_255 = arith.cmpi ne, %sign3A_246, %ne3A_254 : vector<8x160xi32>
    %rem3A_256 = vector.broadcast %jit3A_235 : i32 to vector<8x160xi32>
    %rem3A_257 = arith.remsi %iota3A_234, %rem3A_256 : vector<8x160xi32>
    %ne3A_258 = arith.constant 0 : i32
    %ne3A_259 = vector.broadcast %ne3A_258 : i32 to vector<8x160xi32>
    %ne3A_260 = arith.cmpi ne, %rem3A_257, %ne3A_259 : vector<8x160xi32>
    %and3A_261 = arith.andi %ne3A_255, %ne3A_260 : vector<8x160xi1>
    %sub3A_262 = arith.constant 1 : i32
    %sub3A_263 = vector.broadcast %sub3A_262 : i32 to vector<8x160xi32>
    %sub3A_264 = arith.subi %div3A_237, %sub3A_263 : vector<8x160xi32>
    %select_n3A_265 = arith.select %and3A_261, %sub3A_264, %div3A_237 : vector<8x160xi1>, vector<8x160xi32>
    %eq3A_266 = arith.cmpi eq, %select_n3A_265, %iota3A_233 : vector<8x160xi32>
    %convert_element_type3A_267 = arith.extui %eq3A_266 : vector<8x160xi1> to vector<8x160xi32>
    %convert_element_type3A_268 = arith.sitofp %convert_element_type3A_267 : vector<8x160xi32> to vector<8x160xf32>
    %mul3A_269 = arith.constant 5.000000e-02 : f32
    %mul3A_270 = vector.broadcast %mul3A_269 : f32 to vector<8x160xf32>
    %mul3A_271 = arith.mulf %convert_element_type3A_268, %mul3A_270 : vector<8x160xf32>
    %mul3A_272 = arith.constant 20 : i32
    %mul3A_273 = vector.broadcast %mul3A_272 : i32 to vector<8x160xi32>
    %mul3A_274 = arith.muli %iota3A_233, %mul3A_273 : vector<8x160xi32>
    %eq3A_275 = arith.cmpi eq, %iota3A_234, %mul3A_274 : vector<8x160xi32>
    %convert_element_type3A_276 = arith.extui %eq3A_275 : vector<8x160xi1> to vector<8x160xi32>
    %convert_element_type3A_277 = arith.sitofp %convert_element_type3A_276 : vector<8x160xi32> to vector<8x160xf32>
    %dot_general3A_278 = arith.constant dense<0.000000e+00> : vector<8x128xf32>
    %dot_general3A_279 = tpu.matmul %mul3A_271, %mul3A_232, %dot_general3A_278 {dimension_numbers = #tpu.dot_dimension_numbers<[1], [0], [0], [1], [0, 0, 1, 1], [], []>, transpose_lhs_hint = false} : vector<8x160xf32>, vector<160x128xf32>, vector<8x128xf32> -> vector<8x128xf32>
    %swap3A_280 = arith.constant 0 : index
    %swap3A_281 = arith.constant 0 : index
    %swap3A_282 = vector.load %arg26[%swap3A_280, %swap3A_281] : memref<8x128xf32, #tpu.memory_space<vmem>>, vector<8x128xf32>
    tpu.vector_store %arg26[%swap3A_280, %swap3A_281], %dot_general3A_279 {strides = array<i32>} : memref<8x128xf32, #tpu.memory_space<vmem>>, vector<8x128xf32>,
    %dot_general3A_283 = arith.constant dense<0.000000e+00> : vector<8x128xf32>
    %dot_general3A_284 = tpu.matmul %convert_element_type3A_277, %max3A_171, %dot_general3A_283 {dimension_numbers = #tpu.dot_dimension_numbers<[1], [0], [0], [1], [0, 0, 1, 1], [], []>, transpose_lhs_hint = false} : vector<8x160xf32>, vector<160x128xf32>, vector<8x128xf32> -> vector<8x128xf32>
    %dot_general3A_285 = arith.constant dense<0.000000e+00> : vector<8x16xf32>
    %dot_general3A_286 = tpu.matmul %convert_element_type3A_277, %dot_general3A_7, %dot_general3A_285 {dimension_numbers = #tpu.dot_dimension_numbers<[1], [0], [0], [1], [0, 0, 1, 1], [], []>, transpose_lhs_hint = false} : vector<8x160xf32>, vector<160x16xf32>, vector<8x16xf32> -> vector<8x16xf32>
    %get3A_287 = arith.constant 0 : index
    %get3A_288 = arith.constant 0 : index
    %get3A_289 = vector.load %arg23[%get3A_287, %get3A_288] : memref<16x128xf32, #tpu.memory_space<vmem>>, vector<16x128xf32>
    %dot_general3A_290 = arith.constant dense<0.000000e+00> : vector<8x128xf32>
    %dot_general3A_291 = tpu.matmul %dot_general3A_286, %get3A_289, %dot_general3A_290 {dimension_numbers = #tpu.dot_dimension_numbers<[1], [0], [0], [1], [0, 0, 1, 1], [], []>, transpose_lhs_hint = false} : vector<8x16xf32>, vector<16x128xf32>, vector<8x128xf32> -> vector<8x128xf32>
    %get3A_292 = arith.constant 0 : index
    %get3A_293 = arith.constant 0 : index
    %get3A_294 = vector.load %arg24[%get3A_292, %get3A_293] : memref<1x128xf32, #tpu.memory_space<vmem>>, vector<1x128xf32>
    %add3A_295 = vector.broadcast %get3A_294 : vector<1x128xf32> to vector<8x128xf32>
    %add3A_296 = arith.addf %dot_general3A_291, %add3A_295 : vector<8x128xf32>
    %logistic3A_297 = arith.negf %add3A_296 : vector<8x128xf32>
    %logistic3A_298 = math.exp %logistic3A_297 : vector<8x128xf32>
    %logistic3A_299 = arith.constant 1.000000e+00 : f32
    %logistic3A_300 = vector.broadcast %logistic3A_299 : f32 to vector<8x128xf32>
    %logistic3A_301 = arith.addf %logistic3A_300, %logistic3A_298 : vector<8x128xf32>
    %logistic3A_302 = arith.divf %logistic3A_300, %logistic3A_301 : vector<8x128xf32>
    %mul3A_303 = arith.mulf %dot_general3A_284, %logistic3A_302 : vector<8x128xf32>
    %swap3A_304 = arith.constant 0 : index
    %swap3A_305 = arith.constant 0 : index
    %swap3A_306 = vector.load %arg27[%swap3A_304, %swap3A_305] : memref<8x128xf32, #tpu.memory_space<vmem>>, vector<8x128xf32>
    tpu.vector_store %arg27[%swap3A_304, %swap3A_305], %mul3A_303 {strides = array<i32>} : memref<8x128xf32, #tpu.memory_space<vmem>>, vector<8x128xf32>,
    return
  }
  func.func @transform_0(%arg0: i32) -> (i32, i32) {
    %c0_i32 = arith.constant 0 : i32
    %c0_i32_0 = arith.constant 0 : i32
    return %arg0, %c0_i32 : i32, i32
  }
  func.func @transform_1(%arg0: i32) -> (i32, i32) {
    %c0_i32 = arith.constant 0 : i32
    %c0_i32_0 = arith.constant 0 : i32
    return %arg0, %c0_i32 : i32, i32
  }
  func.func @transform_2(%arg0: i32) -> (i32, i32) {
    %c0_i32 = arith.constant 0 : i32
    %c0_i32_0 = arith.constant 0 : i32
    return %arg0, %c0_i32 : i32, i32
  }
  func.func @transform_3(%arg0: i32) -> (i32, i32) {
    %c0_i32 = arith.constant 0 : i32
    %c0_i32_0 = arith.constant 0 : i32
    return %arg0, %c0_i32 : i32, i32
  }
  func.func @transform_4(%arg0: i32) -> (i32, i32) {
    %c0_i32 = arith.constant 0 : i32
    %c0_i32_0 = arith.constant 0 : i32
    %c0_i32_1 = arith.constant 0 : i32
    return %c0_i32, %c0_i32_0 : i32, i32
  }
  func.func @transform_5(%arg0: i32) -> (i32, i32) {
    %c0_i32 = arith.constant 0 : i32
    %c0_i32_0 = arith.constant 0 : i32
    %c0_i32_1 = arith.constant 0 : i32
    return %c0_i32, %c0_i32_0 : i32, i32
  }
  func.func @transform_6(%arg0: i32) -> (i32, i32) {
    %c0_i32 = arith.constant 0 : i32
    %c0_i32_0 = arith.constant 0 : i32
    %c0_i32_1 = arith.constant 0 : i32
    return %c0_i32, %c0_i32_0 : i32, i32
  }
  func.func @transform_7(%arg0: i32) -> (i32, i32) {
    %c0_i32 = arith.constant 0 : i32
    %c0_i32_0 = arith.constant 0 : i32
    %c0_i32_1 = arith.constant 0 : i32
    return %c0_i32, %c0_i32_0 : i32, i32
  }
  func.func @transform_8(%arg0: i32) -> (i32, i32) {
    %c0_i32 = arith.constant 0 : i32
    %c0_i32_0 = arith.constant 0 : i32
    %c0_i32_1 = arith.constant 0 : i32
    return %c0_i32, %c0_i32_0 : i32, i32
  }
  func.func @transform_9(%arg0: i32) -> (i32, i32) {
    %c0_i32 = arith.constant 0 : i32
    %c0_i32_0 = arith.constant 0 : i32
    %c0_i32_1 = arith.constant 0 : i32
    return %c0_i32, %c0_i32_0 : i32, i32
  }
  func.func @transform_10(%arg0: i32) -> (i32, i32) {
    %c0_i32 = arith.constant 0 : i32
    %c0_i32_0 = arith.constant 0 : i32
    %c0_i32_1 = arith.constant 0 : i32
    return %c0_i32, %c0_i32_0 : i32, i32
  }
  func.func @transform_11(%arg0: i32) -> (i32, i32) {
    %c0_i32 = arith.constant 0 : i32
    %c0_i32_0 = arith.constant 0 : i32
    %c0_i32_1 = arith.constant 0 : i32
    return %c0_i32, %c0_i32_0 : i32, i32
  }
  func.func @transform_12(%arg0: i32) -> (i32, i32) {
    %c0_i32 = arith.constant 0 : i32
    %c0_i32_0 = arith.constant 0 : i32
    %c0_i32_1 = arith.constant 0 : i32
    return %c0_i32, %c0_i32_0 : i32, i32
  }
  func.func @transform_13(%arg0: i32) -> (i32, i32) {
    %c0_i32 = arith.constant 0 : i32
    %c0_i32_0 = arith.constant 0 : i32
    %c0_i32_1 = arith.constant 0 : i32
    return %c0_i32, %c0_i32_0 : i32, i32
  }
  func.func @transform_14(%arg0: i32) -> (i32, i32) {
    %c0_i32 = arith.constant 0 : i32
    %c0_i32_0 = arith.constant 0 : i32
    %c0_i32_1 = arith.constant 0 : i32
    return %c0_i32, %c0_i32_0 : i32, i32
  }
  func.func @transform_15(%arg0: i32) -> (i32, i32) {
    %c0_i32 = arith.constant 0 : i32
    %c0_i32_0 = arith.constant 0 : i32
    %c0_i32_1 = arith.constant 0 : i32
    return %c0_i32, %c0_i32_0 : i32, i32
  }
  func.func @transform_16(%arg0: i32) -> (i32, i32) {
    %c0_i32 = arith.constant 0 : i32
    %c0_i32_0 = arith.constant 0 : i32
    %c0_i32_1 = arith.constant 0 : i32
    return %c0_i32, %c0_i32_0 : i32, i32
  }
  func.func @transform_17(%arg0: i32) -> (i32, i32) {
    %c0_i32 = arith.constant 0 : i32
    %c0_i32_0 = arith.constant 0 : i32
    %c0_i32_1 = arith.constant 0 : i32
    return %c0_i32, %c0_i32_0 : i32, i32
  }
  func.func @transform_18(%arg0: i32) -> (i32, i32) {
    %c0_i32 = arith.constant 0 : i32
    %c0_i32_0 = arith.constant 0 : i32
    %c0_i32_1 = arith.constant 0 : i32
    return %c0_i32, %c0_i32_0 : i32, i32
  }
  func.func @transform_19(%arg0: i32) -> (i32, i32) {
    %c0_i32 = arith.constant 0 : i32
    %c0_i32_0 = arith.constant 0 : i32
    %c0_i32_1 = arith.constant 0 : i32
    return %c0_i32, %c0_i32_0 : i32, i32
  }
  func.func @transform_20(%arg0: i32) -> (i32, i32) {
    %c0_i32 = arith.constant 0 : i32
    %c0_i32_0 = arith.constant 0 : i32
    %c0_i32_1 = arith.constant 0 : i32
    return %c0_i32, %c0_i32_0 : i32, i32
  }
  func.func @transform_21(%arg0: i32) -> (i32, i32) {
    %c0_i32 = arith.constant 0 : i32
    %c0_i32_0 = arith.constant 0 : i32
    %c0_i32_1 = arith.constant 0 : i32
    return %c0_i32, %c0_i32_0 : i32, i32
  }
  func.func @transform_22(%arg0: i32) -> (i32, i32) {
    %c0_i32 = arith.constant 0 : i32
    %c0_i32_0 = arith.constant 0 : i32
    %c0_i32_1 = arith.constant 0 : i32
    return %c0_i32, %c0_i32_0 : i32, i32
  }
  func.func @transform_23(%arg0: i32) -> (i32, i32) {
    %c0_i32 = arith.constant 0 : i32
    %c0_i32_0 = arith.constant 0 : i32
    %c0_i32_1 = arith.constant 0 : i32
    return %c0_i32, %c0_i32_0 : i32, i32
  }
  func.func @transform_24(%arg0: i32) -> (i32, i32) {
    %c0_i32 = arith.constant 0 : i32
    %c0_i32_0 = arith.constant 0 : i32
    return %arg0, %c0_i32 : i32, i32
  }
  func.func @transform_25(%arg0: i32) -> (i32, i32) {
    %c0_i32 = arith.constant 0 : i32
    %c0_i32_0 = arith.constant 0 : i32
    return %arg0, %c0_i32 : i32, i32
  }
  func.func @transform_26(%arg0: i32) -> (i32, i32) {
    %c0_i32 = arith.constant 0 : i32
    %c0_i32_0 = arith.constant 0 : i32
    return %arg0, %c0_i32 : i32, i32
  }
}

module attributes {stable_mosaic.version = 14 : i64} {
  func.func @body(%arg0: i32, %arg1: memref<400x128xf32, #tpu.memory_space<vmem>>, %arg2: memref<400x128xf32, #tpu.memory_space<vmem>>, %arg3: memref<2x400x128xf32, #tpu.memory_space<vmem>>, %arg4: memref<400x1xf32, #tpu.memory_space<vmem>>, %arg5: memref<128x128xf32, #tpu.memory_space<vmem>>, %arg6: memref<128x128xf32, #tpu.memory_space<vmem>>, %arg7: memref<128x128xf32, #tpu.memory_space<vmem>>, %arg8: memref<1x128xf32, #tpu.memory_space<vmem>>, %arg9: memref<1x128xf32, #tpu.memory_space<vmem>>, %arg10: memref<1x128xf32, #tpu.memory_space<vmem>>, %arg11: memref<400x128xf32, #tpu.memory_space<vmem>>) attributes {dimension_semantics = [#tpu.dimension_semantics<arbitrary>], iteration_bounds = array<i64: 25>, scalar_prefetch = 0 : i64, scratch_operands = 0 : i64, tpu.core_type = #tpu.core_type<tc>, window_params = [{transform_indices = @transform_0, window_bounds = array<i64: 400, 128>}, {transform_indices = @transform_1, window_bounds = array<i64: 400, 128>}, {transform_indices = @transform_2, window_bounds = array<i64: 2, 400, 128>}, {transform_indices = @transform_3, window_bounds = array<i64: 400, 1>}, {pipeline_mode = #tpu.pipeline_mode<synchronous>, transform_indices = @transform_4, window_bounds = array<i64: 128, 128>}, {pipeline_mode = #tpu.pipeline_mode<synchronous>, transform_indices = @transform_5, window_bounds = array<i64: 128, 128>}, {pipeline_mode = #tpu.pipeline_mode<synchronous>, transform_indices = @transform_6, window_bounds = array<i64: 128, 128>}, {pipeline_mode = #tpu.pipeline_mode<synchronous>, transform_indices = @transform_7, window_bounds = array<i64: 1, 128>}, {pipeline_mode = #tpu.pipeline_mode<synchronous>, transform_indices = @transform_8, window_bounds = array<i64: 1, 128>}, {pipeline_mode = #tpu.pipeline_mode<synchronous>, transform_indices = @transform_9, window_bounds = array<i64: 1, 128>}, {transform_indices = @transform_10, window_bounds = array<i64: 400, 128>}]} {
    %get3A = arith.constant 0 : index
    %get3A_0 = arith.constant 0 : index
    %get3A_1 = arith.constant 0 : index
    %get3A_2 = vector.load %arg3[%get3A, %get3A_0, %get3A_1] : memref<2x400x128xf32, #tpu.memory_space<vmem>>, vector<1x400x128xf32>
    %get3A_3 = vector.shape_cast %get3A_2 : vector<1x400x128xf32> to vector<400x128xf32>
    %get3A_4 = arith.constant 1 : index
    %get3A_5 = arith.constant 0 : index
    %get3A_6 = arith.constant 0 : index
    %get3A_7 = vector.load %arg3[%get3A_4, %get3A_5, %get3A_6] : memref<2x400x128xf32, #tpu.memory_space<vmem>>, vector<1x400x128xf32>
    %get3A_8 = vector.shape_cast %get3A_7 : vector<1x400x128xf32> to vector<400x128xf32>
    %add3A = arith.addf %get3A_3, %get3A_8 : vector<400x128xf32>
    %get3A_9 = arith.constant 0 : index
    %get3A_10 = arith.constant 0 : index
    %get3A_11 = vector.load %arg4[%get3A_9, %get3A_10] : memref<400x1xf32, #tpu.memory_space<vmem>>, vector<400x1xf32>
    %max3A = arith.constant 1.000000e+00 : f32
    %max3A_12 = vector.broadcast %max3A : f32 to vector<400x1xf32>
    %max3A_13 = arith.maximumf %get3A_11, %max3A_12 : vector<400x1xf32>
    %div3A = vector.broadcast %max3A_13 : vector<400x1xf32> to vector<400x128xf32>
    %div3A_14 = arith.divf %add3A, %div3A : vector<400x128xf32>
    %get3A_15 = arith.constant 0 : index
    %get3A_16 = arith.constant 0 : index
    %get3A_17 = vector.load %arg1[%get3A_15, %get3A_16] : memref<400x128xf32, #tpu.memory_space<vmem>>, vector<400x128xf32>
    %get3A_18 = arith.constant 0 : index
    %get3A_19 = arith.constant 0 : index
    %get3A_20 = vector.load %arg5[%get3A_18, %get3A_19] : memref<128x128xf32, #tpu.memory_space<vmem>>, vector<128x128xf32>
    %dot_general3A = arith.constant dense<0.000000e+00> : vector<400x128xf32>
    %dot_general3A_21 = tpu.matmul %get3A_17, %get3A_20, %dot_general3A {dimension_numbers = #tpu.dot_dimension_numbers<[1], [0], [0], [1], [0, 0, 1, 1], [], []>, transpose_lhs_hint = false} : vector<400x128xf32>, vector<128x128xf32>, vector<400x128xf32> -> vector<400x128xf32>
    %get3A_22 = arith.constant 0 : index
    %get3A_23 = arith.constant 0 : index
    %get3A_24 = vector.load %arg2[%get3A_22, %get3A_23] : memref<400x128xf32, #tpu.memory_space<vmem>>, vector<400x128xf32>
    %get3A_25 = arith.constant 0 : index
    %get3A_26 = arith.constant 0 : index
    %get3A_27 = vector.load %arg6[%get3A_25, %get3A_26] : memref<128x128xf32, #tpu.memory_space<vmem>>, vector<128x128xf32>
    %dot_general3A_28 = arith.constant dense<0.000000e+00> : vector<400x128xf32>
    %dot_general3A_29 = tpu.matmul %get3A_24, %get3A_27, %dot_general3A_28 {dimension_numbers = #tpu.dot_dimension_numbers<[1], [0], [0], [1], [0, 0, 1, 1], [], []>, transpose_lhs_hint = false} : vector<400x128xf32>, vector<128x128xf32>, vector<400x128xf32> -> vector<400x128xf32>
    %add3A_30 = arith.addf %dot_general3A_21, %dot_general3A_29 : vector<400x128xf32>
    %get3A_31 = arith.constant 0 : index
    %get3A_32 = arith.constant 0 : index
    %get3A_33 = vector.load %arg7[%get3A_31, %get3A_32] : memref<128x128xf32, #tpu.memory_space<vmem>>, vector<128x128xf32>
    %dot_general3A_34 = arith.constant dense<0.000000e+00> : vector<400x128xf32>
    %dot_general3A_35 = tpu.matmul %div3A_14, %get3A_33, %dot_general3A_34 {dimension_numbers = #tpu.dot_dimension_numbers<[1], [0], [0], [1], [0, 0, 1, 1], [], []>, transpose_lhs_hint = false} : vector<400x128xf32>, vector<128x128xf32>, vector<400x128xf32> -> vector<400x128xf32>
    %add3A_36 = arith.addf %add3A_30, %dot_general3A_35 : vector<400x128xf32>
    %get3A_37 = arith.constant 0 : index
    %get3A_38 = arith.constant 0 : index
    %get3A_39 = vector.load %arg8[%get3A_37, %get3A_38] : memref<1x128xf32, #tpu.memory_space<vmem>>, vector<1x128xf32>
    %add3A_40 = vector.broadcast %get3A_39 : vector<1x128xf32> to vector<400x128xf32>
    %add3A_41 = arith.addf %add3A_36, %add3A_40 : vector<400x128xf32>
    %reduce_sum3A = arith.constant dense<0.000000e+00> : vector<400xf32>
    %reduce_sum3A_42 = vector.multi_reduction <add>, %add3A_41, %reduce_sum3A [1] : vector<400x128xf32> to vector<400xf32>
    %broadcast_in_dim3A = vector.shape_cast %reduce_sum3A_42 : vector<400xf32> to vector<400x1xf32>
    %div3A_43 = arith.constant 1.280000e+02 : f32
    %div3A_44 = vector.broadcast %div3A_43 : f32 to vector<400x1xf32>
    %div3A_45 = arith.divf %broadcast_in_dim3A, %div3A_44 : vector<400x1xf32>
    %sub3A = vector.broadcast %div3A_45 : vector<400x1xf32> to vector<400x128xf32>
    %sub3A_46 = arith.subf %add3A_41, %sub3A : vector<400x128xf32>
    %integer_pow3A = arith.mulf %sub3A_46, %sub3A_46 : vector<400x128xf32>
    %reduce_sum3A_47 = arith.constant dense<0.000000e+00> : vector<400xf32>
    %reduce_sum3A_48 = vector.multi_reduction <add>, %integer_pow3A, %reduce_sum3A_47 [1] : vector<400x128xf32> to vector<400xf32>
    %broadcast_in_dim3A_49 = vector.shape_cast %reduce_sum3A_48 : vector<400xf32> to vector<400x1xf32>
    %div3A_50 = arith.constant 1.280000e+02 : f32
    %div3A_51 = vector.broadcast %div3A_50 : f32 to vector<400x1xf32>
    %div3A_52 = arith.divf %broadcast_in_dim3A_49, %div3A_51 : vector<400x1xf32>
    %sub3A_53 = vector.broadcast %div3A_45 : vector<400x1xf32> to vector<400x128xf32>
    %sub3A_54 = arith.subf %add3A_41, %sub3A_53 : vector<400x128xf32>
    %add3A_55 = arith.constant 9.99999974E-6 : f32
    %add3A_56 = vector.broadcast %add3A_55 : f32 to vector<400x1xf32>
    %add3A_57 = arith.addf %div3A_52, %add3A_56 : vector<400x1xf32>
    %rsqrt3A = math.rsqrt %add3A_57 : vector<400x1xf32>
    %mul3A = vector.broadcast %rsqrt3A : vector<400x1xf32> to vector<400x128xf32>
    %mul3A_58 = arith.mulf %sub3A_54, %mul3A : vector<400x128xf32>
    %get3A_59 = arith.constant 0 : index
    %get3A_60 = arith.constant 0 : index
    %get3A_61 = vector.load %arg9[%get3A_59, %get3A_60] : memref<1x128xf32, #tpu.memory_space<vmem>>, vector<1x128xf32>
    %mul3A_62 = vector.broadcast %get3A_61 : vector<1x128xf32> to vector<400x128xf32>
    %mul3A_63 = arith.mulf %mul3A_58, %mul3A_62 : vector<400x128xf32>
    %get3A_64 = arith.constant 0 : index
    %get3A_65 = arith.constant 0 : index
    %get3A_66 = vector.load %arg10[%get3A_64, %get3A_65] : memref<1x128xf32, #tpu.memory_space<vmem>>, vector<1x128xf32>
    %add3A_67 = vector.broadcast %get3A_66 : vector<1x128xf32> to vector<400x128xf32>
    %add3A_68 = arith.addf %mul3A_63, %add3A_67 : vector<400x128xf32>
    %swap3A = arith.constant 0 : index
    %swap3A_69 = arith.constant 0 : index
    %swap3A_70 = vector.load %arg11[%swap3A, %swap3A_69] : memref<400x128xf32, #tpu.memory_space<vmem>>, vector<400x128xf32>
    tpu.vector_store %arg11[%swap3A, %swap3A_69], %add3A_68 {strides = array<i32>} : memref<400x128xf32, #tpu.memory_space<vmem>>, vector<400x128xf32>,
    return
  }
  func.func @transform_0(%arg0: i32) -> (i32, i32) {
    %c0_i32 = arith.constant 0 : i32
    %c0_i32_0 = arith.constant 0 : i32
    return %arg0, %c0_i32 : i32, i32
  }
  func.func @transform_1(%arg0: i32) -> (i32, i32) {
    %c0_i32 = arith.constant 0 : i32
    %c0_i32_0 = arith.constant 0 : i32
    return %arg0, %c0_i32 : i32, i32
  }
  func.func @transform_2(%arg0: i32) -> (i32, i32, i32) {
    %c0_i32 = arith.constant 0 : i32
    %c0_i32_0 = arith.constant 0 : i32
    %c0_i32_1 = arith.constant 0 : i32
    return %c0_i32, %arg0, %c0_i32_0 : i32, i32, i32
  }
  func.func @transform_3(%arg0: i32) -> (i32, i32) {
    %c0_i32 = arith.constant 0 : i32
    %c0_i32_0 = arith.constant 0 : i32
    return %arg0, %c0_i32 : i32, i32
  }
  func.func @transform_4(%arg0: i32) -> (i32, i32) {
    %c0_i32 = arith.constant 0 : i32
    %c0_i32_0 = arith.constant 0 : i32
    %c0_i32_1 = arith.constant 0 : i32
    return %c0_i32, %c0_i32_0 : i32, i32
  }
  func.func @transform_5(%arg0: i32) -> (i32, i32) {
    %c0_i32 = arith.constant 0 : i32
    %c0_i32_0 = arith.constant 0 : i32
    %c0_i32_1 = arith.constant 0 : i32
    return %c0_i32, %c0_i32_0 : i32, i32
  }
  func.func @transform_6(%arg0: i32) -> (i32, i32) {
    %c0_i32 = arith.constant 0 : i32
    %c0_i32_0 = arith.constant 0 : i32
    %c0_i32_1 = arith.constant 0 : i32
    return %c0_i32, %c0_i32_0 : i32, i32
  }
  func.func @transform_7(%arg0: i32) -> (i32, i32) {
    %c0_i32 = arith.constant 0 : i32
    %c0_i32_0 = arith.constant 0 : i32
    %c0_i32_1 = arith.constant 0 : i32
    return %c0_i32, %c0_i32_0 : i32, i32
  }
  func.func @transform_8(%arg0: i32) -> (i32, i32) {
    %c0_i32 = arith.constant 0 : i32
    %c0_i32_0 = arith.constant 0 : i32
    %c0_i32_1 = arith.constant 0 : i32
    return %c0_i32, %c0_i32_0 : i32, i32
  }
  func.func @transform_9(%arg0: i32) -> (i32, i32) {
    %c0_i32 = arith.constant 0 : i32
    %c0_i32_0 = arith.constant 0 : i32
    %c0_i32_1 = arith.constant 0 : i32
    return %c0_i32, %c0_i32_0 : i32, i32
  }
  func.func @transform_10(%arg0: i32) -> (i32, i32) {
    %c0_i32 = arith.constant 0 : i32
    %c0_i32_0 = arith.constant 0 : i32
    return %arg0, %c0_i32 : i32, i32
  }
}

</mosaic_0001>

<sc_bundles>
// kernel: kernel.12.cloned.1.call-start
scs
__scs_entry_jumppad:
0x0: {  	(pc) =	sbr.rel $0x88, $3  }
0x1: {  	(tag) =	ssettag $0x0;
	lr =	simm.s32 $0x1  }
0x2: {  	[smem:$0x3F83] =	sst lr;
	_ =	strace $0xD0000000  }
0x3: {  	_ = 	snop  }
0x4: {  	_ = 	snop  }
0x5: {  	_ = 	snop  }
0x6: {  	_ = 	snop  }
0x7: {  	_ = 	snop  }
__scs_overlays_trampoline_lowered:
0x8: {  	[smem:$0x3F92] =	sst s0  }
0x9: {  	[smem:$0x3F93] =	sst s1  }
0xa: {  	[smem:$0x3F94] =	sst s2  }
0xb: {  	[smem:$0x3F95] =	sst s3  }
0xc: {  	[smem:$0x3F96] =	sst s4  }
0xd: {  	[smem:$0x3F97] =	sst s5  }
0xe: {  	[smem:$0x3F98] =	sst s6  }
0xf: {  	[smem:$0x3F99] =	sst s7  }
0x10: {  	[smem:$0x3F9A] =	sst s8  }
0x11: {  	[smem:$0x3F9B] =	sst s9;
	s0 =	simm.s32 @!p0 $0x0  }
0x12: {  	s1 =	sld [smem:$0x3F81];
	s0 =	simm.s32 @p0 $0x1  }
0x13: {  	[smem:$0x3F9C] =	sst s0;
	s0 =	simm.s32 @!p1 $0x0  }
0x14: {  	s2 =	sld [smem:$0x3F80];
	s0 =	simm.s32 @p1 $0x1  }
0x15: {  	[smem:$0x3F9D] =	sst s0;
	s0 =	simm.s32 @!p2 $0x0  }
0x16: {  	s3 =	sld [smem:$0x3FDB];
	s0 =	simm.s32 @p2 $0x1  }
0x17: {  	s4 =	simm.s32 $0x1BF5;
	[smem:$0x3F9F] =	sst s0  }
0x18: {  	s0 =	sld [smem:$0x3F82];
	_ =	swait.ge [sflag:s4], $0x0  }
0x19: {  	s7 =	sld [smem:$0x3F83]  }
0x1a: {  	s8 =	sadd.s32 $0xFFFFE003, lr  }
0x1b: {  	s9 =	sadd.s32 $0xFFFFFEF7, lr;
	s5 =	simm.s32 $0xFFFFFFFF;
	p2 =	slt.u32 s8, $0xFFFFF086  }
0x1c: {  	p1 =	slt.u32 s9, $0xF7A;
	s5 =	simm.s32 @!p2 $0x0  }
0x1d: {  	s5 =	simm.s32 @p1 $0x1;
	p0 =	seq.s32 s7, s2  }
0x1e: {  	s7 =	smul.u32 @!p0 $0xF7A, s2;
	p2 =	seq.s32 @!p0 s5, $0x0  }
0x1f: {  	s9 =	smul.u32 $0xF7A, s1;
	s8 =	simm.s32 @!p0 $0x1BF5;
	p2 =	por !p2, p0  }
0x20: {  	[sflag:s8] =	ssyncset.s32 @!p0 $0xFFFFF086;
	s6 =	sadd.s32 @!p0 s3, s7;
	s7 =	simm.s32 @!p0 $0x108  }
0x21: {  	s3 =	sadd.s32 s3, s9;
	s6 =	sadd.s32 @!p0 $0x88, s6;
	s7 =	simm.s32 @p2 $0x1082  }
0x22: {  	[simem:s7], [sflag:s8] =	dma.local @!p0 [hbm:s6], $0xF7A  }
0x23: {  	s9 =	sor.u32 $0xD0000000, s2;
	s6 =	simm.s32 $0x108;
	_ =	swait.ge @!p0 [sflag:s8], $0x0  }
0x24: {  	s3 =	sadd.s32 $0x88, s3;
	s6 =	simm.s32 @!p1 $0x1082;
	[sflag:s4] =	ssyncset.s32 $0xFFFFF086  }
0x25: {  	[simem:s6], [sflag:s4] =	dma.local [hbm:s3], $0xF7A  }
0x26: {  	[smem:$0x3F83] =	sst s1;
	(tag) =	ssettag s2;
	_ =	strace s9  }
0x27: {  	s1 =	sld [smem:$0x3F93]  }
0x28: {  	s2 =	sld [smem:$0x3F94]  }
0x29: {  	s4 =	sld [smem:$0x3F96]  }
0x2a: {  	p0 =	seq.s32 s5, $0x0;
	s5 =	sld [smem:$0x3F97]  }
0x2b: {  	s6 =	sld [smem:$0x3F98]  }
0x2c: {  	s7 =	sld [smem:$0x3F99]  }
0x2d: {  	s3 =	simm.s32 $0x108;
	s8 =	sld [smem:$0x3F9A]  }
0x2e: {  	s3 =	simm.s32 @!p0 $0x1082;
	s9 =	sld [smem:$0x3F9B]  }
0x2f: {  	lr =	sadd.s32 s0, s3;
	s0 =	sld [smem:$0x3F92]  }
0x30: {  	s3 =	sld [smem:$0x3F95]  }
0x31: {  	[smem:$0x3F9E] =	sst s10  }
0x32: {  	s10 =	sld [smem:$0x3F9C];
	_ =	sdelay $0x3  }
0x33: {  	p0 =	seq.s32 s10, $0x1;
	s10 =	sld [smem:$0x3F9E];
	_ =	sdelay $0x3  }
0x34: {  	[smem:$0x3F9E] =	sst s10  }
0x35: {  	s10 =	sld [smem:$0x3F9D];
	_ =	sdelay $0x3  }
0x36: {  	p1 =	seq.s32 s10, $0x1;
	s10 =	sld [smem:$0x3F9E];
	_ =	sdelay $0x3  }
0x37: {  	[smem:$0x3F9E] =	sst s10  }
0x38: {  	s10 =	sld [smem:$0x3F9F]  }
0x39: {  	_ = 	snop;
	(pc) =	sbr.ind lr, $3  }
0x3a: {  	_ = 	snop  }
0x3b: {  	_ = 	snop  }
0x3c: {  	p2 =	seq.s32 s10, $0x1;
	s10 =	sld [smem:$0x3F9E]  }
0x3d: {  	_ =	shalt  }
0x3e: {  	_ =	shalt  }
0x3f: {  	_ =	shalt  }
0x40: {  	_ =	shalt  }
0x41: {  	_ =	shalt  }
0x42: {  	_ =	shalt  }
0x43: {  	_ =	shalt  }
0x44: {  	_ =	shalt  }
0x45: {  	_ =	shalt  }
0x46: {  	_ =	shalt  }
0x47: {  	_ =	shalt  }
0x48: {  	_ =	shalt  }
0x49: {  	_ =	shalt  }
0x4a: {  	_ =	shalt  }
0x4b: {  	_ =	shalt  }
0x4c: {  	_ =	shalt  }
0x4d: {  	_ =	shalt  }
0x4e: {  	_ =	shalt  }
0x4f: {  	_ =	shalt  }
0x50: {  	_ =	shalt  }
0x51: {  	_ =	shalt  }
0x52: {  	_ =	shalt  }
0x53: {  	_ =	shalt  }
0x54: {  	_ =	shalt  }
0x55: {  	_ =	shalt  }
0x56: {  	_ =	shalt  }
0x57: {  	_ =	shalt  }
0x58: {  	_ =	shalt  }
0x59: {  	_ =	shalt  }
0x5a: {  	_ =	shalt  }
0x5b: {  	_ =	shalt  }
0x5c: {  	_ =	shalt  }
0x5d: {  	_ =	shalt  }
0x5e: {  	_ =	shalt  }
0x5f: {  	_ =	shalt  }
0x60: {  	_ =	shalt  }
0x61: {  	_ =	shalt  }
0x62: {  	_ =	shalt  }
0x63: {  	_ =	shalt  }
0x64: {  	_ =	shalt  }
0x65: {  	_ =	shalt  }
0x66: {  	_ =	shalt  }
0x67: {  	_ =	shalt  }
0x68: {  	_ =	shalt  }
0x69: {  	_ =	shalt  }
0x6a: {  	_ =	shalt  }
0x6b: {  	_ =	shalt  }
0x6c: {  	_ =	shalt  }
0x6d: {  	_ =	shalt  }
0x6e: {  	_ =	shalt  }
0x6f: {  	_ =	shalt  }
0x70: {  	_ =	shalt  }
0x71: {  	_ =	shalt  }
0x72: {  	_ =	shalt  }
0x73: {  	_ =	shalt  }
0x74: {  	_ =	shalt  }
0x75: {  	_ =	shalt  }
0x76: {  	_ =	shalt  }
0x77: {  	_ =	shalt  }
0x78: {  	_ =	shalt  }
0x79: {  	_ =	shalt  }
0x7a: {  	_ =	shalt  }
0x7b: {  	_ =	shalt  }
0x7c: {  	_ =	shalt  }
0x7d: {  	_ =	shalt  }
0x7e: {  	_ =	shalt  }
0x7f: {  	_ =	shalt  }
0x80: {  	_ =	shalt  }
0x81: {  	_ =	shalt  }
0x82: {  	_ =	shalt  }
0x83: {  	_ =	shalt  }
0x84: {  	_ =	shalt  }
0x85: {  	_ =	shalt  }
0x86: {  	_ =	shalt  }
0x87: {  	_ =	shalt  }
.Lfunc_end0:
.L_simem_size_0:
called_computation.3_lowered:
.L_overlay_start_0:
0x88: {  	s2 =	sld [smem:$0x3FD9]  }
0x89: {  	s3 =	sld [smem:$0x3FFE];
	_ =	sdelay $0x1  }
0x8a: {  	s1 =	srdreg.scid  }
0x8b: {  	s0 =	sand.u32 $0x1, s1  }
0x8c: {  	s17 =	sshll.u32 s0, $0xA;
	s2 =	sadd.s32 s3, s2  }
0x8d: {  	s2 =	sadd.s32 s2, s17  }
0x8e: {  	[smem:$0x3FAA] =	sst s2  }
0x8f: {  	_ = 	snop  }
0x90: {  	(tm) =	ssettm $0x1  }
0x91: {  	s18 =	sld [smem:$0x3FFB];
	_ =	sdelay $0x3  }
0x92: {  	_ =	strace s18  }
0x93: {  	s2 =	sld [smem:$0x3FFC];
	_ =	sdelay $0x3  }
0x94: {  	_ =	strace s2  }
0x95: {  	s2 =	sld [smem:$0x3FFD];
	_ =	sdelay $0x3  }
0x96: {  	_ =	strace s2  }
0x97: {  	_ =	strace $0x8FFFFFFF  }
0x98: {  	s19 =	sld [smem:$0x3FDB];
	_ =	sdelay $0x1  }
0x99: {  	s20 =	simm.s32 $_scs_section_size  }
0x9a: {  	s4 =	simm.s32 $_size__tile_overlayer_lowered;
	s5 =	simm.s32 $_tile_overlayer_lowered  }
0x9b: {  	s6 =	simm.s32 $0x1BFF;
	s21 =	sshll.u32 s5, $0x1;
	s3 =	sadd.s32 s20, s19  }
0x9c: {  	s22 =	simm.s32 $0x0;
	s4 =	sshll.u32 s4, $0x1;
	s5 =	sadd.s32 s21, s3  }
0x9d: {  	[timem:s22], [sflag:s6] =	dma.local [hbm:s5], s4  }
0x9e: {  	_ =	swait.ge [sflag:s6], s4  }
0x9f: {  	s4 =	ssub.s32 $0x0, s4;
	[sflag:s6] =	ssyncset.done $0x0  }
0xa0: {  	[sflag:s6] =	ssyncadd.s32 s4;
	_ =	sdelay $0x1  }
0xa1: {  	s23 =	simm.s32 $0x1B8B  }
0xa2: {  	_ =	swait.ge [sflag:s23], $0x1  }
0xa3: {  	[sflag:s23] =	ssyncset.done $0x0  }
0xa4: {  	[sflag:s23] =	ssyncadd.s32 $0xFFFFFFFF  }
0xa5: {  	s4 =	sld [smem:$0x0]  }
0xa6: {  	s5 =	sand.u32 $0xFFFFFFFE, s1  }
0xa7: {  	p0 =	sne.s32 s1, s5  }
0xa8: {  	s5 =	sshll.u32 @p0 s5, $0xE  }
0xa9: {  	s5 =	sadd.s32 @p0 $0x11B8D, s5;
	s6 =	sshll.u32 @p0 s4, $0x11  }
0xaa: {  	s5 =	sor.u32 @p0 s6, s5  }
0xab: {  	[sflag:s5] =	ssyncadd.remote.s32 @p0 $0x1;
	_ =	sdelay $0x1  }
0xac: {  	s5 =	simm.s32 @p0 $0x1B8D  }
0xad: {  	_ =	swait.eq @p0 [sflag:s5], $0x1  }
0xae: {  	[sflag:s5] =	ssyncadd.s32 @p0 $0xFFFFFFFF  }
0xaf: {  	s6 =	sshll.u32 @!p0 s1, $0xE  }
0xb0: {  	s6 =	sor.u32 @!p0 $0x4000, s6;
	s5 =	simm.s32 @!p0 $0x1B8D  }
0xb1: {  	s4 =	sshll.u32 @!p0 s4, $0x11;
	s6 =	sadd.s32 @!p0 $0x11B8D, s6;
	_ =	swait.eq @!p0 [sflag:s5], $0x1  }
0xb2: {  	s4 =	sor.u32 @!p0 s4, s6;
	[sflag:s5] =	ssyncadd.s32 @!p0 $0xFFFFFFFF  }
0xb3: {  	s25 =	simm.s32 $0x1B8E;
	s24 =	sld [smem:$0x3FFE];
	[sflag:s4] =	ssyncadd.remote.s32 @!p0 $0x1  }
0xb4: {  	s26 =	simm.s32 $execute0_lowered;
	[smem:$0x3FD2] =	sst s25  }
0xb5: {  	s5 =	sshll.u32 s26, $0x1;
	_ =	strace $0x80000049;
	[dreg:$0x1] =	wrdreg $0xFFFFFFFF  }
0xb6: {  	s28 =	simm.s32 $_size_execute0_lowered;
	s3 =	sadd.s32 s3, s5;
	[dreg:$0x0] =	wrdreg $0x0  }
0xb7: {  	s5 =	sshll.u32 s28, $0x1;
	[dreg:$0x2] =	wrdreg s3  }
0xb8: {  	[dreg:$0x3] =	wrdreg s5  }
0xb9: {  	[dreg:$0x4] =	wrdreg $0xC0  }
0xba: {  	_ =	task [dreg:s22], $0x5FFFF  }
0xbb: {  	[dreg:$0x1] =	wrdreg $0xFFFFFFFF  }
0xbc: {  	[dreg:$0x0] =	wrdreg $0x60  }
0xbd: {  	[dreg:$0x2] =	wrdreg s24  }
0xbe: {  	[dreg:$0x3] =	wrdreg $0x105800  }
0xbf: {  	[dreg:$0x4] =	wrdreg $0xB  }
0xc0: {  	_ =	task.clear_ibuf [dreg:s22], $0x5FFFF;
	_ =	strace $0x90000049  }
0xc1: {  	s29 =	simm.s32 $0xB;
	_ =	strace $0x8000004B  }
0xc2: {  	_ =	swait.ge [sflag:s29], $0x1  }
0xc3: {  	[sflag:s29] =	ssyncadd.s32 $0xFFFFFFFF  }
0xc4: {  	_ =	strace $0x9000004B  }
0xc5: {  	_ =	sfence  }
0xc6: {  	s30 =	sld [smem:$0x0];
	_ =	sdelay $0x2  }
0xc7: {  	s31 =	sshll.u32 s1, $0xD;
	s1 =	sshrl.u32 s1, $0x2  }
0xc8: {  	s4 =	sand.u32 $0x4000, s31;
	s1 =	sadd.s32 s1, s30  }
0xc9: {  	s0 =	sor.u32 s4, s0;
	s1 =	sshll.u32 s1, $0x11  }
0xca: {  	s0 =	sor.u32 s1, s0  }
0xcb: {  	s0 =	sadd.s32 $0x8F2B, s0  }
0xcc: {  	[sflag:s0] =	ssyncadd.remote.s32 $0x1  }
0xcd: {  	_ =	sfence.sel $0xFFFF  }
0xce: {  	[dreg:$0x0] =	wrdreg $0xFFFFFFFF;
	(pc) =	sbr.abs _section_cstart, $3  }
0xcf: {  	[dreg:$0x1] =	wrdreg $0xFFFFFFFF  }
0xd0: {  	_ =	task.clear_ibuf [dreg:s22], $0x2FFFF;
	_ =	strace $0x9FFFFFFF  }
0xd1: {  	(tm) =	ssettm $0x7FFFFFFF  }
tec
execute0_lowered:
.L_overlay_start_1:
0x0: {  	(tag) =	ssettag $0x1  }
0x1: {  	s6 =	rddreg [dreg:$0x0]  }
0x2: {  	s2 =	rddreg [dreg:$0x1]  }
0x3: {  	s0 =	rddreg [dreg:$0x2]  }
0x4: {  	s3 =	simm.s32 $0x0;
	s1 =	stileid.u32;
	s4 =	srdreg.scid  }
0x5: {  	s12 =	simm.s32 $0x4180;
	s13 =	simm.s32 $0x2;
	s14 =	simm.s32 $0x80  }
0x6: {  	s15 =	simm.s32 $0x180;
	s16 =	simm.s32 $0x1;
	s17 =	simm.s32 $0x100  }
0x7: {  	s20 =	simm.s32 $0x0;
	[smem:$0x7FF] =	sst s3;
	s7 =	smul.u32 $0x9D0, s1  }
0x8: {  	s4 =	sand.u32 $0x1, s4;
	s9 =	smul.u32 $0x31000, s1;
	s5 =	sadd.s32 $0x289C00, s6  }
0x9: {  	s18 =	sshll.u32 s1, $0x6;
	_ =	strace $0x8000004A;
	s8 =	ssub.s32 $0x2, s4  }
0xa: {  	s18 =	sor.u32 $0x1C02, s18;
	s11 =	sadd.s32 s7, s6;
	s30 =	sshrl.u32 s8, $0x1  }
0xb: {  	s6 =	sadd.s32 $0xA6A00, s6;
	s31 =	sshrl.u32 s9, $0x2;
	s10 =	ssub.s32 s8, s30  }
0xc: {  	s7 =	sadd.s32 s31, s2;
	s8 =	smul.u32 $0xC400, s1;
	s9 =	smax.u32 s10, $0x1  }
0xd: {  	v0 =	vimm.f32 $0.0e+00;
	s10 =	sadd.s32 $0xEE00, s11;
	s11 =	sadd.s32 $0x18C00, s11;
	s19 =	sshrl.u32 s7, $0x3  }
.LBB2_1:
0xe: {  	s21 =	simm.s32 $0x70;
	s22 =	simm.s32 $0x3C0  }
.LBB2_2:
0xf: {  	p0 =	sne.s32 s22, $0x30FC0;
	[tilespmem:s21+$0x4180] =	vst v0  }
0x10: {  	[tilespmem:s21+$0x4110] =	vst v0  }
0x11: {  	[tilespmem:s21+$0x4120] =	vst v0  }
.Ltmp0:
0x12: {  	[tilespmem:s21+$0x4130] =	vst v0;
	(pc) =	sbr.rel @p0 .LBB2_2-.Ltmp0, $4  }
0x13: {  	[tilespmem:s21+$0x4140] =	vst v0  }
0x14: {  	[tilespmem:s21+$0x4150] =	vst v0  }
0x15: {  	[tilespmem:s21+$0x4160] =	vst v0  }
0x16: {  	[tilespmem:s21+$0x4170] =	vst v0;
	s21 =	sshra.s32 s22, $0x2;
	s22 =	sadd.s32 $0x200, s22  }
0x17: {  	[tilespmem:s21+$0x4180] =	vst v0  }
0x18: {  	[tilespmem:s21+$0x4110] =	vst v0  }
0x19: {  	[tilespmem:s21+$0x4120] =	vst v0  }
0x1a: {  	[tilespmem:s21+$0x4130] =	vst v0  }
0x1b: {  	[tilespmem:s21+$0x4140] =	vst v0  }
0x1c: {  	[tilespmem:s21+$0x4150] =	vst v0  }
0x1d: {  	[tilespmem:s21+$0x4160] =	vst v0  }
0x1e: {  	[tilespmem:s21+$0x4170] =	vst v0;
	s21 =	simm.s32 $0x0;
	p1 =	por $0x1, $0x1  }
.LBB2_4:
0x1f: {  	[spmem:s7] =	stream.linear.scatter [tilespmem:s12], [sflag:$0x2], $0xC400, $0x38;
	[tilespmem:$0x1C980] =	vst v63  }
0x20: {  	_ =	swait.ge [sflag:s13], $0xC400  }
0x21: {  	[sflag:s13] =	ssyncset.done $0x0  }
0x22: {  	[sflag:s13] =	ssyncadd.s32 $0xFFFF3C00  }
0x23: {  	s22 =	sadd.s32 $0x0, s11;
	[bflag:$0x0] =	sbarrier.arrive $0xFFFF  }
0x24: {  	[tilespmem:s3], [sflag:$0x2] =	stream.linear.gather [hbm4b:s22+s3], $0x80, $0x38;
	[tilespmem:$0x1C980] =	vst v63  }
0x25: {  	_ =	swait.ge [sflag:s13], $0x80  }
0x26: {  	[sflag:s13] =	ssyncset.done $0x0  }
0x27: {  	s30 =	sadd.s32 $0x0, s10;
	[sflag:s13] =	ssyncadd.s32 $0xFFFFFF80  }
0x28: {  	[tilespmem:s14], [sflag:$0x2] =	stream.linear.gather [hbm4b:s30+s3], $0x80, $0x38;
	[tilespmem:$0x1C980] =	vst v63  }
0x29: {  	_ =	swait.ge [sflag:s13], $0x80  }
0x2a: {  	[sflag:s13] =	ssyncset.done $0x0  }
0x2b: {  	[sflag:s13] =	ssyncadd.s32 $0xFFFFFF80  }
0x2c: {  	[tilespmem:s15], [sflag:$0x1] =	stream.indirect.gather [hbm4b:s5+s14], $0x80, s3, s14, $0xb8;
	[tilespmem:$0x1C980] =	vst v63  }
0x2d: {  	_ =	swait.ge [sflag:s16], $0x4000  }
0x2e: {  	[sflag:s16] =	ssyncset.done $0x0  }
0x2f: {  	[sflag:s16] =	ssyncadd.s32 $0xFFFFC000  }
0x30: {  	v2 =	vld [tilespmem:$0xF0]  }
0x31: {  	s21 =	sor.u32 s4, s21;
	v3 =	vld [tilespmem:$0xE0]  }
0x32: {  	s31 =	smul.u32 $0xFFFF3CB0, s21;
	v4 =	vld [tilespmem:$0xA0]  }
0x33: {  	v5 =	vld [tilespmem:$0xB0]  }
0x34: {  	v1 =	vmov s31;
	v6 =	vld [tilespmem:$0xD0]  }
0x35: {  	v7 =	vld [tilespmem:$0x80];
	v2 =	vadd.s32 v1, v2  }
0x36: {  	v8 =	vld [tilespmem:$0x90];
	v3 =	vadd.s32 v1, v3;
	v2 =	vmin.u32 v2, $0xC350  }
0x37: {  	v9 =	vld [tilespmem:$0xC0];
	v4 =	vadd.s32 v1, v4;
	v3 =	vmin.u32 v3, $0xC350;
	v2 =	vshrl.u32 v2, $0x3  }
0x38: {  	v5 =	vadd.s32 v1, v5;
	v4 =	vmin.u32 v4, $0xC350;
	v3 =	vshrl.u32 v3, $0x3;
	[tilespmem:$0x170] =	vst v2  }
0x39: {  	v4 =	vshrl.u32 v4, $0x3;
	v2 =	vmin.u32 v5, $0xC350;
	v5 =	vadd.s32 v1, v6;
	[tilespmem:$0x160] =	vst v3  }
0x3a: {  	v3 =	vadd.s32 v1, v7;
	[tilespmem:$0x120] =	vst v4;
	v2 =	vshrl.u32 v2, $0x3;
	v4 =	vmin.u32 v5, $0xC350  }
0x3b: {  	v3 =	vmin.u32 v3, $0xC350;
	v5 =	vadd.s32 v1, v8;
	[tilespmem:$0x130] =	vst v2;
	v2 =	vshrl.u32 v4, $0x3  }
0x3c: {  	p0 =	por p1, p1;
	v3 =	vshrl.u32 v3, $0x3;
	v4 =	vmin.u32 v5, $0xC350;
	v5 =	vadd.s32 v1, v9;
	[tilespmem:$0x150] =	vst v2  }
0x3d: {  	s23 =	simm.s32 $0x10;
	s24 =	simm.s32 $0x30;
	s22 =	simm.s32 $0x20;
	[tilespmem:$0x100] =	vst v3;
	v2 =	vshrl.u32 v4, $0x3;
	v3 =	vmin.u32 v5, $0xC350  }
.LBB2_5:
0x3e: {  	p1 =	sne.s32 s24, $0x9C0;
	[tilespmem:$0x110] =	vst v2;
	v2 =	vshrl.u32 v3, $0x3;
	s25 =	smov.u32 s24;
	s24 =	sadd.s32 $0x10, s24  }
0x3f: {  	[tilespmem:$0x140] =	vst v2  }
0x40: {  	[spmem:s2] =	stream.indirect.scatter.add.f32 [tilespmem:s15], [sflag:$0x2], $0x80, s17, s14, $0xb8;
	[tilespmem:$0x1C980] =	vst v63  }
0x41: {  	_ =	swait.ge [sflag:s13], $0x4000  }
0x42: {  	[sflag:s13] =	ssyncset.done $0x0  }
0x43: {  	s26 =	sadd.s32 s23, s11;
	[sflag:s13] =	ssyncadd.s32 $0xFFFFC000  }
0x44: {  	[tilespmem:s3], [sflag:$0x2] =	stream.linear.gather [hbm4b:s26+s3], $0x80, $0x38;
	[tilespmem:$0x1C980] =	vst v63  }
0x45: {  	_ =	swait.ge [sflag:s13], $0x80  }
0x46: {  	[sflag:s13] =	ssyncset.done $0x0  }
0x47: {  	s26 =	sadd.s32 s23, s10;
	s23 =	smov.u32 s22;
	[sflag:s13] =	ssyncadd.s32 $0xFFFFFF80  }
0x48: {  	[tilespmem:s14], [sflag:$0x2] =	stream.linear.gather [hbm4b:s26+s3], $0x80, $0x38;
	[tilespmem:$0x1C980] =	vst v63  }
0x49: {  	s22 =	smov.u32 s25;
	_ =	swait.ge [sflag:s13], $0x80  }
0x4a: {  	[sflag:s13] =	ssyncset.done $0x0  }
0x4b: {  	[sflag:s13] =	ssyncadd.s32 $0xFFFFFF80  }
0x4c: {  	[tilespmem:s15], [sflag:$0x1] =	stream.indirect.gather [hbm4b:s5+s14], $0x80, s3, s14, $0xb8;
	[tilespmem:$0x1C980] =	vst v63  }
0x4d: {  	_ =	swait.ge [sflag:s16], $0x4000  }
0x4e: {  	[sflag:s16] =	ssyncset.done $0x0  }
0x4f: {  	[sflag:s16] =	ssyncadd.s32 $0xFFFFC000  }
0x50: {  	v2 =	vld [tilespmem:$0xA0]  }
0x51: {  	v3 =	vld [tilespmem:$0xF0]  }
0x52: {  	v4 =	vld [tilespmem:$0xE0]  }
0x53: {  	v5 =	vld [tilespmem:$0xB0]  }
0x54: {  	v6 =	vld [tilespmem:$0xD0]  }
0x55: {  	v7 =	vld [tilespmem:$0x80]  }
0x56: {  	v8 =	vld [tilespmem:$0x90];
	v3 =	vadd.s32 v1, v3  }
0x57: {  	v2 =	vadd.s32 v1, v2;
	v9 =	vld [tilespmem:$0xC0];
	v4 =	vadd.s32 v1, v4;
	v3 =	vmin.u32 v3, $0xC350  }
0x58: {  	v5 =	vadd.s32 v1, v5;
	v4 =	vmin.u32 v4, $0xC350;
	v3 =	vshrl.u32 v3, $0x3  }
0x59: {  	v2 =	vmin.u32 v2, $0xC350;
	v5 =	vmin.u32 v5, $0xC350;
	v4 =	vshrl.u32 v4, $0x3;
	[tilespmem:$0x170] =	vst v3  }
.Ltmp1:
0x5a: {  	v2 =	vshrl.u32 v2, $0x3;
	v3 =	vshrl.u32 v5, $0x3;
	v5 =	vadd.s32 v1, v6;
	[tilespmem:$0x160] =	vst v4;
	(pc) =	sbr.rel @p1 .LBB2_5-.Ltmp1, $4  }
0x5b: {  	v4 =	vadd.s32 v1, v7;
	[tilespmem:$0x120] =	vst v2;
	v2 =	vmin.u32 v5, $0xC350  }
0x5c: {  	v4 =	vmin.u32 v4, $0xC350;
	v5 =	vadd.s32 v1, v8;
	[tilespmem:$0x130] =	vst v3;
	v2 =	vshrl.u32 v2, $0x3  }
0x5d: {  	v3 =	vshrl.u32 v4, $0x3;
	v4 =	vmin.u32 v5, $0xC350;
	v5 =	vadd.s32 v1, v9;
	[tilespmem:$0x150] =	vst v2  }
0x5e: {  	v2 =	vshrl.u32 v4, $0x3;
	[tilespmem:$0x100] =	vst v3;
	v3 =	vmin.u32 v5, $0xC350  }
0x5f: {  	[tilespmem:$0x110] =	vst v2;
	v2 =	vshrl.u32 v3, $0x3  }
0x60: {  	[tilespmem:$0x140] =	vst v2  }
0x61: {  	[spmem:s2] =	stream.indirect.scatter.add.f32 [tilespmem:s15], [sflag:$0x2], $0x80, s17, s14, $0xb8;
	[tilespmem:$0x1C980] =	vst v63  }
0x62: {  	_ =	swait.ge [sflag:s13], $0x4000  }
0x63: {  	[sflag:s13] =	ssyncset.done $0x0  }
0x64: {  	s24 =	sadd.s32 s23, s11;
	[sflag:s13] =	ssyncadd.s32 $0xFFFFC000  }
0x65: {  	[tilespmem:s3], [sflag:$0x2] =	stream.linear.gather [hbm4b:s24+s3], $0x80, $0x38;
	[tilespmem:$0x1C980] =	vst v63  }
0x66: {  	_ =	swait.ge [sflag:s13], $0x80  }
0x67: {  	[sflag:s13] =	ssyncset.done $0x0  }
0x68: {  	s29 =	sadd.s32 s23, s10;
	[sflag:s13] =	ssyncadd.s32 $0xFFFFFF80  }
0x69: {  	[tilespmem:s14], [sflag:$0x2] =	stream.linear.gather [hbm4b:s29+s3], $0x80, $0x38;
	[tilespmem:$0x1C980] =	vst v63  }
0x6a: {  	_ =	swait.ge [sflag:s13], $0x80  }
0x6b: {  	[sflag:s13] =	ssyncset.done $0x0  }
0x6c: {  	[sflag:s13] =	ssyncadd.s32 $0xFFFFFF80  }
0x6d: {  	[tilespmem:s15], [sflag:$0x1] =	stream.indirect.gather [hbm4b:s5+s14], $0x80, s3, s14, $0xb8;
	[tilespmem:$0x1C980] =	vst v63  }
0x6e: {  	_ =	swait.ge [sflag:s16], $0x4000  }
0x6f: {  	[sflag:s16] =	ssyncset.done $0x0  }
0x70: {  	[sflag:s16] =	ssyncadd.s32 $0xFFFFC000  }
0x71: {  	v2 =	vld [tilespmem:$0xF0]  }
0x72: {  	v3 =	vld [tilespmem:$0xE0]  }
0x73: {  	v4 =	vld [tilespmem:$0xA0]  }
0x74: {  	v5 =	vld [tilespmem:$0xB0]  }
0x75: {  	v6 =	vld [tilespmem:$0xD0]  }
0x76: {  	v7 =	vld [tilespmem:$0x80];
	v2 =	vadd.s32 v1, v2  }
0x77: {  	v8 =	vld [tilespmem:$0x90];
	v3 =	vadd.s32 v1, v3;
	v2 =	vmin.u32 v2, $0xC350  }
0x78: {  	v9 =	vld [tilespmem:$0xC0];
	v4 =	vadd.s32 v1, v4;
	v3 =	vmin.u32 v3, $0xC350;
	v2 =	vshrl.u32 v2, $0x3  }
0x79: {  	v5 =	vadd.s32 v1, v5;
	v4 =	vmin.u32 v4, $0xC350;
	v3 =	vshrl.u32 v3, $0x3;
	[tilespmem:$0x170] =	vst v2  }
0x7a: {  	v49 =	vadd.s32 v1, v6;
	v4 =	vshrl.u32 v4, $0x3;
	v2 =	vmin.u32 v5, $0xC350;
	[tilespmem:$0x160] =	vst v3  }
0x7b: {  	v50 =	vmin.u32 v49, $0xC350;
	v3 =	vadd.s32 v1, v7;
	[tilespmem:$0x120] =	vst v4;
	v2 =	vshrl.u32 v2, $0x3  }
0x7c: {  	v51 =	vadd.s32 v1, v8;
	v3 =	vmin.u32 v3, $0xC350;
	[tilespmem:$0x130] =	vst v2;
	v2 =	vshrl.u32 v50, $0x3  }
0x7d: {  	v53 =	vadd.s32 v1, v9;
	v52 =	vmin.u32 v51, $0xC350;
	v3 =	vshrl.u32 v3, $0x3;
	[tilespmem:$0x150] =	vst v2  }
0x7e: {  	[tilespmem:$0x100] =	vst v3;
	v2 =	vshrl.u32 v52, $0x3;
	v3 =	vmin.u32 v53, $0xC350  }
0x7f: {  	[tilespmem:$0x110] =	vst v2;
	v2 =	vshrl.u32 v3, $0x3  }
0x80: {  	[tilespmem:$0x140] =	vst v2  }
0x81: {  	[spmem:s2] =	stream.indirect.scatter.add.f32 [tilespmem:s15], [sflag:$0x2], $0x80, s17, s14, $0xb8;
	[tilespmem:$0x1C980] =	vst v63  }
0x82: {  	_ =	swait.ge [sflag:s13], $0x4000  }
0x83: {  	[sflag:s13] =	ssyncset.done $0x0  }
0x84: {  	s30 =	sadd.s32 s22, s11;
	[sflag:s13] =	ssyncadd.s32 $0xFFFFC000  }
0x85: {  	[tilespmem:s3], [sflag:$0x2] =	stream.linear.gather [hbm4b:s30+s3], $0x80, $0x38;
	[tilespmem:$0x1C980] =	vst v63  }
0x86: {  	_ =	swait.ge [sflag:s13], $0x80  }
0x87: {  	[sflag:s13] =	ssyncset.done $0x0  }
0x88: {  	s31 =	sadd.s32 s22, s10;
	[sflag:s13] =	ssyncadd.s32 $0xFFFFFF80  }
0x89: {  	[tilespmem:s14], [sflag:$0x2] =	stream.linear.gather [hbm4b:s31+s3], $0x80, $0x38;
	[tilespmem:$0x1C980] =	vst v63  }
0x8a: {  	_ =	swait.ge [sflag:s13], $0x80  }
0x8b: {  	[sflag:s13] =	ssyncset.done $0x0  }
0x8c: {  	[sflag:s13] =	ssyncadd.s32 $0xFFFFFF80  }
0x8d: {  	[tilespmem:s15], [sflag:$0x1] =	stream.indirect.gather [hbm4b:s5+s14], $0x80, s3, s14, $0xb8;
	[tilespmem:$0x1C980] =	vst v63  }
0x8e: {  	_ =	swait.ge [sflag:s16], $0x4000  }
0x8f: {  	[sflag:s16] =	ssyncset.done $0x0  }
0x90: {  	[sflag:s16] =	ssyncadd.s32 $0xFFFFC000  }
0x91: {  	v2 =	vld [tilespmem:$0xF0]  }
0x92: {  	v3 =	vld [tilespmem:$0xE0]  }
0x93: {  	v54 =	vld [tilespmem:$0xA0]  }
0x94: {  	v55 =	vld [tilespmem:$0xB0]  }
0x95: {  	v56 =	vld [tilespmem:$0xD0]  }
0x96: {  	v58 =	vld [tilespmem:$0x90]  }
0x97: {  	v57 =	vld [tilespmem:$0x80];
	v2 =	vadd.s32 v1, v2  }
0x98: {  	v59 =	vld [tilespmem:$0xC0];
	v3 =	vadd.s32 v1, v3;
	v4 =	vadd.s32 v1, v54;
	v2 =	vmin.u32 v2, $0xC350  }
0x99: {  	v5 =	vadd.s32 v1, v55;
	v3 =	vmin.u32 v3, $0xC350;
	v2 =	vshrl.u32 v2, $0x3  }
0x9a: {  	v60 =	vadd.s32 v1, v56;
	v4 =	vmin.u32 v4, $0xC350;
	v3 =	vshrl.u32 v3, $0x3;
	[tilespmem:$0x170] =	vst v2  }
0x9b: {  	v62 =	vadd.s32 v1, v58;
	v4 =	vshrl.u32 v4, $0x3;
	v2 =	vmin.u32 v5, $0xC350;
	[tilespmem:$0x160] =	vst v3  }
0x9c: {  	v61 =	vmin.u32 v60, $0xC350;
	v3 =	vadd.s32 v1, v57;
	[tilespmem:$0x120] =	vst v4;
	v2 =	vshrl.u32 v2, $0x3  }
0x9d: {  	v1 =	vadd.s32 v1, v59;
	v3 =	vmin.u32 v3, $0xC350;
	[tilespmem:$0x130] =	vst v2;
	v2 =	vshrl.u32 v61, $0x3  }
0x9e: {  	v1 =	vmin.u32 v1, $0xC350;
	v3 =	vshrl.u32 v3, $0x3;
	[tilespmem:$0x150] =	vst v2  }
0x9f: {  	v63 =	vmin.u32 v62, $0xC350;
	v1 =	vshrl.u32 v1, $0x3;
	[tilespmem:$0x100] =	vst v3  }
0xa0: {  	v2 =	vshrl.u32 v63, $0x3;
	[tilespmem:$0x140] =	vst v1  }
0xa1: {  	s21 =	smul.u32 $0xC4000, s21;
	[tilespmem:$0x110] =	vst v2  }
0xa2: {  	[spmem:s2] =	stream.indirect.scatter.add.f32 [tilespmem:s15], [sflag:$0x2], $0x80, s17, s14, $0xb8;
	[tilespmem:$0x1C980] =	vst v63  }
0xa3: {  	_ =	swait.ge [sflag:s13], $0x4000  }
0xa4: {  	s21 =	sadd.s32 s8, s21;
	[sflag:s13] =	ssyncset.done $0x0  }
0xa5: {  	s21 =	sshrl.u32 s21, $0x3;
	[sflag:s13] =	ssyncadd.s32 $0xFFFFC000  }
0xa6: {  	s21 =	sadd.s32 s6, s21;
	[bflag:$0x0] =	sbarrier.arrive $0xFFFF  }
0xa7: {  	[hbm:s21], [sflag:s18] =	dma.local [spmem:s19], $0x1880  }
0xa8: {  	s21 =	simm.s32 $0x2  }
.Ltmp2:
0xa9: {  	_ =	swait.ge [sflag:s21], $0x1880;
	(pc) =	sbr.rel @p0 .LBB2_4-.Ltmp2, $4  }
0xaa: {  	[sflag:s21] =	ssyncset.done $0x0  }
0xab: {  	[sflag:s21] =	ssyncadd.s32 $0xFFFFE780  }
0xac: {  	[bflag:$0x0] =	sbarrier.arrive $0xFFFF  }
0xad: {  	p1 =	por $0x0, $0x0  }
0xae: {  	s20 =	sadd.s32 $0x1, s20  }
0xaf: {  	p0 =	sne.s32 s20, s9  }
.Ltmp3:
0xb0: {  	_ = 	snop;
	(pc) =	sbr.rel @p0 .LBB2_1-.Ltmp3, $1  }
0xb1: {  	_ =	sdelay $0x3  }
0xb2: {  	_ =	sfence.sel $0x180000  }
0xb3: {  	[bflag:$0x0] =	sbarrier.arrive $0xFFFF  }
0xb4: {  	p0 =	sne.s32 s1, $0x0;
	_ =	strace $0x9000004A  }
0xb5: {  	s0 =	sadd.s32 @!p0 $0x100000, s0;
	[bflag:$0x2] =	sbarrier.arrive $0xFFFF  }
0xb6: {  	[sflag:s0] =	ssyncadd.tile.s32 @!p0 $0x1;
	_ =	shalt  }
.Lfunc_end2:
_tile_overlayer_lowered:
.L_overlay_start_2:
0xb7: {  	(tag) =	ssettag $0x2  }
0xb8: {  	s0 =	rddreg [dreg:$0x0];
	s2 =	stileid.u32  }
0xb9: {  	s1 =	rddreg [dreg:$0x1];
	p0 =	sne.s32 s2, $0x0  }
0xba: {  	s3 =	rddreg [dreg:$0x2];
	[bflag:$0x3] =	sbarrier.arrive $0xFFFF;
	s2 =	simm.s32 @!p0 $0x1C02  }
0xbb: {  	[timem:s3], [sflag:s2] =	dma.local @!p0 [hbm:s0], s1  }
0xbc: {  	s0 =	simm.s32 @!p0 $0x2  }
0xbd: {  	_ =	swait.ge @!p0 [sflag:s0], s1  }
0xbe: {  	s1 =	ssub.s32 @!p0 $0x0, s1;
	[sflag:s0] =	ssyncset.done @!p0 $0x0  }
0xbf: {  	[sflag:s0] =	ssyncadd.s32 @!p0 s1  }
0xc0: {  	[bflag:$0x3] =	sbarrier.arrive $0xFFFF  }
0xc1: {  	_ =	shalt  }

// kernel: kernel.15.cloned.1.call-start
scs
__scs_entry_jumppad:
0x0: {  	(pc) =	sbr.rel $0x88, $3  }
0x1: {  	(tag) =	ssettag $0x0;
	lr =	simm.s32 $0x1  }
0x2: {  	[smem:$0x3F83] =	sst lr;
	_ =	strace $0xD0000000  }
0x3: {  	_ = 	snop  }
0x4: {  	_ = 	snop  }
0x5: {  	_ = 	snop  }
0x6: {  	_ = 	snop  }
0x7: {  	_ = 	snop  }
__scs_overlays_trampoline_lowered:
0x8: {  	[smem:$0x3F92] =	sst s0  }
0x9: {  	[smem:$0x3F93] =	sst s1  }
0xa: {  	[smem:$0x3F94] =	sst s2  }
0xb: {  	[smem:$0x3F95] =	sst s3  }
0xc: {  	[smem:$0x3F96] =	sst s4  }
0xd: {  	[smem:$0x3F97] =	sst s5  }
0xe: {  	[smem:$0x3F98] =	sst s6  }
0xf: {  	[smem:$0x3F99] =	sst s7  }
0x10: {  	[smem:$0x3F9A] =	sst s8  }
0x11: {  	[smem:$0x3F9B] =	sst s9;
	s0 =	simm.s32 @!p0 $0x0  }
0x12: {  	s1 =	sld [smem:$0x3F81];
	s0 =	simm.s32 @p0 $0x1  }
0x13: {  	[smem:$0x3F9C] =	sst s0;
	s0 =	simm.s32 @!p1 $0x0  }
0x14: {  	s2 =	sld [smem:$0x3F80];
	s0 =	simm.s32 @p1 $0x1  }
0x15: {  	[smem:$0x3F9D] =	sst s0;
	s0 =	simm.s32 @!p2 $0x0  }
0x16: {  	s3 =	sld [smem:$0x3FDB];
	s0 =	simm.s32 @p2 $0x1  }
0x17: {  	s4 =	simm.s32 $0x1BF5;
	[smem:$0x3F9F] =	sst s0  }
0x18: {  	s0 =	sld [smem:$0x3F82];
	_ =	swait.ge [sflag:s4], $0x0  }
0x19: {  	s7 =	sld [smem:$0x3F83]  }
0x1a: {  	s8 =	sadd.s32 $0xFFFFE003, lr  }
0x1b: {  	s9 =	sadd.s32 $0xFFFFFEF7, lr;
	s5 =	simm.s32 $0xFFFFFFFF;
	p2 =	slt.u32 s8, $0xFFFFF086  }
0x1c: {  	p1 =	slt.u32 s9, $0xF7A;
	s5 =	simm.s32 @!p2 $0x0  }
0x1d: {  	s5 =	simm.s32 @p1 $0x1;
	p0 =	seq.s32 s7, s2  }
0x1e: {  	s7 =	smul.u32 @!p0 $0xF7A, s2;
	p2 =	seq.s32 @!p0 s5, $0x0  }
0x1f: {  	s9 =	smul.u32 $0xF7A, s1;
	s8 =	simm.s32 @!p0 $0x1BF5;
	p2 =	por !p2, p0  }
0x20: {  	[sflag:s8] =	ssyncset.s32 @!p0 $0xFFFFF086;
	s6 =	sadd.s32 @!p0 s3, s7;
	s7 =	simm.s32 @!p0 $0x108  }
0x21: {  	s3 =	sadd.s32 s3, s9;
	s6 =	sadd.s32 @!p0 $0x88, s6;
	s7 =	simm.s32 @p2 $0x1082  }
0x22: {  	[simem:s7], [sflag:s8] =	dma.local @!p0 [hbm:s6], $0xF7A  }
0x23: {  	s9 =	sor.u32 $0xD0000000, s2;
	s6 =	simm.s32 $0x108;
	_ =	swait.ge @!p0 [sflag:s8], $0x0  }
0x24: {  	s3 =	sadd.s32 $0x88, s3;
	s6 =	simm.s32 @!p1 $0x1082;
	[sflag:s4] =	ssyncset.s32 $0xFFFFF086  }
0x25: {  	[simem:s6], [sflag:s4] =	dma.local [hbm:s3], $0xF7A  }
0x26: {  	[smem:$0x3F83] =	sst s1;
	(tag) =	ssettag s2;
	_ =	strace s9  }
0x27: {  	s1 =	sld [smem:$0x3F93]  }
0x28: {  	s2 =	sld [smem:$0x3F94]  }
0x29: {  	s4 =	sld [smem:$0x3F96]  }
0x2a: {  	p0 =	seq.s32 s5, $0x0;
	s5 =	sld [smem:$0x3F97]  }
0x2b: {  	s6 =	sld [smem:$0x3F98]  }
0x2c: {  	s7 =	sld [smem:$0x3F99]  }
0x2d: {  	s3 =	simm.s32 $0x108;
	s8 =	sld [smem:$0x3F9A]  }
0x2e: {  	s3 =	simm.s32 @!p0 $0x1082;
	s9 =	sld [smem:$0x3F9B]  }
0x2f: {  	lr =	sadd.s32 s0, s3;
	s0 =	sld [smem:$0x3F92]  }
0x30: {  	s3 =	sld [smem:$0x3F95]  }
0x31: {  	[smem:$0x3F9E] =	sst s10  }
0x32: {  	s10 =	sld [smem:$0x3F9C];
	_ =	sdelay $0x3  }
0x33: {  	p0 =	seq.s32 s10, $0x1;
	s10 =	sld [smem:$0x3F9E];
	_ =	sdelay $0x3  }
0x34: {  	[smem:$0x3F9E] =	sst s10  }
0x35: {  	s10 =	sld [smem:$0x3F9D];
	_ =	sdelay $0x3  }
0x36: {  	p1 =	seq.s32 s10, $0x1;
	s10 =	sld [smem:$0x3F9E];
	_ =	sdelay $0x3  }
0x37: {  	[smem:$0x3F9E] =	sst s10  }
0x38: {  	s10 =	sld [smem:$0x3F9F]  }
0x39: {  	_ = 	snop;
	(pc) =	sbr.ind lr, $3  }
0x3a: {  	_ = 	snop  }
0x3b: {  	_ = 	snop  }
0x3c: {  	p2 =	seq.s32 s10, $0x1;
	s10 =	sld [smem:$0x3F9E]  }
0x3d: {  	_ =	shalt  }
0x3e: {  	_ =	shalt  }
0x3f: {  	_ =	shalt  }
0x40: {  	_ =	shalt  }
0x41: {  	_ =	shalt  }
0x42: {  	_ =	shalt  }
0x43: {  	_ =	shalt  }
0x44: {  	_ =	shalt  }
0x45: {  	_ =	shalt  }
0x46: {  	_ =	shalt  }
0x47: {  	_ =	shalt  }
0x48: {  	_ =	shalt  }
0x49: {  	_ =	shalt  }
0x4a: {  	_ =	shalt  }
0x4b: {  	_ =	shalt  }
0x4c: {  	_ =	shalt  }
0x4d: {  	_ =	shalt  }
0x4e: {  	_ =	shalt  }
0x4f: {  	_ =	shalt  }
0x50: {  	_ =	shalt  }
0x51: {  	_ =	shalt  }
0x52: {  	_ =	shalt  }
0x53: {  	_ =	shalt  }
0x54: {  	_ =	shalt  }
0x55: {  	_ =	shalt  }
0x56: {  	_ =	shalt  }
0x57: {  	_ =	shalt  }
0x58: {  	_ =	shalt  }
0x59: {  	_ =	shalt  }
0x5a: {  	_ =	shalt  }
0x5b: {  	_ =	shalt  }
0x5c: {  	_ =	shalt  }
0x5d: {  	_ =	shalt  }
0x5e: {  	_ =	shalt  }
0x5f: {  	_ =	shalt  }
0x60: {  	_ =	shalt  }
0x61: {  	_ =	shalt  }
0x62: {  	_ =	shalt  }
0x63: {  	_ =	shalt  }
0x64: {  	_ =	shalt  }
0x65: {  	_ =	shalt  }
0x66: {  	_ =	shalt  }
0x67: {  	_ =	shalt  }
0x68: {  	_ =	shalt  }
0x69: {  	_ =	shalt  }
0x6a: {  	_ =	shalt  }
0x6b: {  	_ =	shalt  }
0x6c: {  	_ =	shalt  }
0x6d: {  	_ =	shalt  }
0x6e: {  	_ =	shalt  }
0x6f: {  	_ =	shalt  }
0x70: {  	_ =	shalt  }
0x71: {  	_ =	shalt  }
0x72: {  	_ =	shalt  }
0x73: {  	_ =	shalt  }
0x74: {  	_ =	shalt  }
0x75: {  	_ =	shalt  }
0x76: {  	_ =	shalt  }
0x77: {  	_ =	shalt  }
0x78: {  	_ =	shalt  }
0x79: {  	_ =	shalt  }
0x7a: {  	_ =	shalt  }
0x7b: {  	_ =	shalt  }
0x7c: {  	_ =	shalt  }
0x7d: {  	_ =	shalt  }
0x7e: {  	_ =	shalt  }
0x7f: {  	_ =	shalt  }
0x80: {  	_ =	shalt  }
0x81: {  	_ =	shalt  }
0x82: {  	_ =	shalt  }
0x83: {  	_ =	shalt  }
0x84: {  	_ =	shalt  }
0x85: {  	_ =	shalt  }
0x86: {  	_ =	shalt  }
0x87: {  	_ =	shalt  }
.Lfunc_end0:
.L_simem_size_0:
called_computation.4_lowered:
.L_overlay_start_0:
0x88: {  	s2 =	sld [smem:$0x3FD9]  }
0x89: {  	s3 =	sld [smem:$0x3FFE];
	_ =	sdelay $0x1  }
0x8a: {  	s1 =	srdreg.scid  }
0x8b: {  	s0 =	sand.u32 $0x1, s1  }
0x8c: {  	s17 =	sshll.u32 s0, $0xA;
	s2 =	sadd.s32 s3, s2  }
0x8d: {  	s2 =	sadd.s32 s2, s17  }
0x8e: {  	[smem:$0x3FAA] =	sst s2  }
0x8f: {  	_ = 	snop  }
0x90: {  	(tm) =	ssettm $0x1  }
0x91: {  	s18 =	sld [smem:$0x3FFB];
	_ =	sdelay $0x3  }
0x92: {  	_ =	strace s18  }
0x93: {  	s2 =	sld [smem:$0x3FFC];
	_ =	sdelay $0x3  }
0x94: {  	_ =	strace s2  }
0x95: {  	s2 =	sld [smem:$0x3FFD];
	_ =	sdelay $0x3  }
0x96: {  	_ =	strace s2  }
0x97: {  	_ =	strace $0x8FFFFFFF  }
0x98: {  	s19 =	sld [smem:$0x3FDB];
	_ =	sdelay $0x1  }
0x99: {  	s20 =	simm.s32 $_scs_section_size  }
0x9a: {  	s4 =	simm.s32 $_size__tile_overlayer_lowered;
	s5 =	simm.s32 $_tile_overlayer_lowered  }
0x9b: {  	s6 =	simm.s32 $0x1BFF;
	s21 =	sshll.u32 s5, $0x1;
	s3 =	sadd.s32 s20, s19  }
0x9c: {  	s22 =	simm.s32 $0x0;
	s4 =	sshll.u32 s4, $0x1;
	s5 =	sadd.s32 s21, s3  }
0x9d: {  	[timem:s22], [sflag:s6] =	dma.local [hbm:s5], s4  }
0x9e: {  	_ =	swait.ge [sflag:s6], s4  }
0x9f: {  	s4 =	ssub.s32 $0x0, s4;
	[sflag:s6] =	ssyncset.done $0x0  }
0xa0: {  	[sflag:s6] =	ssyncadd.s32 s4;
	_ =	sdelay $0x1  }
0xa1: {  	s23 =	simm.s32 $0x1B8B  }
0xa2: {  	_ =	swait.ge [sflag:s23], $0x1  }
0xa3: {  	[sflag:s23] =	ssyncset.done $0x0  }
0xa4: {  	[sflag:s23] =	ssyncadd.s32 $0xFFFFFFFF  }
0xa5: {  	s4 =	sld [smem:$0x0]  }
0xa6: {  	s5 =	sand.u32 $0xFFFFFFFE, s1  }
0xa7: {  	p0 =	sne.s32 s1, s5  }
0xa8: {  	s5 =	sshll.u32 @p0 s5, $0xE  }
0xa9: {  	s5 =	sadd.s32 @p0 $0x11B8D, s5;
	s6 =	sshll.u32 @p0 s4, $0x11  }
0xaa: {  	s5 =	sor.u32 @p0 s6, s5  }
0xab: {  	[sflag:s5] =	ssyncadd.remote.s32 @p0 $0x1;
	_ =	sdelay $0x1  }
0xac: {  	s5 =	simm.s32 @p0 $0x1B8D  }
0xad: {  	_ =	swait.eq @p0 [sflag:s5], $0x1  }
0xae: {  	[sflag:s5] =	ssyncadd.s32 @p0 $0xFFFFFFFF  }
0xaf: {  	s6 =	sshll.u32 @!p0 s1, $0xE  }
0xb0: {  	s6 =	sor.u32 @!p0 $0x4000, s6;
	s5 =	simm.s32 @!p0 $0x1B8D  }
0xb1: {  	s4 =	sshll.u32 @!p0 s4, $0x11;
	s6 =	sadd.s32 @!p0 $0x11B8D, s6;
	_ =	swait.eq @!p0 [sflag:s5], $0x1  }
0xb2: {  	s4 =	sor.u32 @!p0 s4, s6;
	[sflag:s5] =	ssyncadd.s32 @!p0 $0xFFFFFFFF  }
0xb3: {  	s25 =	simm.s32 $0x1B8E;
	s24 =	sld [smem:$0x3FFE];
	[sflag:s4] =	ssyncadd.remote.s32 @!p0 $0x1  }
0xb4: {  	s26 =	simm.s32 $execute0_lowered;
	[smem:$0x3FD2] =	sst s25  }
0xb5: {  	s5 =	sshll.u32 s26, $0x1;
	_ =	strace $0x80000052;
	[dreg:$0x1] =	wrdreg $0xFFFFFFFF  }
0xb6: {  	s28 =	simm.s32 $_size_execute0_lowered;
	s3 =	sadd.s32 s3, s5;
	[dreg:$0x0] =	wrdreg $0x0  }
0xb7: {  	s5 =	sshll.u32 s28, $0x1;
	[dreg:$0x2] =	wrdreg s3  }
0xb8: {  	[dreg:$0x3] =	wrdreg s5  }
0xb9: {  	[dreg:$0x4] =	wrdreg $0xC0  }
0xba: {  	_ =	task [dreg:s22], $0x5FFFF  }
0xbb: {  	[dreg:$0x1] =	wrdreg $0xFFFFFFFF  }
0xbc: {  	[dreg:$0x0] =	wrdreg $0x60  }
0xbd: {  	[dreg:$0x2] =	wrdreg s24  }
0xbe: {  	[dreg:$0x3] =	wrdreg $0x90800  }
0xbf: {  	[dreg:$0x4] =	wrdreg $0xA  }
0xc0: {  	_ =	task.clear_ibuf [dreg:s22], $0x5FFFF;
	_ =	strace $0x90000052  }
0xc1: {  	s29 =	simm.s32 $0xA;
	_ =	strace $0x80000054  }
0xc2: {  	_ =	swait.ge [sflag:s29], $0x1  }
0xc3: {  	[sflag:s29] =	ssyncadd.s32 $0xFFFFFFFF  }
0xc4: {  	_ =	strace $0x90000054  }
0xc5: {  	_ =	sfence  }
0xc6: {  	s30 =	sld [smem:$0x0];
	_ =	sdelay $0x2  }
0xc7: {  	s31 =	sshll.u32 s1, $0xD;
	s1 =	sshrl.u32 s1, $0x2  }
0xc8: {  	s4 =	sand.u32 $0x4000, s31;
	s1 =	sadd.s32 s1, s30  }
0xc9: {  	s0 =	sor.u32 s4, s0;
	s1 =	sshll.u32 s1, $0x11  }
0xca: {  	s0 =	sor.u32 s1, s0  }
0xcb: {  	s0 =	sadd.s32 $0x8F2B, s0  }
0xcc: {  	[sflag:s0] =	ssyncadd.remote.s32 $0x1  }
0xcd: {  	_ =	sfence.sel $0xFFFF  }
0xce: {  	[dreg:$0x0] =	wrdreg $0xFFFFFFFF;
	(pc) =	sbr.abs _section_cstart, $3  }
0xcf: {  	[dreg:$0x1] =	wrdreg $0xFFFFFFFF  }
0xd0: {  	_ =	task.clear_ibuf [dreg:s22], $0x2FFFF;
	_ =	strace $0x9FFFFFFF  }
0xd1: {  	(tm) =	ssettm $0x7FFFFFFF  }
tec
execute0_lowered:
.L_overlay_start_1:
0x0: {  	(tag) =	ssettag $0x1  }
0x1: {  	s1 =	stileid.u32  }
0x2: {  	s4 =	rddreg [dreg:$0x0];
	s7 =	smul.u32 $0x1880, s1  }
0x3: {  	s0 =	srdreg.scid;
	s28 =	smul.u32 $0x14000, s1  }
0x4: {  	s2 =	rddreg [dreg:$0x1];
	s3 =	simm.s32 $0x0;
	s29 =	smul.u32 $0x18800, s1  }
0x5: {  	s5 =	sand.u32 $0x1, s0;
	s0 =	rddreg [dreg:$0x2];
	s12 =	smul.u32 $0x5000, s1  }
0x6: {  	s15 =	simm.s32 $0x0;
	[smem:$0x7FF] =	sst s3;
	s6 =	smul.u32 $0x18800, s5  }
0x7: {  	s13 =	sshll.u32 s1, $0x6;
	s8 =	smul.u32 $0x188000, s5;
	_ =	strace $0x80000053  }
0x8: {  	s9 =	smul.u32 $0x140000, s5;
	s5 =	ssub.s32 $0x2, s5;
	s13 =	sor.u32 $0x1C01, s13  }
0x9: {  	s11 =	sshrl.u32 s5, $0x1;
	s30 =	sshrl.u32 s28, $0x2;
	s6 =	sadd.s32 s7, s6  }
0xa: {  	s8 =	sadd.s32 s8, s4;
	s11 =	ssub.s32 s5, s11;
	s5 =	sadd.s32 s30, s2  }
0xb: {  	s6 =	sshrl.u32 s6, $0x3;
	s31 =	sadd.s32 s29, s8;
	s8 =	smax.u32 s11, $0x1  }
0xc: {  	s11 =	simm.s32 $0x1;
	s14 =	sshrl.u32 s5, $0x3;
	s10 =	sadd.s32 s6, s4  }
0xd: {  	s4 =	sadd.s32 $0x2C800, s4;
	s6 =	sadd.s32 s9, s12;
	s7 =	sadd.s32 $0x11B200, s31  }
0xe: {  	v0 =	vimm.f32 $0.0e+00;
	s12 =	simm.s32 $0x80;
	s9 =	sadd.s32 $0x108A00, s10;
	s10 =	simm.s32 $0x4080  }
.LBB2_1:
0xf: {  	s17 =	simm.s32 $0x70;
	s16 =	simm.s32 $0x3C0  }
.LBB2_2:
0x10: {  	p0 =	sne.s32 s16, $0x13FC0;
	[tilespmem:s17+$0x4080] =	vst v0  }
0x11: {  	[tilespmem:s17+$0x4010] =	vst v0  }
0x12: {  	[tilespmem:s17+$0x4020] =	vst v0  }
.Ltmp0:
0x13: {  	[tilespmem:s17+$0x4030] =	vst v0;
	(pc) =	sbr.rel @p0 .LBB2_2-.Ltmp0, $4  }
0x14: {  	[tilespmem:s17+$0x4040] =	vst v0  }
0x15: {  	[tilespmem:s17+$0x4050] =	vst v0  }
0x16: {  	[tilespmem:s17+$0x4060] =	vst v0  }
0x17: {  	[tilespmem:s17+$0x4070] =	vst v0;
	s17 =	sshra.s32 s16, $0x2;
	s16 =	sadd.s32 $0x200, s16  }
0x18: {  	[tilespmem:s17+$0x4080] =	vst v0  }
0x19: {  	[tilespmem:s17+$0x4010] =	vst v0  }
0x1a: {  	[tilespmem:s17+$0x4020] =	vst v0  }
0x1b: {  	[tilespmem:s17+$0x4030] =	vst v0  }
0x1c: {  	[tilespmem:s17+$0x4040] =	vst v0  }
0x1d: {  	[tilespmem:s17+$0x4050] =	vst v0  }
0x1e: {  	[tilespmem:s17+$0x4060] =	vst v0  }
0x1f: {  	s16 =	simm.s32 $0x0;
	[tilespmem:s17+$0x4070] =	vst v0  }
.LBB2_4:
0x20: {  	[spmem:s5] =	stream.linear.scatter [tilespmem:s10], [sflag:$0x1], $0x5000, $0x38;
	[tilespmem:$0xE080] =	vst v63  }
0x21: {  	_ =	swait.ge [sflag:s11], $0x5000  }
0x22: {  	[sflag:s11] =	ssyncset.done $0x0  }
0x23: {  	[sflag:s11] =	ssyncadd.s32 $0xFFFFB000  }
0x24: {  	s17 =	sadd.s32 $0x0, s9;
	[bflag:$0x0] =	sbarrier.arrive $0xFFFF  }
0x25: {  	[tilespmem:s3], [sflag:$0x1] =	stream.linear.gather [hbm4b:s17+s3], $0x80, $0x38;
	[tilespmem:$0xE080] =	vst v63  }
0x26: {  	_ =	swait.ge [sflag:s11], $0x80  }
0x27: {  	[sflag:s11] =	ssyncset.done $0x0  }
0x28: {  	[sflag:s11] =	ssyncadd.s32 $0xFFFFFF80  }
0x29: {  	[tilespmem:s12], [sflag:$0x1] =	stream.linear.gather [hbm4b:s7+s3], $0x4000, $0x38;
	[tilespmem:$0xE080] =	vst v63  }
0x2a: {  	_ =	swait.ge [sflag:s11], $0x4000  }
0x2b: {  	[sflag:s11] =	ssyncset.done $0x0  }
0x2c: {  	[sflag:s11] =	ssyncadd.s32 $0xFFFFC000  }
0x2d: {  	s31 =	smul.u32 $0xFFFFF63C, s16;
	v2 =	vld [tilespmem:$0x50]  }
0x2e: {  	v4 =	vld [tilespmem:$0x60]  }
0x2f: {  	s18 =	smov.u32 s7;
	v1 =	vmov s31;
	s17 =	simm.s32 $0x10;
	v3 =	vld [tilespmem:$0x70]  }
.LBB2_5:
0x30: {  	p0 =	sne.s32 s17, $0x300  }
0x31: {  	v5 =	vld [tilespmem:$0x30];
	s18 =	sadd.s32 $0x800, s18;
	s19 =	smov.u32 s17;
	s17 =	sadd.s32 $0x10, s17  }
0x32: {  	v6 =	vld [tilespmem:$0x10]  }
0x33: {  	v7 =	vld [tilespmem:$0x20]  }
0x34: {  	v8 =	vld [tilespmem:$0x0];
	v4 =	vadd.s32 v1, v4  }
0x35: {  	v2 =	vadd.s32 v1, v2;
	v9 =	vld [tilespmem:$0x40];
	v4 =	vmin.u32 v4, $0x9C4;
	v3 =	vadd.s32 v1, v3  }
0x36: {  	v2 =	vmin.u32 v2, $0x9C4;
	v5 =	vadd.s32 v1, v5;
	[tilespmem:$0x60] =	vst v4;
	v3 =	vmin.u32 v3, $0x9C4  }
0x37: {  	v4 =	vadd.s32 v1, v6;
	v5 =	vmin.u32 v5, $0x9C4;
	[tilespmem:$0x70] =	vst v3  }
0x38: {  	v3 =	vmin.u32 v4, $0x9C4;
	v4 =	vadd.s32 v1, v7;
	[tilespmem:$0x50] =	vst v2  }
0x39: {  	v2 =	vadd.s32 v1, v8;
	v4 =	vmin.u32 v4, $0x9C4;
	[tilespmem:$0x30] =	vst v5  }
0x3a: {  	v2 =	vmin.u32 v2, $0x9C4;
	[tilespmem:$0x10] =	vst v3;
	v3 =	vadd.s32 v1, v9  }
0x3b: {  	[tilespmem:$0x20] =	vst v4;
	v3 =	vmin.u32 v3, $0x9C4  }
0x3c: {  	[tilespmem:$0x40] =	vst v3  }
0x3d: {  	[tilespmem:$0x0] =	vst v2  }
0x3e: {  	[spmem:s2] =	stream.indirect.scatter.add.f32 [tilespmem:s12], [sflag:$0x1], $0x80, s3, s12, $0xb8;
	[tilespmem:$0xE080] =	vst v63  }
0x3f: {  	_ =	swait.ge [sflag:s11], $0x4000  }
0x40: {  	[sflag:s11] =	ssyncset.done $0x0  }
0x41: {  	s19 =	sadd.s32 s19, s9;
	[sflag:s11] =	ssyncadd.s32 $0xFFFFC000  }
0x42: {  	[tilespmem:s3], [sflag:$0x1] =	stream.linear.gather [hbm4b:s19+s3], $0x80, $0x38;
	[tilespmem:$0xE080] =	vst v63  }
0x43: {  	_ =	swait.ge [sflag:s11], $0x80  }
0x44: {  	[sflag:s11] =	ssyncset.done $0x0  }
0x45: {  	[sflag:s11] =	ssyncadd.s32 $0xFFFFFF80  }
0x46: {  	[tilespmem:s12], [sflag:$0x1] =	stream.linear.gather [hbm4b:s18+s3], $0x4000, $0x38;
	[tilespmem:$0xE080] =	vst v63  }
0x47: {  	_ =	swait.ge [sflag:s11], $0x4000  }
.Ltmp1:
0x48: {  	[sflag:s11] =	ssyncset.done $0x0;
	(pc) =	sbr.rel @p0 .LBB2_5-.Ltmp1, $4  }
0x49: {  	[sflag:s11] =	ssyncadd.s32 $0xFFFFC000  }
0x4a: {  	v2 =	vld [tilespmem:$0x50]  }
0x4b: {  	v4 =	vld [tilespmem:$0x60]  }
0x4c: {  	v3 =	vld [tilespmem:$0x70]  }
0x4d: {  	v5 =	vld [tilespmem:$0x30]  }
0x4e: {  	v6 =	vld [tilespmem:$0x10]  }
0x4f: {  	v7 =	vld [tilespmem:$0x20];
	v2 =	vadd.s32 v1, v2  }
0x50: {  	v8 =	vld [tilespmem:$0x40];
	v4 =	vadd.s32 v1, v4;
	v2 =	vmin.u32 v2, $0x9C4  }
0x51: {  	v9 =	vld [tilespmem:$0x0];
	v4 =	vmin.u32 v4, $0x9C4;
	v3 =	vadd.s32 v1, v3;
	[tilespmem:$0x50] =	vst v2  }
0x52: {  	[tilespmem:$0x60] =	vst v4;
	v3 =	vmin.u32 v3, $0x9C4;
	v63 =	vadd.s32 v1, v5  }
0x53: {  	[tilespmem:$0x70] =	vst v3;
	v3 =	vadd.s32 v1, v6;
	v4 =	vmin.u32 v63, $0x9C4  }
0x54: {  	v2 =	vmin.u32 v3, $0x9C4;
	v3 =	vadd.s32 v1, v7;
	[tilespmem:$0x30] =	vst v4  }
0x55: {  	v3 =	vmin.u32 v3, $0x9C4;
	[tilespmem:$0x10] =	vst v2;
	v2 =	vadd.s32 v1, v8  }
0x56: {  	v1 =	vadd.s32 v1, v9;
	[tilespmem:$0x20] =	vst v3;
	v2 =	vmin.u32 v2, $0x9C4  }
0x57: {  	v1 =	vmin.u32 v1, $0x9C4;
	[tilespmem:$0x40] =	vst v2  }
0x58: {  	s17 =	smul.u32 $0x50000, s16;
	[tilespmem:$0x0] =	vst v1  }
0x59: {  	[spmem:s2] =	stream.indirect.scatter.add.f32 [tilespmem:s12], [sflag:$0x1], $0x80, s3, s12, $0xb8;
	[tilespmem:$0xE080] =	vst v63  }
0x5a: {  	_ =	swait.ge [sflag:s11], $0x4000  }
0x5b: {  	s17 =	sadd.s32 s17, s6;
	[sflag:s11] =	ssyncset.done $0x0  }
0x5c: {  	s16 =	sadd.s32 $0x1, s16;
	s17 =	sshrl.u32 s17, $0x3;
	[sflag:s11] =	ssyncadd.s32 $0xFFFFC000  }
0x5d: {  	p0 =	sne.s32 s16, $0x4;
	s17 =	sadd.s32 s4, s17;
	[bflag:$0x0] =	sbarrier.arrive $0xFFFF  }
0x5e: {  	[hbm:s17], [sflag:s13] =	dma.local [spmem:s14], $0xA00  }
.Ltmp2:
0x5f: {  	_ =	swait.ge [sflag:s11], $0xA00;
	(pc) =	sbr.rel @p0 .LBB2_4-.Ltmp2, $3  }
0x60: {  	[sflag:s11] =	ssyncset.done $0x0  }
0x61: {  	[sflag:s11] =	ssyncadd.s32 $0xFFFFF600  }
0x62: {  	[bflag:$0x0] =	sbarrier.arrive $0xFFFF;
	_ =	sdelay $0x1  }
0x63: {  	s15 =	sadd.s32 $0x1, s15  }
0x64: {  	p0 =	sne.s32 s15, s8  }
.Ltmp3:
0x65: {  	_ = 	snop;
	(pc) =	sbr.rel @p0 .LBB2_1-.Ltmp3, $1  }
0x66: {  	_ =	sdelay $0x3  }
0x67: {  	_ =	sfence.sel $0x180000  }
0x68: {  	[bflag:$0x0] =	sbarrier.arrive $0xFFFF  }
0x69: {  	p0 =	sne.s32 s1, $0x0;
	_ =	strace $0x90000053  }
0x6a: {  	s0 =	sadd.s32 @!p0 $0x100000, s0;
	[bflag:$0x2] =	sbarrier.arrive $0xFFFF  }
0x6b: {  	[sflag:s0] =	ssyncadd.tile.s32 @!p0 $0x1;
	_ =	shalt  }
.Lfunc_end2:
_tile_overlayer_lowered:
.L_overlay_start_2:
0x6c: {  	(tag) =	ssettag $0x2  }
0x6d: {  	s0 =	rddreg [dreg:$0x0];
	s2 =	stileid.u32  }
0x6e: {  	s1 =	rddreg [dreg:$0x1];
	p0 =	sne.s32 s2, $0x0  }
0x6f: {  	s3 =	rddreg [dreg:$0x2];
	[bflag:$0x3] =	sbarrier.arrive $0xFFFF;
	s2 =	simm.s32 @!p0 $0x1C01  }
0x70: {  	[timem:s3], [sflag:s2] =	dma.local @!p0 [hbm:s0], s1  }
0x71: {  	s0 =	simm.s32 @!p0 $0x1  }
0x72: {  	_ =	swait.ge @!p0 [sflag:s0], s1  }
0x73: {  	s1 =	ssub.s32 @!p0 $0x0, s1;
	[sflag:s0] =	ssyncset.done @!p0 $0x0  }
0x74: {  	[sflag:s0] =	ssyncadd.s32 @!p0 s1  }
0x75: {  	[bflag:$0x3] =	sbarrier.arrive $0xFFFF  }
0x76: {  	_ =	shalt  }

// kernel: kernel.9.cloned.1.call-start
scs
__scs_entry_jumppad:
0x0: {  	(pc) =	sbr.rel $0x88, $3  }
0x1: {  	(tag) =	ssettag $0x0;
	lr =	simm.s32 $0x1  }
0x2: {  	[smem:$0x3F83] =	sst lr;
	_ =	strace $0xD0000000  }
0x3: {  	_ = 	snop  }
0x4: {  	_ = 	snop  }
0x5: {  	_ = 	snop  }
0x6: {  	_ = 	snop  }
0x7: {  	_ = 	snop  }
__scs_overlays_trampoline_lowered:
0x8: {  	[smem:$0x3F92] =	sst s0  }
0x9: {  	[smem:$0x3F93] =	sst s1  }
0xa: {  	[smem:$0x3F94] =	sst s2  }
0xb: {  	[smem:$0x3F95] =	sst s3  }
0xc: {  	[smem:$0x3F96] =	sst s4  }
0xd: {  	[smem:$0x3F97] =	sst s5  }
0xe: {  	[smem:$0x3F98] =	sst s6  }
0xf: {  	[smem:$0x3F99] =	sst s7  }
0x10: {  	[smem:$0x3F9A] =	sst s8  }
0x11: {  	[smem:$0x3F9B] =	sst s9;
	s0 =	simm.s32 @!p0 $0x0  }
0x12: {  	s1 =	sld [smem:$0x3F81];
	s0 =	simm.s32 @p0 $0x1  }
0x13: {  	[smem:$0x3F9C] =	sst s0;
	s0 =	simm.s32 @!p1 $0x0  }
0x14: {  	s2 =	sld [smem:$0x3F80];
	s0 =	simm.s32 @p1 $0x1  }
0x15: {  	[smem:$0x3F9D] =	sst s0;
	s0 =	simm.s32 @!p2 $0x0  }
0x16: {  	s3 =	sld [smem:$0x3FDB];
	s0 =	simm.s32 @p2 $0x1  }
0x17: {  	s4 =	simm.s32 $0x1BF5;
	[smem:$0x3F9F] =	sst s0  }
0x18: {  	s0 =	sld [smem:$0x3F82];
	_ =	swait.ge [sflag:s4], $0x0  }
0x19: {  	s7 =	sld [smem:$0x3F83]  }
0x1a: {  	s8 =	sadd.s32 $0xFFFFE003, lr  }
0x1b: {  	s9 =	sadd.s32 $0xFFFFFEF7, lr;
	s5 =	simm.s32 $0xFFFFFFFF;
	p2 =	slt.u32 s8, $0xFFFFF086  }
0x1c: {  	p1 =	slt.u32 s9, $0xF7A;
	s5 =	simm.s32 @!p2 $0x0  }
0x1d: {  	s5 =	simm.s32 @p1 $0x1;
	p0 =	seq.s32 s7, s2  }
0x1e: {  	s7 =	smul.u32 @!p0 $0xF7A, s2;
	p2 =	seq.s32 @!p0 s5, $0x0  }
0x1f: {  	s9 =	smul.u32 $0xF7A, s1;
	s8 =	simm.s32 @!p0 $0x1BF5;
	p2 =	por !p2, p0  }
0x20: {  	[sflag:s8] =	ssyncset.s32 @!p0 $0xFFFFF086;
	s6 =	sadd.s32 @!p0 s3, s7;
	s7 =	simm.s32 @!p0 $0x108  }
0x21: {  	s3 =	sadd.s32 s3, s9;
	s6 =	sadd.s32 @!p0 $0x88, s6;
	s7 =	simm.s32 @p2 $0x1082  }
0x22: {  	[simem:s7], [sflag:s8] =	dma.local @!p0 [hbm:s6], $0xF7A  }
0x23: {  	s9 =	sor.u32 $0xD0000000, s2;
	s6 =	simm.s32 $0x108;
	_ =	swait.ge @!p0 [sflag:s8], $0x0  }
0x24: {  	s3 =	sadd.s32 $0x88, s3;
	s6 =	simm.s32 @!p1 $0x1082;
	[sflag:s4] =	ssyncset.s32 $0xFFFFF086  }
0x25: {  	[simem:s6], [sflag:s4] =	dma.local [hbm:s3], $0xF7A  }
0x26: {  	[smem:$0x3F83] =	sst s1;
	(tag) =	ssettag s2;
	_ =	strace s9  }
0x27: {  	s1 =	sld [smem:$0x3F93]  }
0x28: {  	s2 =	sld [smem:$0x3F94]  }
0x29: {  	s4 =	sld [smem:$0x3F96]  }
0x2a: {  	p0 =	seq.s32 s5, $0x0;
	s5 =	sld [smem:$0x3F97]  }
0x2b: {  	s6 =	sld [smem:$0x3F98]  }
0x2c: {  	s7 =	sld [smem:$0x3F99]  }
0x2d: {  	s3 =	simm.s32 $0x108;
	s8 =	sld [smem:$0x3F9A]  }
0x2e: {  	s3 =	simm.s32 @!p0 $0x1082;
	s9 =	sld [smem:$0x3F9B]  }
0x2f: {  	lr =	sadd.s32 s0, s3;
	s0 =	sld [smem:$0x3F92]  }
0x30: {  	s3 =	sld [smem:$0x3F95]  }
0x31: {  	[smem:$0x3F9E] =	sst s10  }
0x32: {  	s10 =	sld [smem:$0x3F9C];
	_ =	sdelay $0x3  }
0x33: {  	p0 =	seq.s32 s10, $0x1;
	s10 =	sld [smem:$0x3F9E];
	_ =	sdelay $0x3  }
0x34: {  	[smem:$0x3F9E] =	sst s10  }
0x35: {  	s10 =	sld [smem:$0x3F9D];
	_ =	sdelay $0x3  }
0x36: {  	p1 =	seq.s32 s10, $0x1;
	s10 =	sld [smem:$0x3F9E];
	_ =	sdelay $0x3  }
0x37: {  	[smem:$0x3F9E] =	sst s10  }
0x38: {  	s10 =	sld [smem:$0x3F9F]  }
0x39: {  	_ = 	snop;
	(pc) =	sbr.ind lr, $3  }
0x3a: {  	_ = 	snop  }
0x3b: {  	_ = 	snop  }
0x3c: {  	p2 =	seq.s32 s10, $0x1;
	s10 =	sld [smem:$0x3F9E]  }
0x3d: {  	_ =	shalt  }
0x3e: {  	_ =	shalt  }
0x3f: {  	_ =	shalt  }
0x40: {  	_ =	shalt  }
0x41: {  	_ =	shalt  }
0x42: {  	_ =	shalt  }
0x43: {  	_ =	shalt  }
0x44: {  	_ =	shalt  }
0x45: {  	_ =	shalt  }
0x46: {  	_ =	shalt  }
0x47: {  	_ =	shalt  }
0x48: {  	_ =	shalt  }
0x49: {  	_ =	shalt  }
0x4a: {  	_ =	shalt  }
0x4b: {  	_ =	shalt  }
0x4c: {  	_ =	shalt  }
0x4d: {  	_ =	shalt  }
0x4e: {  	_ =	shalt  }
0x4f: {  	_ =	shalt  }
0x50: {  	_ =	shalt  }
0x51: {  	_ =	shalt  }
0x52: {  	_ =	shalt  }
0x53: {  	_ =	shalt  }
0x54: {  	_ =	shalt  }
0x55: {  	_ =	shalt  }
0x56: {  	_ =	shalt  }
0x57: {  	_ =	shalt  }
0x58: {  	_ =	shalt  }
0x59: {  	_ =	shalt  }
0x5a: {  	_ =	shalt  }
0x5b: {  	_ =	shalt  }
0x5c: {  	_ =	shalt  }
0x5d: {  	_ =	shalt  }
0x5e: {  	_ =	shalt  }
0x5f: {  	_ =	shalt  }
0x60: {  	_ =	shalt  }
0x61: {  	_ =	shalt  }
0x62: {  	_ =	shalt  }
0x63: {  	_ =	shalt  }
0x64: {  	_ =	shalt  }
0x65: {  	_ =	shalt  }
0x66: {  	_ =	shalt  }
0x67: {  	_ =	shalt  }
0x68: {  	_ =	shalt  }
0x69: {  	_ =	shalt  }
0x6a: {  	_ =	shalt  }
0x6b: {  	_ =	shalt  }
0x6c: {  	_ =	shalt  }
0x6d: {  	_ =	shalt  }
0x6e: {  	_ =	shalt  }
0x6f: {  	_ =	shalt  }
0x70: {  	_ =	shalt  }
0x71: {  	_ =	shalt  }
0x72: {  	_ =	shalt  }
0x73: {  	_ =	shalt  }
0x74: {  	_ =	shalt  }
0x75: {  	_ =	shalt  }
0x76: {  	_ =	shalt  }
0x77: {  	_ =	shalt  }
0x78: {  	_ =	shalt  }
0x79: {  	_ =	shalt  }
0x7a: {  	_ =	shalt  }
0x7b: {  	_ =	shalt  }
0x7c: {  	_ =	shalt  }
0x7d: {  	_ =	shalt  }
0x7e: {  	_ =	shalt  }
0x7f: {  	_ =	shalt  }
0x80: {  	_ =	shalt  }
0x81: {  	_ =	shalt  }
0x82: {  	_ =	shalt  }
0x83: {  	_ =	shalt  }
0x84: {  	_ =	shalt  }
0x85: {  	_ =	shalt  }
0x86: {  	_ =	shalt  }
0x87: {  	_ =	shalt  }
.Lfunc_end0:
.L_simem_size_0:
called_computation.2_lowered:
.L_overlay_start_0:
0x88: {  	s2 =	sld [smem:$0x3FD9]  }
0x89: {  	s3 =	sld [smem:$0x3FFE];
	_ =	sdelay $0x1  }
0x8a: {  	s1 =	srdreg.scid  }
0x8b: {  	s0 =	sand.u32 $0x1, s1  }
0x8c: {  	s17 =	sshll.u32 s0, $0xA;
	s2 =	sadd.s32 s3, s2  }
0x8d: {  	s2 =	sadd.s32 s2, s17  }
0x8e: {  	[smem:$0x3FAA] =	sst s2  }
0x8f: {  	_ = 	snop  }
0x90: {  	s18 =	sld [smem:$0x3FD0];
	(tm) =	ssettm $0x1  }
0x91: {  	s19 =	sld [smem:$0x3FFB];
	_ =	sdelay $0x3  }
0x92: {  	_ =	strace s19  }
0x93: {  	s2 =	sld [smem:$0x3FFC];
	_ =	sdelay $0x3  }
0x94: {  	_ =	strace s2  }
0x95: {  	s2 =	sld [smem:$0x3FFD];
	_ =	sdelay $0x3  }
0x96: {  	_ =	strace s2  }
0x97: {  	_ =	strace $0x8FFFFFFF  }
0x98: {  	s20 =	sld [smem:$0x3FDB];
	_ =	sdelay $0x1  }
0x99: {  	s4 =	simm.s32 $_scs_section_size  }
0x9a: {  	s5 =	simm.s32 $_size__tile_overlayer_lowered;
	s6 =	simm.s32 $_tile_overlayer_lowered  }
0x9b: {  	s7 =	simm.s32 $0x1BFF;
	s21 =	sshll.u32 s6, $0x1;
	s4 =	sadd.s32 s4, s20  }
0x9c: {  	s22 =	simm.s32 $0x0;
	s5 =	sshll.u32 s5, $0x1;
	s6 =	sadd.s32 s21, s4  }
0x9d: {  	[timem:s22], [sflag:s7] =	dma.local [hbm:s6], s5  }
0x9e: {  	_ =	swait.ge [sflag:s7], s5  }
0x9f: {  	s5 =	ssub.s32 $0x0, s5;
	[sflag:s7] =	ssyncset.done $0x0  }
0xa0: {  	[sflag:s7] =	ssyncadd.s32 s5;
	_ =	sdelay $0x1  }
0xa1: {  	s23 =	simm.s32 $0x1B8B  }
0xa2: {  	_ =	swait.ge [sflag:s23], $0x1  }
0xa3: {  	[sflag:s23] =	ssyncset.done $0x0  }
0xa4: {  	[sflag:s23] =	ssyncadd.s32 $0xFFFFFFFF  }
0xa5: {  	s5 =	sld [smem:$0x0]  }
0xa6: {  	s6 =	sand.u32 $0xFFFFFFFE, s1  }
0xa7: {  	p0 =	sne.s32 s1, s6  }
0xa8: {  	s6 =	sshll.u32 @p0 s6, $0xE  }
0xa9: {  	s6 =	sadd.s32 @p0 $0x11B8D, s6;
	s7 =	sshll.u32 @p0 s5, $0x11  }
0xaa: {  	s6 =	sor.u32 @p0 s7, s6  }
0xab: {  	[sflag:s6] =	ssyncadd.remote.s32 @p0 $0x1;
	_ =	sdelay $0x1  }
0xac: {  	s6 =	simm.s32 @p0 $0x1B8D  }
0xad: {  	_ =	swait.eq @p0 [sflag:s6], $0x1  }
0xae: {  	[sflag:s6] =	ssyncadd.s32 @p0 $0xFFFFFFFF  }
0xaf: {  	s7 =	sshll.u32 @!p0 s1, $0xE  }
0xb0: {  	s7 =	sor.u32 @!p0 $0x4000, s7;
	s6 =	simm.s32 @!p0 $0x1B8D  }
0xb1: {  	s5 =	sshll.u32 @!p0 s5, $0x11;
	s7 =	sadd.s32 @!p0 $0x11B8D, s7;
	_ =	swait.eq @!p0 [sflag:s6], $0x1  }
0xb2: {  	s5 =	sor.u32 @!p0 s5, s7;
	[sflag:s6] =	ssyncadd.s32 @!p0 $0xFFFFFFFF  }
0xb3: {  	s25 =	simm.s32 $0x1B8E;
	s24 =	sld [smem:$0x3FFE];
	[sflag:s5] =	ssyncadd.remote.s32 @!p0 $0x1  }
0xb4: {  	s26 =	simm.s32 $execute0_lowered;
	[smem:$0x3FD2] =	sst s25  }
0xb5: {  	s6 =	sshll.u32 s26, $0x1;
	_ =	strace $0x8000004C;
	[dreg:$0x1] =	wrdreg $0xFFFFFFFF  }
0xb6: {  	s28 =	simm.s32 $_size_execute0_lowered;
	s4 =	sadd.s32 s4, s6;
	[dreg:$0x0] =	wrdreg $0x0  }
0xb7: {  	s6 =	sshll.u32 s28, $0x1;
	[dreg:$0x2] =	wrdreg s4  }
0xb8: {  	[dreg:$0x3] =	wrdreg s6  }
0xb9: {  	[dreg:$0x4] =	wrdreg $0xC0  }
0xba: {  	_ =	task [dreg:s22], $0x5FFFF  }
0xbb: {  	[dreg:$0x1] =	wrdreg $0xFFFFFFFF  }
0xbc: {  	[dreg:$0x0] =	wrdreg $0x60  }
0xbd: {  	[dreg:$0x2] =	wrdreg s18  }
0xbe: {  	[dreg:$0x3] =	wrdreg s24  }
0xbf: {  	[dreg:$0x4] =	wrdreg $0xA  }
0xc0: {  	_ =	task.clear_ibuf [dreg:s22], $0x5FFFF;
	_ =	strace $0x9000004C  }
0xc1: {  	s29 =	simm.s32 $0xA;
	_ =	strace $0x8000004E  }
0xc2: {  	_ =	swait.ge [sflag:s29], $0x1  }
0xc3: {  	[sflag:s29] =	ssyncadd.s32 $0xFFFFFFFF  }
0xc4: {  	_ =	strace $0x9000004E  }
0xc5: {  	_ =	sfence  }
0xc6: {  	s30 =	sld [smem:$0x0];
	_ =	sdelay $0x2  }
0xc7: {  	s31 =	sshll.u32 s1, $0xD;
	s1 =	sshrl.u32 s1, $0x2  }
0xc8: {  	s4 =	sand.u32 $0x4000, s31;
	s1 =	sadd.s32 s1, s30  }
0xc9: {  	s0 =	sor.u32 s4, s0;
	s1 =	sshll.u32 s1, $0x11  }
0xca: {  	s0 =	sor.u32 s1, s0  }
0xcb: {  	s0 =	sadd.s32 $0x8F2B, s0  }
0xcc: {  	[sflag:s0] =	ssyncadd.remote.s32 $0x1  }
0xcd: {  	_ =	sfence.sel $0xFFFF  }
0xce: {  	[dreg:$0x0] =	wrdreg $0xFFFFFFFF;
	(pc) =	sbr.abs _section_cstart, $3  }
0xcf: {  	[dreg:$0x1] =	wrdreg $0xFFFFFFFF  }
0xd0: {  	_ =	task.clear_ibuf [dreg:s22], $0x2FFFF;
	_ =	strace $0x9FFFFFFF  }
0xd1: {  	(tm) =	ssettm $0x7FFFFFFF  }
tec
execute0_lowered:
.L_overlay_start_1:
0x0: {  	(tag) =	ssettag $0x1  }
0x1: {  	s2 =	rddreg [dreg:$0x0]  }
0x2: {  	s4 =	rddreg [dreg:$0x1]  }
0x3: {  	s0 =	rddreg [dreg:$0x2];
	s1 =	stileid.u32  }
0x4: {  	s5 =	srdreg.scid;
	s3 =	simm.s32 $0x0;
	s6 =	smul.u32 $0x3100, s1  }
0x5: {  	s10 =	simm.s32 $0x0;
	s5 =	sand.u32 $0x1, s5;
	s8 =	smul.u32 $0x31000, s1  }
0x6: {  	[smem:$0x7FF] =	sst s3;
	s7 =	smul.u32 $0x1880, s5;
	s9 =	ssub.s32 $0x2, s5  }
0x7: {  	_ =	strace $0x8000004D;
	s5 =	smul.u32 $0x18800, s5;
	s31 =	sshrl.u32 s9, $0x1  }
0x8: {  	s8 =	sadd.s32 s8, s4;
	s6 =	sadd.s32 s7, s6;
	s7 =	ssub.s32 s9, s31  }
0x9: {  	s5 =	sadd.s32 s5, s8;
	s8 =	simm.s32 $0x80;
	s6 =	sshrl.u32 s6, $0x3  }
0xa: {  	s9 =	simm.s32 $0x1;
	s5 =	sadd.s32 $0x1611C00, s5;
	s6 =	sadd.s32 s6, s4  }
0xb: {  	s4 =	smax.u32 s7, $0x1;
	s7 =	simm.s32 $0x2;
	s6 =	sadd.s32 $0x108A00, s6  }
.LBB2_1:
0xc: {  	s11 =	sadd.s32 $0x0, s6  }
0xd: {  	[tilespmem:s3], [sflag:$0x2] =	stream.linear.gather [hbm4b:s11+s3], $0x80, $0x38;
	[tilespmem:$0x4080] =	vst v63  }
0xe: {  	_ =	swait.ge [sflag:s7], $0x80  }
0xf: {  	[sflag:s7] =	ssyncset.done $0x0  }
0x10: {  	[sflag:s7] =	ssyncadd.s32 $0xFFFFFF80  }
0x11: {  	[tilespmem:s8], [sflag:$0x1] =	stream.indirect.gather [hbm4b:s2+s8], $0x80, s3, s8, $0xb8;
	[tilespmem:$0x4080] =	vst v63  }
0x12: {  	_ =	swait.ge [sflag:s9], $0x4000  }
0x13: {  	[sflag:s9] =	ssyncset.done $0x0  }
0x14: {  	[sflag:s9] =	ssyncadd.s32 $0xFFFFC000  }
0x15: {  	[hbm4b:s5+s3] =	stream.linear.scatter [tilespmem:s8], [sflag:$0x2], $0x4000, $0x38;
	[tilespmem:$0x4080] =	vst v63  }
0x16: {  	s12 =	simm.s32 $0x10;
	_ =	swait.ge [sflag:s7], $0x4000  }
0x17: {  	s13 =	simm.s32 $0x20;
	s11 =	sadd.s32 $0x800, s5;
	[sflag:s7] =	ssyncset.done $0x0  }
.LBB2_2:
0x18: {  	s14 =	sadd.s32 s12, s6  }
0x19: {  	[sflag:s7] =	ssyncadd.s32 $0xFFFFC000;
	s12 =	smov.u32 s13;
	s15 =	sadd.s32 $0x10, s13  }
0x1a: {  	[tilespmem:s3], [sflag:$0x2] =	stream.linear.gather [hbm4b:s14+s3], $0x80, $0x38;
	[tilespmem:$0x4080] =	vst v63  }
0x1b: {  	p0 =	sne.s32 s13, $0x300;
	_ =	swait.ge [sflag:s7], $0x80  }
0x1c: {  	[sflag:s7] =	ssyncset.done $0x0  }
0x1d: {  	[sflag:s7] =	ssyncadd.s32 $0xFFFFFF80  }
0x1e: {  	[tilespmem:s8], [sflag:$0x1] =	stream.indirect.gather [hbm4b:s2+s8], $0x80, s3, s8, $0xb8;
	[tilespmem:$0x4080] =	vst v63  }
0x1f: {  	_ =	swait.ge [sflag:s9], $0x4000  }
.Ltmp0:
0x20: {  	[sflag:s9] =	ssyncset.done $0x0;
	(pc) =	sbr.rel @p0 .LBB2_2-.Ltmp0, $4  }
0x21: {  	[sflag:s9] =	ssyncadd.s32 $0xFFFFC000  }
0x22: {  	[hbm4b:s11+s3] =	stream.linear.scatter [tilespmem:s8], [sflag:$0x2], $0x4000, $0x38;
	[tilespmem:$0x4080] =	vst v63  }
0x23: {  	_ =	swait.ge [sflag:s7], $0x4000  }
0x24: {  	s13 =	smov.u32 s15;
	s11 =	sadd.s32 $0x800, s11;
	[sflag:s7] =	ssyncset.done $0x0  }
0x25: {  	s12 =	sadd.s32 s12, s6;
	[sflag:s7] =	ssyncadd.s32 $0xFFFFC000  }
0x26: {  	[tilespmem:s3], [sflag:$0x2] =	stream.linear.gather [hbm4b:s12+s3], $0x80, $0x38;
	[tilespmem:$0x4080] =	vst v63  }
0x27: {  	_ =	swait.ge [sflag:s7], $0x80  }
0x28: {  	[sflag:s7] =	ssyncset.done $0x0  }
0x29: {  	[sflag:s7] =	ssyncadd.s32 $0xFFFFFF80  }
0x2a: {  	[tilespmem:s8], [sflag:$0x1] =	stream.indirect.gather [hbm4b:s2+s8], $0x80, s3, s8, $0xb8;
	[tilespmem:$0x4080] =	vst v63  }
0x2b: {  	s10 =	sadd.s32 $0x1, s10;
	_ =	swait.ge [sflag:s9], $0x4000  }
0x2c: {  	p0 =	sne.s32 s10, s4;
	[sflag:s9] =	ssyncset.done $0x0  }
.Ltmp1:
0x2d: {  	[sflag:s9] =	ssyncadd.s32 $0xFFFFC000;
	(pc) =	sbr.rel @p0 .LBB2_1-.Ltmp1, $4  }
0x2e: {  	[hbm4b:s11+s3] =	stream.linear.scatter [tilespmem:s8], [sflag:$0x2], $0x4000, $0x38;
	[tilespmem:$0x4080] =	vst v63  }
0x2f: {  	_ =	swait.ge [sflag:s7], $0x4000  }
0x30: {  	[sflag:s7] =	ssyncset.done $0x0  }
0x31: {  	[sflag:s7] =	ssyncadd.s32 $0xFFFFC000  }
0x32: {  	_ =	sfence.sel $0x180000  }
0x33: {  	[bflag:$0x0] =	sbarrier.arrive $0xFFFF  }
0x34: {  	p0 =	sne.s32 s1, $0x0;
	_ =	strace $0x9000004D  }
0x35: {  	s0 =	sadd.s32 @!p0 $0x100000, s0;
	[bflag:$0x2] =	sbarrier.arrive $0xFFFF  }
0x36: {  	[sflag:s0] =	ssyncadd.tile.s32 @!p0 $0x1;
	_ =	shalt  }
.Lfunc_end2:
_tile_overlayer_lowered:
.L_overlay_start_2:
0x37: {  	(tag) =	ssettag $0x2  }
0x38: {  	s0 =	rddreg [dreg:$0x0];
	s2 =	stileid.u32  }
0x39: {  	s1 =	rddreg [dreg:$0x1];
	p0 =	sne.s32 s2, $0x0  }
0x3a: {  	s3 =	rddreg [dreg:$0x2];
	[bflag:$0x3] =	sbarrier.arrive $0xFFFF;
	s2 =	simm.s32 @!p0 $0x1C02  }
0x3b: {  	[timem:s3], [sflag:s2] =	dma.local @!p0 [hbm:s0], s1  }
0x3c: {  	s0 =	simm.s32 @!p0 $0x2  }
0x3d: {  	_ =	swait.ge @!p0 [sflag:s0], s1  }
0x3e: {  	s1 =	ssub.s32 @!p0 $0x0, s1;
	[sflag:s0] =	ssyncset.done @!p0 $0x0  }
0x3f: {  	[sflag:s0] =	ssyncadd.s32 @!p0 s1  }
0x40: {  	[bflag:$0x3] =	sbarrier.arrive $0xFFFF  }
0x41: {  	_ =	shalt  }

// kernel: scatter_offload_async_start.1
scs
__scs_entry_jumppad:
0x0: {  	(pc) =	sbr.rel $0x88, $3  }
0x1: {  	(tag) =	ssettag $0x0;
	lr =	simm.s32 $0x1  }
0x2: {  	[smem:$0x3F83] =	sst lr;
	_ =	strace $0xD0000000  }
0x3: {  	_ = 	snop  }
0x4: {  	_ = 	snop  }
0x5: {  	_ = 	snop  }
0x6: {  	_ = 	snop  }
0x7: {  	_ = 	snop  }
__scs_overlays_trampoline_lowered:
0x8: {  	[smem:$0x3F92] =	sst s0  }
0x9: {  	[smem:$0x3F93] =	sst s1  }
0xa: {  	[smem:$0x3F94] =	sst s2  }
0xb: {  	[smem:$0x3F95] =	sst s3  }
0xc: {  	[smem:$0x3F96] =	sst s4  }
0xd: {  	[smem:$0x3F97] =	sst s5  }
0xe: {  	[smem:$0x3F98] =	sst s6  }
0xf: {  	[smem:$0x3F99] =	sst s7  }
0x10: {  	[smem:$0x3F9A] =	sst s8  }
0x11: {  	[smem:$0x3F9B] =	sst s9;
	s0 =	simm.s32 @!p0 $0x0  }
0x12: {  	s1 =	sld [smem:$0x3F81];
	s0 =	simm.s32 @p0 $0x1  }
0x13: {  	[smem:$0x3F9C] =	sst s0;
	s0 =	simm.s32 @!p1 $0x0  }
0x14: {  	s2 =	sld [smem:$0x3F80];
	s0 =	simm.s32 @p1 $0x1  }
0x15: {  	[smem:$0x3F9D] =	sst s0;
	s0 =	simm.s32 @!p2 $0x0  }
0x16: {  	s3 =	sld [smem:$0x3FDB];
	s0 =	simm.s32 @p2 $0x1  }
0x17: {  	s4 =	simm.s32 $0x1BF5;
	[smem:$0x3F9F] =	sst s0  }
0x18: {  	s0 =	sld [smem:$0x3F82];
	_ =	swait.ge [sflag:s4], $0x0  }
0x19: {  	s7 =	sld [smem:$0x3F83]  }
0x1a: {  	s8 =	sadd.s32 $0xFFFFE003, lr  }
0x1b: {  	s9 =	sadd.s32 $0xFFFFFEF7, lr;
	s5 =	simm.s32 $0xFFFFFFFF;
	p2 =	slt.u32 s8, $0xFFFFF086  }
0x1c: {  	p1 =	slt.u32 s9, $0xF7A;
	s5 =	simm.s32 @!p2 $0x0  }
0x1d: {  	s5 =	simm.s32 @p1 $0x1;
	p0 =	seq.s32 s7, s2  }
0x1e: {  	s7 =	smul.u32 @!p0 $0xF7A, s2;
	p2 =	seq.s32 @!p0 s5, $0x0  }
0x1f: {  	s9 =	smul.u32 $0xF7A, s1;
	s8 =	simm.s32 @!p0 $0x1BF5;
	p2 =	por !p2, p0  }
0x20: {  	[sflag:s8] =	ssyncset.s32 @!p0 $0xFFFFF086;
	s6 =	sadd.s32 @!p0 s3, s7;
	s7 =	simm.s32 @!p0 $0x108  }
0x21: {  	s3 =	sadd.s32 s3, s9;
	s6 =	sadd.s32 @!p0 $0x88, s6;
	s7 =	simm.s32 @p2 $0x1082  }
0x22: {  	[simem:s7], [sflag:s8] =	dma.local @!p0 [hbm:s6], $0xF7A  }
0x23: {  	s9 =	sor.u32 $0xD0000000, s2;
	s6 =	simm.s32 $0x108;
	_ =	swait.ge @!p0 [sflag:s8], $0x0  }
0x24: {  	s3 =	sadd.s32 $0x88, s3;
	s6 =	simm.s32 @!p1 $0x1082;
	[sflag:s4] =	ssyncset.s32 $0xFFFFF086  }
0x25: {  	[simem:s6], [sflag:s4] =	dma.local [hbm:s3], $0xF7A  }
0x26: {  	[smem:$0x3F83] =	sst s1;
	(tag) =	ssettag s2;
	_ =	strace s9  }
0x27: {  	s1 =	sld [smem:$0x3F93]  }
0x28: {  	s2 =	sld [smem:$0x3F94]  }
0x29: {  	s4 =	sld [smem:$0x3F96]  }
0x2a: {  	p0 =	seq.s32 s5, $0x0;
	s5 =	sld [smem:$0x3F97]  }
0x2b: {  	s6 =	sld [smem:$0x3F98]  }
0x2c: {  	s7 =	sld [smem:$0x3F99]  }
0x2d: {  	s3 =	simm.s32 $0x108;
	s8 =	sld [smem:$0x3F9A]  }
0x2e: {  	s3 =	simm.s32 @!p0 $0x1082;
	s9 =	sld [smem:$0x3F9B]  }
0x2f: {  	lr =	sadd.s32 s0, s3;
	s0 =	sld [smem:$0x3F92]  }
0x30: {  	s3 =	sld [smem:$0x3F95]  }
0x31: {  	[smem:$0x3F9E] =	sst s10  }
0x32: {  	s10 =	sld [smem:$0x3F9C];
	_ =	sdelay $0x3  }
0x33: {  	p0 =	seq.s32 s10, $0x1;
	s10 =	sld [smem:$0x3F9E];
	_ =	sdelay $0x3  }
0x34: {  	[smem:$0x3F9E] =	sst s10  }
0x35: {  	s10 =	sld [smem:$0x3F9D];
	_ =	sdelay $0x3  }
0x36: {  	p1 =	seq.s32 s10, $0x1;
	s10 =	sld [smem:$0x3F9E];
	_ =	sdelay $0x3  }
0x37: {  	[smem:$0x3F9E] =	sst s10  }
0x38: {  	s10 =	sld [smem:$0x3F9F]  }
0x39: {  	_ = 	snop;
	(pc) =	sbr.ind lr, $3  }
0x3a: {  	_ = 	snop  }
0x3b: {  	_ = 	snop  }
0x3c: {  	p2 =	seq.s32 s10, $0x1;
	s10 =	sld [smem:$0x3F9E]  }
0x3d: {  	_ =	shalt  }
0x3e: {  	_ =	shalt  }
0x3f: {  	_ =	shalt  }
0x40: {  	_ =	shalt  }
0x41: {  	_ =	shalt  }
0x42: {  	_ =	shalt  }
0x43: {  	_ =	shalt  }
0x44: {  	_ =	shalt  }
0x45: {  	_ =	shalt  }
0x46: {  	_ =	shalt  }
0x47: {  	_ =	shalt  }
0x48: {  	_ =	shalt  }
0x49: {  	_ =	shalt  }
0x4a: {  	_ =	shalt  }
0x4b: {  	_ =	shalt  }
0x4c: {  	_ =	shalt  }
0x4d: {  	_ =	shalt  }
0x4e: {  	_ =	shalt  }
0x4f: {  	_ =	shalt  }
0x50: {  	_ =	shalt  }
0x51: {  	_ =	shalt  }
0x52: {  	_ =	shalt  }
0x53: {  	_ =	shalt  }
0x54: {  	_ =	shalt  }
0x55: {  	_ =	shalt  }
0x56: {  	_ =	shalt  }
0x57: {  	_ =	shalt  }
0x58: {  	_ =	shalt  }
0x59: {  	_ =	shalt  }
0x5a: {  	_ =	shalt  }
0x5b: {  	_ =	shalt  }
0x5c: {  	_ =	shalt  }
0x5d: {  	_ =	shalt  }
0x5e: {  	_ =	shalt  }
0x5f: {  	_ =	shalt  }
0x60: {  	_ =	shalt  }
0x61: {  	_ =	shalt  }
0x62: {  	_ =	shalt  }
0x63: {  	_ =	shalt  }
0x64: {  	_ =	shalt  }
0x65: {  	_ =	shalt  }
0x66: {  	_ =	shalt  }
0x67: {  	_ =	shalt  }
0x68: {  	_ =	shalt  }
0x69: {  	_ =	shalt  }
0x6a: {  	_ =	shalt  }
0x6b: {  	_ =	shalt  }
0x6c: {  	_ =	shalt  }
0x6d: {  	_ =	shalt  }
0x6e: {  	_ =	shalt  }
0x6f: {  	_ =	shalt  }
0x70: {  	_ =	shalt  }
0x71: {  	_ =	shalt  }
0x72: {  	_ =	shalt  }
0x73: {  	_ =	shalt  }
0x74: {  	_ =	shalt  }
0x75: {  	_ =	shalt  }
0x76: {  	_ =	shalt  }
0x77: {  	_ =	shalt  }
0x78: {  	_ =	shalt  }
0x79: {  	_ =	shalt  }
0x7a: {  	_ =	shalt  }
0x7b: {  	_ =	shalt  }
0x7c: {  	_ =	shalt  }
0x7d: {  	_ =	shalt  }
0x7e: {  	_ =	shalt  }
0x7f: {  	_ =	shalt  }
0x80: {  	_ =	shalt  }
0x81: {  	_ =	shalt  }
0x82: {  	_ =	shalt  }
0x83: {  	_ =	shalt  }
0x84: {  	_ =	shalt  }
0x85: {  	_ =	shalt  }
0x86: {  	_ =	shalt  }
0x87: {  	_ =	shalt  }
.Lfunc_end0:
.L_simem_size_0:
called_computation.1_lowered:
.L_overlay_start_0:
0x88: {  	s0 =	sld [smem:$0x3FD9]  }
0x89: {  	s1 =	sld [smem:$0x3FFE];
	_ =	sdelay $0x3  }
0x8a: {  	s0 =	sadd.s32 s1, s0  }
0x8b: {  	[smem:$0x3FAA] =	sst s0  }
0x8c: {  	_ = 	snop  }
0x8d: {  	(tm) =	ssettm $0x1  }
0x8e: {  	s15 =	sld [smem:$0x3FFB];
	_ =	sdelay $0x3  }
0x8f: {  	_ =	strace s15  }
0x90: {  	s0 =	sld [smem:$0x3FFC];
	_ =	sdelay $0x3  }
0x91: {  	_ =	strace s0  }
0x92: {  	s0 =	sld [smem:$0x3FFD];
	_ =	sdelay $0x3  }
0x93: {  	_ =	strace s0  }
0x94: {  	_ =	strace $0x8FFFFFFF  }
0x95: {  	s16 =	sld [smem:$0x3FDB];
	_ =	sdelay $0x1  }
0x96: {  	s17 =	simm.s32 $_scs_section_size  }
0x97: {  	s2 =	simm.s32 $_size__tile_overlayer_lowered;
	s3 =	simm.s32 $_tile_overlayer_lowered  }
0x98: {  	s20 =	simm.s32 $0x1BFF;
	s19 =	sshll.u32 s3, $0x1;
	s0 =	sadd.s32 s17, s16  }
0x99: {  	s4 =	simm.s32 $0x0;
	s18 =	sshll.u32 s2, $0x1;
	s2 =	sadd.s32 s19, s0  }
0x9a: {  	[timem:s4], [sflag:s20] =	dma.local [hbm:s2], s18  }
0x9b: {  	_ =	swait.ge [sflag:s20], s18  }
0x9c: {  	s1 =	ssub.s32 $0x0, s18;
	[sflag:s20] =	ssyncset.done $0x0  }
0x9d: {  	[sflag:s20] =	ssyncadd.s32 s1;
	_ =	sdelay $0x1  }
0x9e: {  	s21 =	simm.s32 $0x1B8B  }
0x9f: {  	_ =	swait.ge [sflag:s21], $0x1  }
0xa0: {  	[sflag:s21] =	ssyncset.done $0x0  }
0xa1: {  	s23 =	simm.s32 $0x1B8E;
	s22 =	sld [smem:$0x3FFE];
	[sflag:s21] =	ssyncadd.s32 $0xFFFFFFFF  }
0xa2: {  	s24 =	simm.s32 $execute0_lowered;
	[smem:$0x3FD2] =	sst s23  }
0xa3: {  	s2 =	sshll.u32 s24, $0x1;
	_ =	strace $0x8000004F;
	[dreg:$0x1] =	wrdreg $0xFFFFFFFF  }
0xa4: {  	s25 =	simm.s32 $_size_execute0_lowered;
	s0 =	sadd.s32 s0, s2;
	[dreg:$0x0] =	wrdreg $0x0  }
0xa5: {  	s2 =	sshll.u32 s25, $0x1;
	[dreg:$0x2] =	wrdreg s0  }
0xa6: {  	[dreg:$0x3] =	wrdreg s2  }
0xa7: {  	[dreg:$0x4] =	wrdreg $0xC0  }
0xa8: {  	_ =	task [dreg:s4], $0x5FFFF  }
0xa9: {  	[dreg:$0x1] =	wrdreg $0xFFFFFFFF  }
0xaa: {  	[dreg:$0x0] =	wrdreg $0x60  }
0xab: {  	[dreg:$0x2] =	wrdreg s22  }
0xac: {  	[dreg:$0x3] =	wrdreg $0x9  }
0xad: {  	_ =	task.clear_ibuf [dreg:s4], $0x4FFFF;
	_ =	strace $0x9000004F  }
0xae: {  	s26 =	simm.s32 $0x9;
	_ =	strace $0x80000051  }
0xaf: {  	_ =	swait.ge [sflag:s26], $0x1  }
0xb0: {  	[sflag:s26] =	ssyncadd.s32 $0xFFFFFFFF  }
0xb1: {  	_ =	strace $0x90000051  }
0xb2: {  	_ =	sfence  }
0xb3: {  	s28 =	sld [smem:$0x0];
	_ =	sdelay $0x1  }
0xb4: {  	s29 =	srdreg.scid  }
0xb5: {  	s30 =	sshll.u32 s29, $0xD;
	s31 =	sshrl.u32 s29, $0x2  }
0xb6: {  	s1 =	sand.u32 $0x1, s29;
	s2 =	sand.u32 $0x4000, s30;
	s0 =	sadd.s32 s31, s28  }
0xb7: {  	s1 =	sor.u32 s2, s1;
	s0 =	sshll.u32 s0, $0x11  }
0xb8: {  	s0 =	sor.u32 s0, s1  }
0xb9: {  	s0 =	sadd.s32 $0x8F2B, s0  }
0xba: {  	[sflag:s0] =	ssyncadd.remote.s32 $0x1  }
0xbb: {  	_ =	sfence.sel $0xFFFF  }
0xbc: {  	[dreg:$0x0] =	wrdreg $0xFFFFFFFF;
	(pc) =	sbr.abs _section_cstart, $3  }
0xbd: {  	[dreg:$0x1] =	wrdreg $0xFFFFFFFF  }
0xbe: {  	_ =	task.clear_ibuf [dreg:s4], $0x2FFFF;
	_ =	strace $0x9FFFFFFF  }
0xbf: {  	(tm) =	ssettm $0x7FFFFFFF  }
tec
execute0_lowered:
.L_overlay_start_1:
0x0: {  	(tag) =	ssettag $0x1  }
0x1: {  	s0 =	rddreg [dreg:$0x0]  }
0x2: {  	s14 =	stileid.u32;
	_ =	strace $0x80000050;
	s2 =	simm.s32 $0x1  }
0x3: {  	v1 =	vimm.s32 $0xFFFFFFFF;
	s1 =	smin.u32 s14, $0x9;
	[sflag:s2] =	ssyncpa.u1 $0x0  }
0x4: {  	s1 =	sadd.s32 s14, s1;
	[tilespmem:$0x10] =	vst v1  }
0x5: {  	v0 =	vimm.f32 $0.0e+00;
	p0 =	slt.u32 s14, $0x9;
	[tilespmem:$0x20] =	vst v1;
	s3 =	smul.u32 $0x1F40, s1;
	s1 =	simm.s32 $0x3E80  }
0x6: {  	[tilespmem:$0x30] =	vst v0;
	s1 =	simm.s32 @!p0 $0x1F40  }
0x7: {  	[tilespmem:$0x40] =	vst v0;
	s1 =	sadd.s32 s1, s3  }
0x8: {  	[tilespmem:$0x50] =	vst v0;
	s4 =	smin.u32 s1, $0x30D40  }
0x9: {  	[tilespmem:$0x60] =	vst v1;
	s9 =	ssub.s32 s4, s3  }
0xa: {  	s7 =	simm.s32 $0x2;
	s8 =	simm.s32 $0x8;
	[tilespmem:$0x70] =	vst v1;
	p0 =	sgt.s32 s9, $0x0  }
0xb: {  	s31 =	simm.s32 $0x9;
	s16 =	simm.s32 $0x0;
	[tilespmem:$0x80] =	vst v1;
	s9 =	simm.s32 @!p0 $0x0  }
0xc: {  	s17 =	simm.s32 $0xF0;
	s18 =	simm.s32 $0xFFFFFFFF;
	v1 =	vimm.s32 $0x0;
	[tilespmem:$0xB0] =	vst v0;
	s5 =	smulhi.u32 $0x10624DD3, s9  }
0xd: {  	s19 =	simm.s32 $0xFFFFC280;
	s20 =	simm.s32 $0xFFFFFFFE;
	s21 =	simm.s32 $0xF;
	[tilespmem:$0x90] =	vst v1  }
0xe: {  	[tilespmem:$0xA0] =	vst v1;
	[sflag:s7] =	ssyncpa.u1 $0x0;
	s7 =	simm.s32 $0x7;
	s10 =	sshrl.u32 s5, $0x9  }
0xf: {  	s25 =	simm.s32 $0x0;
	[sflag:s7] =	ssyncpa.u1 $0x0;
	s11 =	smul.u32 $0x1F40, s10  }
0x10: {  	s24 =	simm.s32 $0x0;
	s6 =	sadd.s32 $0x115000, s0;
	[sflag:s8] =	ssyncpa.u1 $0x0  }
.Ltmp0:
0x11: {  	s23 =	smov.u32 s3;
	p0 =	sne.s32 s9, s11;
	(pc) =	sbr.rel .LBB2_1-.Ltmp0, $4  }
0x12: {  	s1 =	sadd.s32 $0x2C200, s0;
	[sflag:s31] =	ssyncpa.u1 $0x0;
	s2 =	simm.s32 @!p0 $0x0  }
0x13: {  	s5 =	sadd.s32 $0x10EE00, s0;
	p0 =	por $0x0, $0x0;
	s9 =	sadd.s32 s2, s10  }
0x14: {  	vm0 =	vmmov $0xffff;
	v2 =	vlaneseq.u32;
	s10 =	sshll.u32 s14, $0x1;
	s14 =	sshllo.u32 s14, $0x1;
	s11 =	sadd.s32 $0x1, s9  }
0x15: {  	vm1 =	vmxor vm1, vm1;
	vm2 =	vmmov $0x1;
	vm3 =	vcmask $0x3F3C;
	s12 =	sadd.s32 $0x2, s9;
	s13 =	sor.u32 $0x81, s10;
	s15 =	sor.u32 $0x80, s10  }
.LBB2_9:
0x16: {  	p1 =	slt.u32 s24, $0x3  }
0x17: {  	s0 =	simm.s32 @!p1 $0x2  }
0x18: {  	_ =	swait.ge @!p1 [sflag:s0], $0x1F40  }
0x19: {  	[sflag:s0] =	ssyncset.done @!p1 $0x0  }
0x1a: {  	[sflag:s0] =	ssyncadd.s32 @!p1 $0xFFFFE0C0;
	s0 =	simm.s32 @!p1 $0x9  }
0x1b: {  	_ =	swait.ge @!p1 [sflag:s0], $0x10  }
0x1c: {  	[sflag:s0] =	ssyncset.done @!p1 $0x0  }
0x1d: {  	[sflag:s0] =	ssyncadd.s32 @!p1 $0xFFFFFFF0;
	p1 =	sne.s32 s24, s12  }
.Ltmp1:
0x1e: {  	s2 =	sadd.s32 $0x1F40, s23;
	(pc) =	sbr.rel @!p1 .LBB2_10-.Ltmp1, $4  }
0x1f: {  	s22 =	smov.u32 s3;
	s31 =	sadd.s32 $0x1, s24;
	s17 =	sadd.s32 $0x1F40, s17  }
0x20: {  	s18 =	sadd.s32 $0x1, s18;
	s25 =	smov.u32 s23;
	p2 =	slt.s32 s2, s4  }
0x21: {  	p0 =	por !p0, !p0;
	s19 =	sadd.s32 $0x1F40, s19;
	s22 =	smov.u32 @p2 s2  }
0x22: {  	s20 =	sadd.s32 $0x1, s20;
	s23 =	smov.u32 s22;
	s24 =	smov.u32 s31  }
.LBB2_1:
0x23: {  	p1 =	sge.u32 s24, s9  }
0x24: {  	s0 =	smulhi.u32 @!p1 $0xAAAAAAAB, s24;
	_ =	sdelay $0x1  }
0x25: {  	s0 =	sshrl.u32 @!p1 s0, $0x1  }
0x26: {  	s0 =	smul.u32 @!p1 $0x3, s0;
	_ =	sdelay $0x1  }
0x27: {  	s0 =	ssub.s32 @!p1 s24, s0  }
0x28: {  	s0 =	smul.u32 @!p1 $0x7D00, s0;
	_ =	sdelay $0x1  }
0x29: {  	s2 =	sshrl.u32 @!p1 s23, $0x3;
	s0 =	sshrl.u32 @!p1 s0, $0x2  }
0x2a: {  	s22 =	sand.u32 @!p1 $0x7, s23;
	s2 =	sadd.s32 @!p1 s5, s2;
	s0 =	sadd.s32 @!p1 $0x100, s0  }
0x2b: {  	[tilespmem:s0], [sflag:$0x7] =	stream.linear.gather @!p1 [hbm4b:s2+s22], $0x1F40, $0x38;
	[tilespmem:$0x11A60] =	vst v63  }
0x2c: {  	s0 =	sadd.s32 $0xFFFFFFFF, s24  }
0x2d: {  	p1 =	sge.u32 s0, s9  }
.Ltmp2:
0x2e: {  	_ = 	snop;
	(pc) =	sbr.rel @p1 .LBB2_5-.Ltmp2, $1  }
0x2f: {  	_ =	sdelay $0x3  }
0x30: {  	s2 =	smulhi.u32 $0xAAAAAAAB, s0;
	_ =	sdelay $0x1  }
0x31: {  	s2 =	sshrl.u32 s2, $0x1  }
0x32: {  	s2 =	smul.u32 $0x3, s2;
	_ =	sdelay $0x1  }
0x33: {  	s2 =	ssub.s32 s0, s2  }
0x34: {  	s2 =	smul.u32 $0x7D00, s2  }
0x35: {  	_ =	swait.ge [sflag:s7], $0x1F40  }
0x36: {  	[sflag:s7] =	ssyncset.done $0x0;
	s2 =	sshrl.u32 s2, $0x2  }
0x37: {  	[sflag:s7] =	ssyncadd.s32 $0xFFFFE0C0;
	(ifvalue) =	ssetifvalue $0xFFFFFFFF;
	v3 =	vld.msk [tilespmem:s2+$0x100 ss:$0x1], $0xffff;
	_ =	sdelay $0x2  }
0x38: {  	s30 =	smulhi.u32 $0xAAAAAAAB, s18;
	p1 =	sne.s32 s24, $0x1  }
0x39: {  	v4 =	vimm.s32 @!p1 $0x0  }
0x3a: {  	s2 =	sshrl.u32 s30, $0x1;
	v4 =	vperm.xlane @!p1 v3, v4  }
0x3b: {  	s22 =	sshll.u32 s24, $0x4;
	s2 =	smul.u32 $0xFFFE8900, s2;
	vm4 =	vlt.u32 v3, $0x2800  }
0x3c: {  	s22 =	sand.u32 $0x10, s22;
	v3 =	vnsel vm4, $0xFFFFFFFE, v3;
	vm4 =	vlt.u32 @!p1 v4, $0x2800  }
0x3d: {  	s2 =	sshra.s32 s2, $0x2;
	[tilespmem:s22+$0x60] =	vst v3;
	v3 =	vnsel @!p1 vm4, $0xFFFFFFFE, v4  }
0x3e: {  	s28 =	sadd.s32 s2, s17;
	[tilespmem:$0x80] =	vst @!p1 v3  }
0x3f: {  	v3 =	vld.msk [tilespmem:s28+$0x0 ss:$0x1], $0xffff;
	_ =	sdelay $0x4  }
0x40: {  	(xrf1) =	vunique.msk.u32 $0xffff, v3;
	_ =	sdelay $0xd  }
0x41: {  	v4 =	vimm.s32 $0xFFFFFFFF;
	v5, _, _ =	vpop (xrf1)  }
0x42: {  	vm5 =	vne.s32 v3, v4;
	vm4 =	veq.s32 v5, v2  }
0x43: {  	vm6 =	vlt.u32 v3, $0x2800;
	vm4 =	vmand vm5, vm4  }
0x44: {  	vm4 =	vmand vm6, vm4  }
0x45: {  	v4 =	vnsel vm4, $0xFFFFFFFF, v3  }
0x46: {  	s31 =	sand.u32 $0x1, s0  }
0x47: {  	s0 =	simm.s32 $0x1F40;
	p1 =	seq.s32 s31, $0x1  }
0x48: {  	s0 =	simm.s32 @!p1 $0x0  }
0x49: {  	s26 =	sadd.s32 $0x7DF0, s0;
	(ifvalue) =	ssetifvalue $0xFFFFFFFF  }
0x4a: {  	v3 =	vperm.xlane v3, v1;
	[tilespmem:s26], [sflag:$0x8] =	stream.indirect_vreg.gather [hbm4b:s1+s16], $0x1, v4, vm0, $0x4038;
	v4 =	vnsel vm6, $0xFFFFFFFE, v4;
	[tilespmem:$0x11A60] =	vst v63  }
0x4b: {  	s2 =	simm.s32 $0x0;
	s22 =	sadd.s32 $0xFFFFFFF0, s28;
	[tilespmem:s28+$0x0] =	vst v4  }
.LBB2_3:
0x4c: {  	v4 =	vld.msk [tilespmem:s22+$0x0 ss:$0x1], $0xffff;
	s2 =	sadd.s32 $0x10, s2;
	v5 =	vmov v3;
	s28 =	smov.u32 s22  }
0x4d: {  	p1 =	slt.u32 s2, $0x1F30;
	_ =	sdelay $0x4  }
0x4e: {  	v3 =	vperm.xlane v4, v1;
	(xrf1) =	vunique.msk.u32 $0xffff, v4;
	_ =	sdelay $0xd  }
0x4f: {  	v6, _, _ =	vpop (xrf1)  }
0x50: {  	vm5 =	vne.s32 v4, v5;
	vm4 =	veq.s32 v6, v2  }
0x51: {  	vm6 =	vlt.u32 v4, $0x2800;
	vm4 =	vmand vm5, vm4  }
0x52: {  	vm4 =	vmand vm6, vm4  }
0x53: {  	v4 =	vnsel vm4, $0xFFFFFFFF, v4  }
.Ltmp3:
0x54: {  	v5 =	vnsel vm6, $0xFFFFFFFE, v4;
	(pc) =	sbr.rel @p1 .LBB2_3-.Ltmp3, $3  }
0x55: {  	_ =	sdelay $0x1  }
0x56: {  	s22 =	sadd.s32 $0xFFFFFFF0, s22;
	s26 =	sadd.s32 $0xFFFFFFF0, s26;
	(ifvalue) =	ssetifvalue $0xFFFFFFFF  }
0x57: {  	[tilespmem:s26], [sflag:$0x8] =	stream.indirect_vreg.gather [hbm4b:s1+s16], $0x1, v4, vm0, $0x4038;
	[tilespmem:s28+$0x0] =	vst v5  }
0x58: {  	s2 =	sshrl.u32 s25, $0x3  }
0x59: {  	s0 =	sadd.s32 $0x9D40, s0;
	s2 =	sadd.s32 s6, s2  }
0x5a: {  	[tilespmem:s0], [sflag:$0x8] =	stream.linear.gather [hbm:s2], $0x1F40, $0x38;
	[tilespmem:$0x11A60] =	vst v63  }
.LBB2_5:
0x5b: {  	p1 =	slt.u32 s24, $0x2  }
0x5c: {  	p2 =	sge.u32 @!p1 s24, s12  }
0x5d: {  	p1 =	por p1, p2  }
.Ltmp4:
0x5e: {  	_ = 	snop;
	(pc) =	sbr.rel @p1 .LBB2_9-.Ltmp4, $1  }
0x5f: {  	_ =	sdelay $0x3  }
0x60: {  	s0 =	sadd.s32 $0xFFFFFFFE, s24  }
0x61: {  	s2 =	smulhi.u32 $0xAAAAAAAB, s0;
	_ =	sdelay $0x1  }
0x62: {  	s2 =	sshrl.u32 s2, $0x1  }
0x63: {  	s2 =	smul.u32 $0x3, s2;
	_ =	sdelay $0x1  }
0x64: {  	s0 =	ssub.s32 s0, s2  }
0x65: {  	_ =	swait.ge [sflag:s8], $0x3E80;
	s0 =	smul.u32 $0x1F40, s0  }
0x66: {  	p1 =	sne.s32 s24, s11;
	[sflag:s8] =	ssyncset.done $0x0  }
0x67: {  	[sflag:s8] =	ssyncadd.s32 $0xFFFFC180;
	s2 =	sadd.s32 @!p1 $0x203F, s0  }
0x68: {  	[spmem:s13] =	stream.linear.scatter @!p1 [tilespmem:s2], [sflag:$0x1], $0x1, $0x38;
	[tilespmem:$0x11A60] =	vst v63  }
0x69: {  	s2 =	simm.s32 @!p1 $0x1  }
0x6a: {  	_ =	swait.ge @!p1 [sflag:s2], $0x1  }
0x6b: {  	s22 =	sshll.u32 s24, $0x4;
	[sflag:s2] =	ssyncset.done @!p1 $0x0  }
0x6c: {  	s25 =	sand.u32 $0x10, s22;
	[sflag:s2] =	ssyncadd.s32 @!p1 $0xFFFFFFFF  }
0x6d: {  	s2 =	sxor.u32 $0x10, s25;
	v4 =	vld [tilespmem:s25+$0x10]  }
0x6e: {  	v5 =	vld [tilespmem:s2+$0x60]  }
0x6f: {  	v3 =	vld [tilespmem:$0x80];
	_ =	sdelay $0x2  }
0x70: {  	(v2sf) =	vpush v4, $0x0  }
0x71: {  	(v2sf) =	vpush v5, $0x0  }
0x72: {  	(v2sf) =	vpush v3, $0x0;
	_ =	sdelay $0xc  }
0x73: {  	s22 =	spop (v2sf)  }
0x74: {  	s26 =	spop (v2sf)  }
0x75: {  	s28 =	spop (v2sf)  }
0x76: {  	p2 =	seq.s32 s22, s26;
	p3 =	seq.s32 s28, s22  }
0x77: {  	p3 =	por p2, p3  }
0x78: {  	s26 =	sand.u32 $0x1, s24;
	v4 =	vpsel p3, $0xFFFFFFFF, v4  }
0x79: {  	s29 =	smul.u32 $0x1F40, s26;
	[tilespmem:s25+$0x10] =	vst.msk $0x1, v4  }
0x7a: {  	v4 =	vld [tilespmem:$0x30]  }
0x7b: {  	v5 =	vld [tilespmem:s29+$0x9D40]  }
0x7c: {  	v6 =	vld [tilespmem:s25+$0x40];
	_ =	sdelay $0x3  }
0x7d: {  	vm4 =	vmmov vm1;
	v5 =	vadd.f32 v5, v4  }
0x7e: {  	vm5 =	vmmov vm2;
	vm4 =	vmmov @p2 vm2;
	s22 =	sshll.u32 s26, $0x4;
	v4 =	vadd.f32 v6, v4  }
0x7f: {  	s26 =	sor.u32 $0x11A40, s22;
	vm5 =	vmmov @p3 vm1;
	[tilespmem:s29+$0x9D40] =	vst.msk vm4, v5  }
0x80: {  	[tilespmem:s26+$0x0] =	vst.msk vm5, v4  }
0x81: {  	v4 =	vld [tilespmem:s29+$0x7DF0];
	_ =	sdelay $0x3  }
0x82: {  	v5 =	vimm.f32 $0.0e+00  }
0x83: {  	v4 =	vshift.insert v4, v5, s21  }
0x84: {  	s22 =	sor.u32 $0x40, s2  }
0x85: {  	[tilespmem:s22+$0x0] =	vst.msk $0x1, v4  }
0x86: {  	[tilespmem:s29+$0x7DFF] =	vst.msk $0x1, v5  }
0x87: {  	v4 =	vld [tilespmem:s0+$0x2030];
	_ =	sdelay $0x1  }
0x88: {  	s22 =	smulhi.u32 $0xAAAAAAAB, s20;
	s0 =	simm.s32 $0x1  }
0x89: {  	s0 =	simm.s32 @!p0 $0x0  }
0x8a: {  	s22 =	sshrl.u32 s22, $0x1;
	s0 =	smul.u32 $0x7D00, s0  }
0x8b: {  	s22 =	smul.u32 $0xFFFE8900, s22;
	v4 =	vshift.insert v4, v1, s21  }
0x8c: {  	s0 =	sshrl.u32 s0, $0x2  }
0x8d: {  	s22 =	sshra.s32 s22, $0x2;
	s30 =	sadd.s32 $0x9D40, s0;
	[tilespmem:s2+$0x10] =	vst.msk $0x1, v4  }
0x8e: {  	s22 =	sadd.s32 s22, s19;
	v6 =	vld [tilespmem:s30+$0x0]  }
0x8f: {  	v7 =	vld [tilespmem:s22+$0x0];
	_ =	sdelay $0x3  }
0x90: {  	v5 =	vadd.f32 v6, v5  }
0x91: {  	vm4 =	vne.s32 v7, $0xFFFFFFFF  }
0x92: {  	(xrf2) =	vadd.seg.scan.f32 vm4, v5;
	_ =	sdelay $0x3  }
0x93: {  	s31 =	sadd.s32 $0x5EC0, s0;
	v5 =	vperm.xlane v4, v1  }
0x94: {  	v6 =	vld [tilespmem:s31+$0x0]  }
0x95: {  	vm5 =	veq.s32 v7, v3;
	vm6 =	veq.s32 v7, v5  }
0x96: {  	vm7 =	vgt.u32 v7, $0xFFFFFFFD;
	vm6 =	vmor vm6, vm5  }
0x97: {  	vm6 =	vmor vm6, vm7  }
0x98: {  	v9 =	vld [tilespmem:$0xA0];
	v7 =	vsel vm6, $0xFFFFFFFF, v7  }
0x99: {  	v10 =	vld [tilespmem:$0x90];
	v6 =	vsel vm5, $0x0, v6;
	v8, _, _ =	vpop (xrf2)  }
0x9a: {  	v6 =	vadd.f32 v8, v6  }
0x9b: {  	s0 =	sadd.s32 $0xDBC0, s0  }
0x9c: {  	vm4 =	vmand vm4, vm3;
	[tilespmem:s0+$0x0] =	vst v6;
	(ifvalue) =	ssetifvalue $0xFFFFFFFF  }
0x9d: {  	vm6 =	veq.s32 v9, $0x1;
	[hbm4b:s1+s16] =	stream.indirect_vreg.scatter [tilespmem:s0], [sflag:$0x2], $0x1, v7, vm0, $0x4038;
	v7 =	vsel vm4, $0x0, v8;
	[tilespmem:$0x11A60] =	vst v63  }
0x9e: {  	s2 =	simm.s32 $0x0;
	s22 =	sadd.s32 $0x10, s22;
	vm4 =	vmor vm6, vm5;
	v6 =	vsel vm5, v8, v10;
	v7 =	vshift.insert v7, v0, s21  }
.LBB2_7:
0x9f: {  	v8 =	vld [tilespmem:s22+$0x0];
	s30 =	sadd.s32 $0x10, s30  }
0xa0: {  	s31 =	sadd.s32 $0x10, s31;
	v9 =	vld [tilespmem:s30+$0x0]  }
0xa1: {  	s2 =	sadd.s32 $0x10, s2;
	v10 =	vld [tilespmem:s31+$0x0]  }
0xa2: {  	p2 =	slt.u32 s2, $0x1F30;
	_ =	sdelay $0x2  }
0xa3: {  	v7 =	vadd.f32 v9, v7  }
0xa4: {  	vm5 =	vne.s32 v8, $0xFFFFFFFF  }
0xa5: {  	vm6 =	vmand vm5, vm3;
	(xrf2) =	vadd.seg.scan.f32 vm5, v7;
	_ =	sdelay $0x5  }
0xa6: {  	vm7 =	veq.s32 v8, v5;
	vm5 =	veq.s32 v8, v3  }
0xa7: {  	vm8 =	vgt.u32 v8, $0xFFFFFFFD;
	vm4 =	vmor vm4, vm5;
	vm7 =	vmor vm7, vm5  }
0xa8: {  	vm7 =	vmor vm7, vm8  }
0xa9: {  	v8 =	vsel vm7, $0xFFFFFFFF, v8  }
.Ltmp5:
0xaa: {  	v7 =	vsel vm5, $0x0, v10;
	v9, _, _ =	vpop (xrf2);
	(pc) =	sbr.rel @p2 .LBB2_7-.Ltmp5, $4  }
0xab: {  	v6 =	vsel vm5, v9, v6;
	v10 =	vadd.f32 v9, v7;
	v7 =	vsel vm6, $0x0, v9  }
0xac: {  	s0 =	sadd.s32 $0x10, s0;
	v7 =	vshift.insert v7, v0, s21  }
0xad: {  	s22 =	sadd.s32 $0x10, s22;
	[tilespmem:s0+$0x0] =	vst v10;
	(ifvalue) =	ssetifvalue $0xFFFFFFFF  }
0xae: {  	[hbm4b:s1+s16] =	stream.indirect_vreg.scatter [tilespmem:s0], [sflag:$0x2], $0x1, v8, vm0, $0x4038;
	[tilespmem:$0x11A60] =	vst v63  }
0xaf: {  	v3 =	vld [tilespmem:s29+$0xFAF0];
	_ =	sdelay $0x4  }
0xb0: {  	v3 =	vshift.insert v3, v0, s21  }
0xb1: {  	s0 =	simm.s32 $0x30  }
0xb2: {  	[tilespmem:s0+$0x0] =	vst.msk $0x1, v3  }
0xb3: {  	v3 =	vsel vm4, $0x1, v1;
	[tilespmem:$0x90] =	vst v6  }
0xb4: {  	s0 =	sadd.s32 @!p1 $0xFAFF, s29;
	[tilespmem:$0xA0] =	vst v3  }
0xb5: {  	[spmem:s14] =	stream.linear.scatter @!p1 [tilespmem:s0], [sflag:$0x1], $0x1, $0x38;
	[tilespmem:$0x11A60] =	vst v63  }
0xb6: {  	s0 =	simm.s32 @!p1 $0x1  }
0xb7: {  	v3 =	vmctz.xlane @!p1 vm4;
	_ =	swait.ge @!p1 [sflag:s0], $0x1  }
0xb8: {  	(v2sf) =	vpush @!p1 v4, $0x0  }
0xb9: {  	(v2sf) =	vpush @!p1 v3, $0x0;
	_ =	sdelay $0xd  }
0xba: {  	s2 =	spop @!p1 (v2sf)  }
0xbb: {  	s22 =	spop @!p1 (v2sf)  }
0xbc: {  	p2 =	sne.s32 @!p1 s28, s2;
	p3 =	slt.s32 @!p1 s22, $0xF  }
0xbd: {  	[sflag:s0] =	ssyncset.done @!p1 $0x0;
	p2 =	por p2, p1;
	p3 =	por !p3, p1  }
0xbe: {  	[sflag:s0] =	ssyncadd.s32 @!p1 $0xFFFFFFFF;
	v3 =	vimm.s32 @!p2 $0xFFFFFFFF;
	s22 =	simm.s32 @p3 $0xF  }
0xbf: {  	[tilespmem:$0x80] =	vst @!p2 v3;
	s2 =	sadd.s32 @!p1 $0x90, s22  }
0xc0: {  	[spmem:s10] =	stream.linear.scatter @!p1 [tilespmem:s2], [sflag:$0x1], $0x1, $0x38;
	[tilespmem:$0x11A60] =	vst v63  }
0xc1: {  	_ =	swait.ge @!p1 [sflag:s0], $0x1  }
0xc2: {  	[sflag:s0] =	ssyncset.done @!p1 $0x0  }
0xc3: {  	s2 =	simm.s32 @!p1 $0x80;
	[sflag:s0] =	ssyncadd.s32 @!p1 $0xFFFFFFFF  }
0xc4: {  	[spmem:s15] =	stream.linear.scatter @!p1 [tilespmem:s2], [sflag:$0x1], $0x1, $0x38;
	[tilespmem:$0x11A60] =	vst v63  }
0xc5: {  	_ =	swait.ge @!p1 [sflag:s0], $0x1  }
0xc6: {  	[sflag:s0] =	ssyncset.done @!p1 $0x0  }
0xc7: {  	[sflag:s0] =	ssyncadd.s32 @!p1 $0xFFFFFFFF;
	(ifvalue) =	ssetifvalue $0xFFFFFFFF;
	v3 =	vld [tilespmem:s25+$0x10];
	_ =	sdelay $0x3  }
.Ltmp6:
0xc8: {  	_ = 	snop;
	(pc) =	sbr.rel .LBB2_9-.Ltmp6, $3  }
0xc9: {  	_ =	sdelay $0x1  }
0xca: {  	(ifvalue) =	ssetifvalue $0xFFFFFFFF  }
0xcb: {  	[hbm4b:s1+s16] =	stream.indirect_vreg.scatter [tilespmem:s26], [sflag:$0x9], $0x1, v3, vm0, $0x4038;
	[tilespmem:$0x11A60] =	vst v63  }
.LBB2_10:
0xcc: {  	_ =	sfence.sel $0x180000  }
0xcd: {  	s0 =	simm.s32 $0x7;
	[bflag:$0x0] =	sbarrier.arrive $0xFFFF  }
0xce: {  	s26 =	simm.s32 $0x8;
	[sflag:s0] =	ssyncpa.u1 $0x1  }
0xcf: {  	s28 =	simm.s32 $0x9;
	[sflag:s26] =	ssyncpa.u1 $0x1  }
0xd0: {  	[sflag:s28] =	ssyncpa.u1 $0x1  }
0xd1: {  	_ =	sfence.stream.spmem  }
0xd2: {  	s29 =	simm.s32 $0x3;
	[bflag:$0x0] =	sbarrier.arrive $0xFFFF  }
0xd3: {  	s30 =	simm.s32 $0x4;
	[sflag:s29] =	ssyncpa.u1 $0x1  }
0xd4: {  	s31 =	simm.s32 $0x3C;
	s2 =	stileid.u32;
	[sflag:s30] =	ssyncpa.u1 $0x1  }
0xd5: {  	p0 =	sne.s32 s2, $0x0;
	[sflag:s31] =	ssyncpa.u1 $0x1  }
0xd6: {  	s0 =	simm.s32 @p0 $0x1;
	_ =	sfence @p0  }
0xd7: {  	[sflag:s0] =	ssyncpa.u1 @p0 $0x1;
	s0 =	simm.s32 @p0 $0x2  }
0xd8: {  	[sflag:s0] =	ssyncpa.u1 @p0 $0x1  }
0xd9: {  	_ =	strace @p0 $0x90000050  }
0xda: {  	[bflag:$0x2] =	sbarrier.arrive @p0 $0xFFFF  }
0xdb: {  	_ =	shalt @p0  }
.LBB2_11:
0xdc: {  	_ =	sfence.stream.spmem;
	s0 =	simm.s32 $0x5  }
0xdd: {  	s2 =	simm.s32 $0x80;
	s3 =	simm.s32 $0xC0;
	[sflag:s0] =	ssyncpa.u1 $0x0  }
0xde: {  	[tilespmem:s3], [sflag:$0x5] =	stream.linear.gather [spmem:s2], $0x20, $0x38;
	[tilespmem:$0x11A60] =	vst v63  }
0xdf: {  	s2 =	simm.s32 $0x0;
	s3 =	simm.s32 $0xE0  }
0xe0: {  	[tilespmem:s3], [sflag:$0x5] =	stream.linear.gather [spmem:s2], $0x20, $0x38;
	[tilespmem:$0x11A60] =	vst v63  }
.Ltmp7:
0xe1: {  	_ = 	snop;
	(pc) =	sbr.rel .LBB2_12-.Ltmp7, $4  }
0xe2: {  	_ =	swait.ge [sflag:s0], $0x40  }
0xe3: {  	[sflag:s0] =	ssyncset.done $0x0  }
0xe4: {  	s31 =	simm.s32 $0x6;
	[sflag:s0] =	ssyncadd.s32 $0xFFFFFFC0  }
0xe5: {  	s4 =	simm.s32 $0x0;
	[sflag:s31] =	ssyncpa.u1 $0x0  }
.LBB2_17:
0xe6: {  	p0 =	sgt.u32 s5, $0x27FF  }
0xe7: {  	s0 =	sshrl.u32 @!p0 s5, $0x3  }
0xe8: {  	s5 =	sand.u32 @!p0 $0x7, s5;
	s6 =	simm.s32 @!p0 $0xB0;
	s0 =	sadd.s32 @!p0 s1, s0  }
0xe9: {  	[tilespmem:s6], [sflag:$0x6] =	stream.linear.gather @!p0 [hbm4b:s0+s5], $0x1, $0x38;
	[tilespmem:$0x11A60] =	vst v63  }
0xea: {  	s0 =	simm.s32 @!p0 $0x6  }
0xeb: {  	_ =	swait.ge @!p0 [sflag:s0], $0x1  }
0xec: {  	[sflag:s0] =	ssyncset.done @!p0 $0x0  }
0xed: {  	[sflag:s0] =	ssyncadd.s32 @!p0 $0xFFFFFFFF  }
0xee: {  	v2 =	vmov @!p0 s4;
	v1 =	vld.msk @!p0 [tilespmem:$0xB0], $0x1;
	_ =	sdelay $0x3  }
0xef: {  	s0 =	simm.s32 @!p0 $0xE0  }
0xf0: {  	[tilespmem:v2+s0+$0x0], v1 =	vst.idx.ret.add.f32.msk @!p0 $0x1, v1  }
0xf1: {  	[tilespmem:s2+$0xC0] =	vst.msk $0x1, v0  }
0xf2: {  	v0 =	vld.msk [tilespmem:s4+$0xE0], $0x1;
	_ =	sdelay $0x4  }
0xf3: {  	[tilespmem:s2+$0xE0] =	vst.msk $0x1, v0;
	s2 =	sadd.s32 $0x1, s2  }
.LBB2_19:
0xf4: {  	s4 =	sadd.s32 $0x1, s4  }
0xf5: {  	p0 =	sne.s32 s4, $0x20  }
.Ltmp8:
0xf6: {  	_ = 	snop;
	(pc) =	sbr.rel @!p0 .LBB2_20-.Ltmp8, $1  }
0xf7: {  	_ =	sdelay $0x3  }
.LBB2_12:
0xf8: {  	v0 =	vld.msk [tilespmem:s4+$0xC0], $0x1;
	_ =	sdelay $0x4  }
0xf9: {  	(v2sf) =	vpush v0, $0x0;
	_ =	sdelay $0xe  }
0xfa: {  	s5 =	spop (v2sf)  }
0xfb: {  	p0 =	seq.s32 s5, $0xFFFFFFFF  }
.Ltmp9:
0xfc: {  	_ = 	snop;
	(pc) =	sbr.rel @p0 .LBB2_19-.Ltmp9, $1  }
0xfd: {  	_ =	sdelay $0x3  }
0xfe: {  	p0 =	slt.s32 s2, $0x1  }
.Ltmp10:
0xff: {  	_ = 	snop;
	(pc) =	sbr.rel @p0 .LBB2_17-.Ltmp10, $1  }
0x100: {  	_ =	sdelay $0x3  }
0x101: {  	s0 =	simm.s32 $0xC0;
	p0 =	por $0x0, $0x0  }
0x102: {  	v1 =	vld.msk @!p0 [tilespmem:s0+$0x0], $0x1;
	_ =	sdelay $0x4  }
0x103: {  	(v2sf) =	vpush @!p0 v1, $0x0;
	_ =	sdelay $0xd  }
0x104: {  	p2 =	sne.s32 s2, $0x1  }
.Ltmp11:
0x105: {  	s6 =	spop @!p0 (v2sf);
	(pc) =	sbr.rel @!p2 .LBB2_16-.Ltmp11, $4  }
0x106: {  	p1 =	seq.s32 @!p0 s5, s6  }
0x107: {  	s6 =	simm.s32 $0x0;
	p1 =	por !p1, p0  }
0x108: {  	s8 =	simm.s32 $0xFFFFFFFF;
	s6 =	simm.s32 @p1 $0xFFFFFFFF  }
0x109: {  	s7 =	simm.s32 $0x1;
	s6 =	smov.u32 @p0 s8  }
.LBB2_15:
0x10a: {  	s8 =	smov.u32 s6;
	p0 =	sne.s32 s6, $0xFFFFFFFF  }
0x10b: {  	s0 =	sadd.s32 $0x1, s0;
	s6 =	smov.u32 s7;
	s7 =	sadd.s32 $0x1, s7  }
0x10c: {  	p1 =	sne.s32 s2, s7;
	v1 =	vld.msk @!p0 [tilespmem:s0+$0x0], $0x1;
	_ =	sdelay $0x4  }
0x10d: {  	(v2sf) =	vpush @!p0 v1, $0x0;
	_ =	sdelay $0xe  }
.Ltmp12:
0x10e: {  	s9 =	spop @!p0 (v2sf);
	(pc) =	sbr.rel @p1 .LBB2_15-.Ltmp12, $4  }
0x10f: {  	p2 =	seq.s32 @!p0 s5, s9  }
0x110: {  	p2 =	por !p2, p0  }
0x111: {  	s6 =	simm.s32 @p2 $0xFFFFFFFF  }
0x112: {  	s6 =	smov.u32 @p0 s8  }
.LBB2_16:
0x113: {  	p0 =	sne.s32 s6, $0xFFFFFFFF  }
.Ltmp13:
0x114: {  	_ = 	snop;
	(pc) =	sbr.rel @!p0 .LBB2_17-.Ltmp13, $1  }
0x115: {  	_ =	sdelay $0x3  }
0x116: {  	v0 =	vld.msk [tilespmem:s4+$0xE0], $0x1;
	v1 =	vmov s6  }
.Ltmp14:
0x117: {  	_ = 	snop;
	(pc) =	sbr.rel .LBB2_19-.Ltmp14, $2  }
0x118: {  	_ =	sdelay $0x2  }
0x119: {  	[tilespmem:v1+s3+$0x0], v0 =	vst.idx.ret.add.f32.msk $0x1, v0  }
.LBB2_20:
0x11a: {  	p0 =	slt.s32 s2, $0x1  }
.Ltmp15:
0x11b: {  	_ = 	snop;
	(pc) =	sbr.rel @p0 .LBB2_24-.Ltmp15, $3  }
0x11c: {  	_ =	sdelay $0x1  }
0x11d: {  	s0 =	simm.s32 $0x6  }
0x11e: {  	s3 =	simm.s32 $0x0;
	[sflag:s0] =	ssyncpa.u1 $0x1  }
0x11f: {  	s0 =	simm.s32 $0xC0  }
0x120: {  	v0 =	vld.msk [tilespmem:s0+$0x0], $0x1;
	_ =	sdelay $0x4  }
0x121: {  	(v2sf) =	vpush v0, $0x0;
	_ =	sdelay $0xe  }
0x122: {  	s2 =	sadd.s32 $0xFFFFFFFF, s2;
	s4 =	spop (v2sf)  }
0x123: {  	p1 =	sne.s32 s2, $0x0;
	p0 =	sgt.u32 s4, $0x27FF  }
.Ltmp16:
0x124: {  	s5 =	sshrl.u32 @!p0 s4, $0x3;
	(pc) =	sbr.rel @!p1 .LBB2_23-.Ltmp16, $4  }
0x125: {  	s0 =	simm.s32 $0xE0;
	s4 =	sand.u32 @!p0 $0x7, s4;
	s5 =	sadd.s32 @!p0 s1, s5  }
0x126: {  	[hbm4b:s5+s4] =	stream.linear.scatter @!p0 [tilespmem:s0], [sflag:$0x5], $0x1, $0x38;
	[tilespmem:$0x11A60] =	vst v63  }
0x127: {  	s5 =	simm.s32 $0x0  }
0x128: {  	s4 =	simm.s32 $0xC1;
	s5 =	simm.s32 @!p0 $0x4  }
.LBB2_22:
0x129: {  	v0 =	vld.msk [tilespmem:s4+$0x0], $0x1;
	s2 =	sadd.s32 $0xFFFFFFFF, s2;
	s3 =	sadd.s32 s3, s5  }
0x12a: {  	p0 =	sne.s32 s2, $0x0;
	_ =	sdelay $0x3  }
0x12b: {  	(v2sf) =	vpush v0, $0x0;
	_ =	sdelay $0xe  }
.Ltmp17:
0x12c: {  	s6 =	spop (v2sf);
	(pc) =	sbr.rel @p0 .LBB2_22-.Ltmp17, $4  }
0x12d: {  	s5 =	simm.s32 $0x0;
	p1 =	sgt.u32 s6, $0x27FF  }
0x12e: {  	s0 =	sadd.s32 $0x1, s0;
	s5 =	simm.s32 @!p1 $0x4;
	s7 =	sshrl.u32 @!p1 s6, $0x3  }
0x12f: {  	s4 =	sadd.s32 $0x1, s4;
	s6 =	sand.u32 @!p1 $0x7, s6;
	s7 =	sadd.s32 @!p1 s1, s7  }
0x130: {  	[hbm4b:s7+s6] =	stream.linear.scatter @!p1 [tilespmem:s0], [sflag:$0x5], $0x1, $0x38;
	[tilespmem:$0x11A60] =	vst v63  }
.LBB2_23:
0x131: {  	s0 =	sadd.s32 s3, s5  }
0x132: {  	s3 =	sshrl.u32 s0, $0x2  }
.LBB2_24:
0x133: {  	s0 =	simm.s32 $0x5  }
0x134: {  	_ =	swait.ge [sflag:s0], s3  }
0x135: {  	s1 =	ssub.s32 $0x0, s3;
	[sflag:s0] =	ssyncset.done $0x0  }
0x136: {  	[sflag:s0] =	ssyncadd.s32 s1  }
0x137: {  	[sflag:s0] =	ssyncpa.u1 $0x1  }
0x138: {  	s29 =	simm.s32 $0x1;
	_ =	sfence  }
0x139: {  	s30 =	simm.s32 $0x2;
	[sflag:s29] =	ssyncpa.u1 $0x1  }
0x13a: {  	[sflag:s30] =	ssyncpa.u1 $0x1  }
0x13b: {  	_ =	strace $0x90000050  }
0x13c: {  	[bflag:$0x2] =	sbarrier.arrive $0xFFFF  }
0x13d: {  	s31 =	rddreg [dreg:$0x1]  }
0x13e: {  	s0 =	sadd.s32 $0x100000, s31  }
0x13f: {  	[sflag:s0] =	ssyncadd.tile.s32 $0x1;
	_ =	shalt  }
.Lfunc_end2:
_tile_overlayer_lowered:
.L_overlay_start_2:
0x140: {  	(tag) =	ssettag $0x2  }
0x141: {  	s0 =	rddreg [dreg:$0x0];
	s2 =	stileid.u32  }
0x142: {  	s1 =	rddreg [dreg:$0x1];
	p0 =	sne.s32 s2, $0x0  }
0x143: {  	s3 =	rddreg [dreg:$0x2];
	[bflag:$0x3] =	sbarrier.arrive $0xFFFF;
	s2 =	simm.s32 @!p0 $0x1C01  }
0x144: {  	[timem:s3], [sflag:s2] =	dma.local @!p0 [hbm:s0], s1  }
0x145: {  	s0 =	simm.s32 @!p0 $0x1  }
0x146: {  	_ =	swait.ge @!p0 [sflag:s0], s1  }
0x147: {  	s1 =	ssub.s32 @!p0 $0x0, s1;
	[sflag:s0] =	ssyncset.done @!p0 $0x0  }
0x148: {  	[sflag:s0] =	ssyncadd.s32 @!p0 s1  }
0x149: {  	[bflag:$0x3] =	sbarrier.arrive $0xFFFF  }
0x14a: {  	_ =	shalt  }

// kernel: scatter_offload_async_start
scs
__scs_entry_jumppad:
0x0: {  	(pc) =	sbr.rel $0x88, $3  }
0x1: {  	(tag) =	ssettag $0x0;
	lr =	simm.s32 $0x1  }
0x2: {  	[smem:$0x3F83] =	sst lr;
	_ =	strace $0xD0000000  }
0x3: {  	_ = 	snop  }
0x4: {  	_ = 	snop  }
0x5: {  	_ = 	snop  }
0x6: {  	_ = 	snop  }
0x7: {  	_ = 	snop  }
__scs_overlays_trampoline_lowered:
0x8: {  	[smem:$0x3F92] =	sst s0  }
0x9: {  	[smem:$0x3F93] =	sst s1  }
0xa: {  	[smem:$0x3F94] =	sst s2  }
0xb: {  	[smem:$0x3F95] =	sst s3  }
0xc: {  	[smem:$0x3F96] =	sst s4  }
0xd: {  	[smem:$0x3F97] =	sst s5  }
0xe: {  	[smem:$0x3F98] =	sst s6  }
0xf: {  	[smem:$0x3F99] =	sst s7  }
0x10: {  	[smem:$0x3F9A] =	sst s8  }
0x11: {  	[smem:$0x3F9B] =	sst s9;
	s0 =	simm.s32 @!p0 $0x0  }
0x12: {  	s1 =	sld [smem:$0x3F81];
	s0 =	simm.s32 @p0 $0x1  }
0x13: {  	[smem:$0x3F9C] =	sst s0;
	s0 =	simm.s32 @!p1 $0x0  }
0x14: {  	s2 =	sld [smem:$0x3F80];
	s0 =	simm.s32 @p1 $0x1  }
0x15: {  	[smem:$0x3F9D] =	sst s0;
	s0 =	simm.s32 @!p2 $0x0  }
0x16: {  	s3 =	sld [smem:$0x3FDB];
	s0 =	simm.s32 @p2 $0x1  }
0x17: {  	s4 =	simm.s32 $0x1BF5;
	[smem:$0x3F9F] =	sst s0  }
0x18: {  	s0 =	sld [smem:$0x3F82];
	_ =	swait.ge [sflag:s4], $0x0  }
0x19: {  	s7 =	sld [smem:$0x3F83]  }
0x1a: {  	s8 =	sadd.s32 $0xFFFFE003, lr  }
0x1b: {  	s9 =	sadd.s32 $0xFFFFFEF7, lr;
	s5 =	simm.s32 $0xFFFFFFFF;
	p2 =	slt.u32 s8, $0xFFFFF086  }
0x1c: {  	p1 =	slt.u32 s9, $0xF7A;
	s5 =	simm.s32 @!p2 $0x0  }
0x1d: {  	s5 =	simm.s32 @p1 $0x1;
	p0 =	seq.s32 s7, s2  }
0x1e: {  	s7 =	smul.u32 @!p0 $0xF7A, s2;
	p2 =	seq.s32 @!p0 s5, $0x0  }
0x1f: {  	s9 =	smul.u32 $0xF7A, s1;
	s8 =	simm.s32 @!p0 $0x1BF5;
	p2 =	por !p2, p0  }
0x20: {  	[sflag:s8] =	ssyncset.s32 @!p0 $0xFFFFF086;
	s6 =	sadd.s32 @!p0 s3, s7;
	s7 =	simm.s32 @!p0 $0x108  }
0x21: {  	s3 =	sadd.s32 s3, s9;
	s6 =	sadd.s32 @!p0 $0x88, s6;
	s7 =	simm.s32 @p2 $0x1082  }
0x22: {  	[simem:s7], [sflag:s8] =	dma.local @!p0 [hbm:s6], $0xF7A  }
0x23: {  	s9 =	sor.u32 $0xD0000000, s2;
	s6 =	simm.s32 $0x108;
	_ =	swait.ge @!p0 [sflag:s8], $0x0  }
0x24: {  	s3 =	sadd.s32 $0x88, s3;
	s6 =	simm.s32 @!p1 $0x1082;
	[sflag:s4] =	ssyncset.s32 $0xFFFFF086  }
0x25: {  	[simem:s6], [sflag:s4] =	dma.local [hbm:s3], $0xF7A  }
0x26: {  	[smem:$0x3F83] =	sst s1;
	(tag) =	ssettag s2;
	_ =	strace s9  }
0x27: {  	s1 =	sld [smem:$0x3F93]  }
0x28: {  	s2 =	sld [smem:$0x3F94]  }
0x29: {  	s4 =	sld [smem:$0x3F96]  }
0x2a: {  	p0 =	seq.s32 s5, $0x0;
	s5 =	sld [smem:$0x3F97]  }
0x2b: {  	s6 =	sld [smem:$0x3F98]  }
0x2c: {  	s7 =	sld [smem:$0x3F99]  }
0x2d: {  	s3 =	simm.s32 $0x108;
	s8 =	sld [smem:$0x3F9A]  }
0x2e: {  	s3 =	simm.s32 @!p0 $0x1082;
	s9 =	sld [smem:$0x3F9B]  }
0x2f: {  	lr =	sadd.s32 s0, s3;
	s0 =	sld [smem:$0x3F92]  }
0x30: {  	s3 =	sld [smem:$0x3F95]  }
0x31: {  	[smem:$0x3F9E] =	sst s10  }
0x32: {  	s10 =	sld [smem:$0x3F9C];
	_ =	sdelay $0x3  }
0x33: {  	p0 =	seq.s32 s10, $0x1;
	s10 =	sld [smem:$0x3F9E];
	_ =	sdelay $0x3  }
0x34: {  	[smem:$0x3F9E] =	sst s10  }
0x35: {  	s10 =	sld [smem:$0x3F9D];
	_ =	sdelay $0x3  }
0x36: {  	p1 =	seq.s32 s10, $0x1;
	s10 =	sld [smem:$0x3F9E];
	_ =	sdelay $0x3  }
0x37: {  	[smem:$0x3F9E] =	sst s10  }
0x38: {  	s10 =	sld [smem:$0x3F9F]  }
0x39: {  	_ = 	snop;
	(pc) =	sbr.ind lr, $3  }
0x3a: {  	_ = 	snop  }
0x3b: {  	_ = 	snop  }
0x3c: {  	p2 =	seq.s32 s10, $0x1;
	s10 =	sld [smem:$0x3F9E]  }
0x3d: {  	_ =	shalt  }
0x3e: {  	_ =	shalt  }
0x3f: {  	_ =	shalt  }
0x40: {  	_ =	shalt  }
0x41: {  	_ =	shalt  }
0x42: {  	_ =	shalt  }
0x43: {  	_ =	shalt  }
0x44: {  	_ =	shalt  }
0x45: {  	_ =	shalt  }
0x46: {  	_ =	shalt  }
0x47: {  	_ =	shalt  }
0x48: {  	_ =	shalt  }
0x49: {  	_ =	shalt  }
0x4a: {  	_ =	shalt  }
0x4b: {  	_ =	shalt  }
0x4c: {  	_ =	shalt  }
0x4d: {  	_ =	shalt  }
0x4e: {  	_ =	shalt  }
0x4f: {  	_ =	shalt  }
0x50: {  	_ =	shalt  }
0x51: {  	_ =	shalt  }
0x52: {  	_ =	shalt  }
0x53: {  	_ =	shalt  }
0x54: {  	_ =	shalt  }
0x55: {  	_ =	shalt  }
0x56: {  	_ =	shalt  }
0x57: {  	_ =	shalt  }
0x58: {  	_ =	shalt  }
0x59: {  	_ =	shalt  }
0x5a: {  	_ =	shalt  }
0x5b: {  	_ =	shalt  }
0x5c: {  	_ =	shalt  }
0x5d: {  	_ =	shalt  }
0x5e: {  	_ =	shalt  }
0x5f: {  	_ =	shalt  }
0x60: {  	_ =	shalt  }
0x61: {  	_ =	shalt  }
0x62: {  	_ =	shalt  }
0x63: {  	_ =	shalt  }
0x64: {  	_ =	shalt  }
0x65: {  	_ =	shalt  }
0x66: {  	_ =	shalt  }
0x67: {  	_ =	shalt  }
0x68: {  	_ =	shalt  }
0x69: {  	_ =	shalt  }
0x6a: {  	_ =	shalt  }
0x6b: {  	_ =	shalt  }
0x6c: {  	_ =	shalt  }
0x6d: {  	_ =	shalt  }
0x6e: {  	_ =	shalt  }
0x6f: {  	_ =	shalt  }
0x70: {  	_ =	shalt  }
0x71: {  	_ =	shalt  }
0x72: {  	_ =	shalt  }
0x73: {  	_ =	shalt  }
0x74: {  	_ =	shalt  }
0x75: {  	_ =	shalt  }
0x76: {  	_ =	shalt  }
0x77: {  	_ =	shalt  }
0x78: {  	_ =	shalt  }
0x79: {  	_ =	shalt  }
0x7a: {  	_ =	shalt  }
0x7b: {  	_ =	shalt  }
0x7c: {  	_ =	shalt  }
0x7d: {  	_ =	shalt  }
0x7e: {  	_ =	shalt  }
0x7f: {  	_ =	shalt  }
0x80: {  	_ =	shalt  }
0x81: {  	_ =	shalt  }
0x82: {  	_ =	shalt  }
0x83: {  	_ =	shalt  }
0x84: {  	_ =	shalt  }
0x85: {  	_ =	shalt  }
0x86: {  	_ =	shalt  }
0x87: {  	_ =	shalt  }
.Lfunc_end0:
.L_simem_size_0:
called_computation_lowered:
.L_overlay_start_0:
0x88: {  	s0 =	sld [smem:$0x3FD9]  }
0x89: {  	s1 =	sld [smem:$0x3FFE];
	_ =	sdelay $0x3  }
0x8a: {  	s0 =	sadd.s32 s1, s0  }
0x8b: {  	[smem:$0x3FAA] =	sst s0  }
0x8c: {  	_ = 	snop  }
0x8d: {  	(tm) =	ssettm $0x1  }
0x8e: {  	s15 =	sld [smem:$0x3FFB];
	_ =	sdelay $0x3  }
0x8f: {  	_ =	strace s15  }
0x90: {  	s0 =	sld [smem:$0x3FFC];
	_ =	sdelay $0x3  }
0x91: {  	_ =	strace s0  }
0x92: {  	s0 =	sld [smem:$0x3FFD];
	_ =	sdelay $0x3  }
0x93: {  	_ =	strace s0  }
0x94: {  	_ =	strace $0x8FFFFFFF  }
0x95: {  	s16 =	sld [smem:$0x3FDB];
	_ =	sdelay $0x1  }
0x96: {  	s17 =	simm.s32 $_scs_section_size  }
0x97: {  	s2 =	simm.s32 $_size__tile_overlayer_lowered;
	s3 =	simm.s32 $_tile_overlayer_lowered  }
0x98: {  	s20 =	simm.s32 $0x1BFF;
	s19 =	sshll.u32 s3, $0x1;
	s0 =	sadd.s32 s17, s16  }
0x99: {  	s4 =	simm.s32 $0x0;
	s18 =	sshll.u32 s2, $0x1;
	s2 =	sadd.s32 s19, s0  }
0x9a: {  	[timem:s4], [sflag:s20] =	dma.local [hbm:s2], s18  }
0x9b: {  	_ =	swait.ge [sflag:s20], s18  }
0x9c: {  	s1 =	ssub.s32 $0x0, s18;
	[sflag:s20] =	ssyncset.done $0x0  }
0x9d: {  	[sflag:s20] =	ssyncadd.s32 s1;
	_ =	sdelay $0x1  }
0x9e: {  	s21 =	simm.s32 $0x1B8B  }
0x9f: {  	_ =	swait.ge [sflag:s21], $0x1  }
0xa0: {  	[sflag:s21] =	ssyncset.done $0x0  }
0xa1: {  	s23 =	simm.s32 $0x1B8E;
	s22 =	sld [smem:$0x3FFE];
	[sflag:s21] =	ssyncadd.s32 $0xFFFFFFFF  }
0xa2: {  	s24 =	simm.s32 $execute0_lowered;
	[smem:$0x3FD2] =	sst s23  }
0xa3: {  	s2 =	sshll.u32 s24, $0x1;
	_ =	strace $0x80000046;
	[dreg:$0x1] =	wrdreg $0xFFFFFFFF  }
0xa4: {  	s25 =	simm.s32 $_size_execute0_lowered;
	s0 =	sadd.s32 s0, s2;
	[dreg:$0x0] =	wrdreg $0x0  }
0xa5: {  	s2 =	sshll.u32 s25, $0x1;
	[dreg:$0x2] =	wrdreg s0  }
0xa6: {  	[dreg:$0x3] =	wrdreg s2  }
0xa7: {  	[dreg:$0x4] =	wrdreg $0xC0  }
0xa8: {  	_ =	task [dreg:s4], $0x5FFFF  }
0xa9: {  	[dreg:$0x1] =	wrdreg $0xFFFFFFFF  }
0xaa: {  	[dreg:$0x0] =	wrdreg $0x60  }
0xab: {  	[dreg:$0x2] =	wrdreg s22  }
0xac: {  	[dreg:$0x3] =	wrdreg $0x9  }
0xad: {  	_ =	task.clear_ibuf [dreg:s4], $0x4FFFF;
	_ =	strace $0x90000046  }
0xae: {  	s26 =	simm.s32 $0x9;
	_ =	strace $0x80000048  }
0xaf: {  	_ =	swait.ge [sflag:s26], $0x1  }
0xb0: {  	[sflag:s26] =	ssyncadd.s32 $0xFFFFFFFF  }
0xb1: {  	_ =	strace $0x90000048  }
0xb2: {  	_ =	sfence  }
0xb3: {  	s28 =	sld [smem:$0x0];
	_ =	sdelay $0x1  }
0xb4: {  	s29 =	srdreg.scid  }
0xb5: {  	s30 =	sshll.u32 s29, $0xD;
	s31 =	sshrl.u32 s29, $0x2  }
0xb6: {  	s1 =	sand.u32 $0x1, s29;
	s2 =	sand.u32 $0x4000, s30;
	s0 =	sadd.s32 s31, s28  }
0xb7: {  	s1 =	sor.u32 s2, s1;
	s0 =	sshll.u32 s0, $0x11  }
0xb8: {  	s0 =	sor.u32 s0, s1  }
0xb9: {  	s0 =	sadd.s32 $0x8F2B, s0  }
0xba: {  	[sflag:s0] =	ssyncadd.remote.s32 $0x1  }
0xbb: {  	_ =	sfence.sel $0xFFFF  }
0xbc: {  	[dreg:$0x0] =	wrdreg $0xFFFFFFFF;
	(pc) =	sbr.abs _section_cstart, $3  }
0xbd: {  	[dreg:$0x1] =	wrdreg $0xFFFFFFFF  }
0xbe: {  	_ =	task.clear_ibuf [dreg:s4], $0x2FFFF;
	_ =	strace $0x9FFFFFFF  }
0xbf: {  	(tm) =	ssettm $0x7FFFFFFF  }
tec
execute0_lowered:
.L_overlay_start_1:
0x0: {  	(tag) =	ssettag $0x1  }
0x1: {  	s0 =	rddreg [dreg:$0x0];
	_ =	strace $0x80000047;
	s15 =	stileid.u32  }
0x2: {  	s2 =	simm.s32 $0x1;
	s1 =	smin.u32 s15, $0x8;
	s3 =	sshll.u32 s15, $0x1  }
0x3: {  	v1 =	vimm.s32 $0xFFFFFFFF;
	[sflag:s2] =	ssyncpa.u1 $0x0;
	s1 =	sadd.s32 s1, s3  }
0x4: {  	p0 =	slt.u32 s15, $0x8;
	[tilespmem:$0x10] =	vst v1;
	s4 =	smul.u32 $0x1F40, s1;
	s1 =	simm.s32 $0x5DC0  }
0x5: {  	v0 =	vimm.f32 $0.0e+00;
	[tilespmem:$0x20] =	vst v1;
	s1 =	simm.s32 @!p0 $0x3E80  }
0x6: {  	[tilespmem:$0x30] =	vst v0;
	s1 =	sadd.s32 s1, s4  }
0x7: {  	[tilespmem:$0x40] =	vst v0;
	s5 =	smin.u32 s1, $0x4E200  }
0x8: {  	s7 =	simm.s32 $0x2;
	s8 =	simm.s32 $0x8;
	[tilespmem:$0x50] =	vst v0;
	s9 =	ssub.s32 s5, s4  }
0x9: {  	s31 =	simm.s32 $0x9;
	s16 =	simm.s32 $0x0;
	[tilespmem:$0x60] =	vst v1;
	p0 =	sgt.s32 s9, $0x0  }
0xa: {  	s17 =	simm.s32 $0xF0;
	s18 =	simm.s32 $0xFFFFFFFF;
	[tilespmem:$0x70] =	vst v1;
	s9 =	simm.s32 @!p0 $0x0  }
0xb: {  	s19 =	simm.s32 $0xFFFFC280;
	s20 =	simm.s32 $0xFFFFFFFE;
	[tilespmem:$0x80] =	vst v1;
	s30 =	smulhi.u32 $0x10624DD3, s9  }
0xc: {  	s21 =	simm.s32 $0xF;
	s25 =	simm.s32 $0x0;
	s24 =	simm.s32 $0x0;
	v1 =	vimm.s32 $0x0;
	[tilespmem:$0xB0] =	vst v0  }
0xd: {  	s6 =	sadd.s32 $0x5000, s0;
	s15 =	sshllo.u32 s15, $0x1;
	[tilespmem:$0x90] =	vst v1;
	s10 =	sshrl.u32 s30, $0x9  }
0xe: {  	[tilespmem:$0xA0] =	vst v1;
	[sflag:s7] =	ssyncpa.u1 $0x0;
	s7 =	simm.s32 $0x7;
	s11 =	smul.u32 $0x1F40, s10  }
.Ltmp0:
0xf: {  	s13 =	sor.u32 $0x80, s3;
	[sflag:s7] =	ssyncpa.u1 $0x0;
	(pc) =	sbr.rel .LBB2_1-.Ltmp0, $4  }
0x10: {  	s14 =	sor.u32 $0x81, s3;
	[sflag:s8] =	ssyncpa.u1 $0x0;
	p0 =	sne.s32 s9, s11  }
0x11: {  	s23 =	smov.u32 s4;
	s1 =	sadd.s32 $0x2C800, s0;
	s2 =	simm.s32 @!p0 $0x0  }
0x12: {  	vm0 =	vmmov $0xffff;
	v2 =	vlaneseq.u32;
	[sflag:s31] =	ssyncpa.u1 $0x0;
	s9 =	sadd.s32 $0x22A00, s0;
	s10 =	sadd.s32 s2, s10  }
0x13: {  	vm1 =	vmxor vm1, vm1;
	vm2 =	vmmov $0x1;
	vm3 =	vcmask $0x3F3C;
	p0 =	por $0x0, $0x0;
	s11 =	sadd.s32 $0x1, s10;
	s12 =	sadd.s32 $0x2, s10  }
.LBB2_9:
0x14: {  	p1 =	slt.u32 s24, $0x3  }
0x15: {  	s0 =	simm.s32 @!p1 $0x2  }
0x16: {  	_ =	swait.ge @!p1 [sflag:s0], $0x1F40  }
0x17: {  	[sflag:s0] =	ssyncset.done @!p1 $0x0  }
0x18: {  	[sflag:s0] =	ssyncadd.s32 @!p1 $0xFFFFE0C0;
	s0 =	simm.s32 @!p1 $0x9  }
0x19: {  	_ =	swait.ge @!p1 [sflag:s0], $0x10  }
0x1a: {  	[sflag:s0] =	ssyncset.done @!p1 $0x0  }
0x1b: {  	[sflag:s0] =	ssyncadd.s32 @!p1 $0xFFFFFFF0;
	p1 =	sne.s32 s24, s12  }
.Ltmp1:
0x1c: {  	s2 =	sadd.s32 $0x1F40, s23;
	(pc) =	sbr.rel @!p1 .LBB2_10-.Ltmp1, $4  }
0x1d: {  	s22 =	smov.u32 s4;
	s31 =	sadd.s32 $0x1, s24;
	s17 =	sadd.s32 $0x1F40, s17  }
0x1e: {  	s18 =	sadd.s32 $0x1, s18;
	s25 =	smov.u32 s23;
	p2 =	slt.s32 s2, s5  }
0x1f: {  	p0 =	por !p0, !p0;
	s19 =	sadd.s32 $0x1F40, s19;
	s22 =	smov.u32 @p2 s2  }
0x20: {  	s20 =	sadd.s32 $0x1, s20;
	s23 =	smov.u32 s22;
	s24 =	smov.u32 s31  }
.LBB2_1:
0x21: {  	p1 =	sge.u32 s24, s10  }
0x22: {  	s0 =	smulhi.u32 @!p1 $0xAAAAAAAB, s24;
	_ =	sdelay $0x1  }
0x23: {  	s0 =	sshrl.u32 @!p1 s0, $0x1  }
0x24: {  	s0 =	smul.u32 @!p1 $0x3, s0;
	_ =	sdelay $0x1  }
0x25: {  	s0 =	ssub.s32 @!p1 s24, s0  }
0x26: {  	s0 =	smul.u32 @!p1 $0x7D00, s0;
	_ =	sdelay $0x1  }
0x27: {  	s2 =	sshrl.u32 @!p1 s23, $0x3;
	s0 =	sshrl.u32 @!p1 s0, $0x2  }
0x28: {  	s22 =	sand.u32 @!p1 $0x7, s23;
	s2 =	sadd.s32 @!p1 s6, s2;
	s0 =	sadd.s32 @!p1 $0x100, s0  }
0x29: {  	[tilespmem:s0], [sflag:$0x7] =	stream.linear.gather @!p1 [hbm4b:s2+s22], $0x1F40, $0x38;
	[tilespmem:$0x11A60] =	vst v63  }
0x2a: {  	s0 =	sadd.s32 $0xFFFFFFFF, s24  }
0x2b: {  	p1 =	sge.u32 s0, s10  }
.Ltmp2:
0x2c: {  	_ = 	snop;
	(pc) =	sbr.rel @p1 .LBB2_5-.Ltmp2, $1  }
0x2d: {  	_ =	sdelay $0x3  }
0x2e: {  	s2 =	smulhi.u32 $0xAAAAAAAB, s0;
	_ =	sdelay $0x1  }
0x2f: {  	s2 =	sshrl.u32 s2, $0x1  }
0x30: {  	s2 =	smul.u32 $0x3, s2;
	_ =	sdelay $0x1  }
0x31: {  	s2 =	ssub.s32 s0, s2  }
0x32: {  	s2 =	smul.u32 $0x7D00, s2  }
0x33: {  	_ =	swait.ge [sflag:s7], $0x1F40  }
0x34: {  	[sflag:s7] =	ssyncset.done $0x0;
	s2 =	sshrl.u32 s2, $0x2  }
0x35: {  	[sflag:s7] =	ssyncadd.s32 $0xFFFFE0C0;
	(ifvalue) =	ssetifvalue $0xFFFFFFFF;
	v3 =	vld.msk [tilespmem:s2+$0x100 ss:$0x1], $0xffff;
	_ =	sdelay $0x2  }
0x36: {  	s30 =	smulhi.u32 $0xAAAAAAAB, s18;
	p1 =	sne.s32 s24, $0x1  }
0x37: {  	v4 =	vimm.s32 @!p1 $0x0  }
0x38: {  	s2 =	sshrl.u32 s30, $0x1;
	v4 =	vperm.xlane @!p1 v3, v4  }
0x39: {  	s22 =	sshll.u32 s24, $0x4;
	s2 =	smul.u32 $0xFFFE8900, s2;
	vm4 =	vlt.u32 v3, $0x3D0C00  }
0x3a: {  	s22 =	sand.u32 $0x10, s22;
	v3 =	vnsel vm4, $0xFFFFFFFE, v3;
	vm4 =	vlt.u32 @!p1 v4, $0x3D0C00  }
0x3b: {  	s2 =	sshra.s32 s2, $0x2;
	[tilespmem:s22+$0x60] =	vst v3;
	v3 =	vnsel @!p1 vm4, $0xFFFFFFFE, v4  }
0x3c: {  	s28 =	sadd.s32 s2, s17;
	[tilespmem:$0x80] =	vst @!p1 v3  }
0x3d: {  	v3 =	vld.msk [tilespmem:s28+$0x0 ss:$0x1], $0xffff;
	_ =	sdelay $0x4  }
0x3e: {  	(xrf1) =	vunique.msk.u32 $0xffff, v3;
	_ =	sdelay $0xd  }
0x3f: {  	v4 =	vimm.s32 $0xFFFFFFFF;
	v5, _, _ =	vpop (xrf1)  }
0x40: {  	vm5 =	vne.s32 v3, v4;
	vm4 =	veq.s32 v5, v2  }
0x41: {  	vm6 =	vlt.u32 v3, $0x3D0C00;
	vm4 =	vmand vm5, vm4  }
0x42: {  	vm4 =	vmand vm6, vm4  }
0x43: {  	v4 =	vnsel vm4, $0xFFFFFFFF, v3  }
0x44: {  	s31 =	sand.u32 $0x1, s0  }
0x45: {  	s0 =	simm.s32 $0x1F40;
	p1 =	seq.s32 s31, $0x1  }
0x46: {  	s0 =	simm.s32 @!p1 $0x0  }
0x47: {  	s26 =	sadd.s32 $0x7DF0, s0;
	(ifvalue) =	ssetifvalue $0xFFFFFFFF  }
0x48: {  	v3 =	vperm.xlane v3, v1;
	[tilespmem:s26], [sflag:$0x8] =	stream.indirect_vreg.gather [hbm4b:s1+s16], $0x1, v4, vm0, $0x4038;
	v4 =	vnsel vm6, $0xFFFFFFFE, v4;
	[tilespmem:$0x11A60] =	vst v63  }
0x49: {  	s2 =	simm.s32 $0x0;
	s22 =	sadd.s32 $0xFFFFFFF0, s28;
	[tilespmem:s28+$0x0] =	vst v4  }
.LBB2_3:
0x4a: {  	v4 =	vld.msk [tilespmem:s22+$0x0 ss:$0x1], $0xffff;
	s2 =	sadd.s32 $0x10, s2;
	v5 =	vmov v3;
	s28 =	smov.u32 s22  }
0x4b: {  	p1 =	slt.u32 s2, $0x1F30;
	_ =	sdelay $0x4  }
0x4c: {  	v3 =	vperm.xlane v4, v1;
	(xrf1) =	vunique.msk.u32 $0xffff, v4;
	_ =	sdelay $0xd  }
0x4d: {  	v6, _, _ =	vpop (xrf1)  }
0x4e: {  	vm5 =	vne.s32 v4, v5;
	vm4 =	veq.s32 v6, v2  }
0x4f: {  	vm6 =	vlt.u32 v4, $0x3D0C00;
	vm4 =	vmand vm5, vm4  }
0x50: {  	vm4 =	vmand vm6, vm4  }
0x51: {  	v4 =	vnsel vm4, $0xFFFFFFFF, v4  }
.Ltmp3:
0x52: {  	v5 =	vnsel vm6, $0xFFFFFFFE, v4;
	(pc) =	sbr.rel @p1 .LBB2_3-.Ltmp3, $3  }
0x53: {  	_ =	sdelay $0x1  }
0x54: {  	s22 =	sadd.s32 $0xFFFFFFF0, s22;
	s26 =	sadd.s32 $0xFFFFFFF0, s26;
	(ifvalue) =	ssetifvalue $0xFFFFFFFF  }
0x55: {  	[tilespmem:s26], [sflag:$0x8] =	stream.indirect_vreg.gather [hbm4b:s1+s16], $0x1, v4, vm0, $0x4038;
	[tilespmem:s28+$0x0] =	vst v5  }
0x56: {  	s2 =	sshrl.u32 s25, $0x3  }
0x57: {  	s0 =	sadd.s32 $0x9D40, s0;
	s2 =	sadd.s32 s9, s2  }
0x58: {  	[tilespmem:s0], [sflag:$0x8] =	stream.linear.gather [hbm:s2], $0x1F40, $0x38;
	[tilespmem:$0x11A60] =	vst v63  }
.LBB2_5:
0x59: {  	p1 =	slt.u32 s24, $0x2  }
0x5a: {  	p2 =	sge.u32 @!p1 s24, s12  }
0x5b: {  	p1 =	por p1, p2  }
.Ltmp4:
0x5c: {  	_ = 	snop;
	(pc) =	sbr.rel @p1 .LBB2_9-.Ltmp4, $1  }
0x5d: {  	_ =	sdelay $0x3  }
0x5e: {  	s0 =	sadd.s32 $0xFFFFFFFE, s24  }
0x5f: {  	s2 =	smulhi.u32 $0xAAAAAAAB, s0;
	_ =	sdelay $0x1  }
0x60: {  	s2 =	sshrl.u32 s2, $0x1  }
0x61: {  	s2 =	smul.u32 $0x3, s2;
	_ =	sdelay $0x1  }
0x62: {  	s0 =	ssub.s32 s0, s2  }
0x63: {  	_ =	swait.ge [sflag:s8], $0x3E80;
	s0 =	smul.u32 $0x1F40, s0  }
0x64: {  	p1 =	sne.s32 s24, s11;
	[sflag:s8] =	ssyncset.done $0x0  }
0x65: {  	[sflag:s8] =	ssyncadd.s32 $0xFFFFC180;
	s2 =	sadd.s32 @!p1 $0x203F, s0  }
0x66: {  	[spmem:s14] =	stream.linear.scatter @!p1 [tilespmem:s2], [sflag:$0x1], $0x1, $0x38;
	[tilespmem:$0x11A60] =	vst v63  }
0x67: {  	s2 =	simm.s32 @!p1 $0x1  }
0x68: {  	_ =	swait.ge @!p1 [sflag:s2], $0x1  }
0x69: {  	s22 =	sshll.u32 s24, $0x4;
	[sflag:s2] =	ssyncset.done @!p1 $0x0  }
0x6a: {  	s25 =	sand.u32 $0x10, s22;
	[sflag:s2] =	ssyncadd.s32 @!p1 $0xFFFFFFFF  }
0x6b: {  	s2 =	sxor.u32 $0x10, s25;
	v4 =	vld [tilespmem:s25+$0x10]  }
0x6c: {  	v5 =	vld [tilespmem:s2+$0x60]  }
0x6d: {  	v3 =	vld [tilespmem:$0x80];
	_ =	sdelay $0x2  }
0x6e: {  	(v2sf) =	vpush v4, $0x0  }
0x6f: {  	(v2sf) =	vpush v5, $0x0  }
0x70: {  	(v2sf) =	vpush v3, $0x0;
	_ =	sdelay $0xc  }
0x71: {  	s22 =	spop (v2sf)  }
0x72: {  	s26 =	spop (v2sf)  }
0x73: {  	s28 =	spop (v2sf)  }
0x74: {  	p2 =	seq.s32 s22, s26;
	p3 =	seq.s32 s28, s22  }
0x75: {  	p3 =	por p2, p3  }
0x76: {  	s26 =	sand.u32 $0x1, s24;
	v4 =	vpsel p3, $0xFFFFFFFF, v4  }
0x77: {  	s29 =	smul.u32 $0x1F40, s26;
	[tilespmem:s25+$0x10] =	vst.msk $0x1, v4  }
0x78: {  	v4 =	vld [tilespmem:$0x30]  }
0x79: {  	v5 =	vld [tilespmem:s29+$0x9D40]  }
0x7a: {  	v6 =	vld [tilespmem:s25+$0x40];
	_ =	sdelay $0x3  }
0x7b: {  	vm4 =	vmmov vm1;
	v5 =	vadd.f32 v5, v4  }
0x7c: {  	vm5 =	vmmov vm2;
	vm4 =	vmmov @p2 vm2;
	s22 =	sshll.u32 s26, $0x4;
	v4 =	vadd.f32 v6, v4  }
0x7d: {  	s26 =	sor.u32 $0x11A40, s22;
	vm5 =	vmmov @p3 vm1;
	[tilespmem:s29+$0x9D40] =	vst.msk vm4, v5  }
0x7e: {  	[tilespmem:s26+$0x0] =	vst.msk vm5, v4  }
0x7f: {  	v4 =	vld [tilespmem:s29+$0x7DF0];
	_ =	sdelay $0x3  }
0x80: {  	v5 =	vimm.f32 $0.0e+00  }
0x81: {  	v4 =	vshift.insert v4, v5, s21  }
0x82: {  	s22 =	sor.u32 $0x40, s2  }
0x83: {  	[tilespmem:s22+$0x0] =	vst.msk $0x1, v4  }
0x84: {  	[tilespmem:s29+$0x7DFF] =	vst.msk $0x1, v5  }
0x85: {  	v4 =	vld [tilespmem:s0+$0x2030];
	_ =	sdelay $0x1  }
0x86: {  	s22 =	smulhi.u32 $0xAAAAAAAB, s20;
	s0 =	simm.s32 $0x1  }
0x87: {  	s0 =	simm.s32 @!p0 $0x0  }
0x88: {  	s22 =	sshrl.u32 s22, $0x1;
	s0 =	smul.u32 $0x7D00, s0  }
0x89: {  	s22 =	smul.u32 $0xFFFE8900, s22;
	v4 =	vshift.insert v4, v1, s21  }
0x8a: {  	s0 =	sshrl.u32 s0, $0x2  }
0x8b: {  	s22 =	sshra.s32 s22, $0x2;
	s30 =	sadd.s32 $0x9D40, s0;
	[tilespmem:s2+$0x10] =	vst.msk $0x1, v4  }
0x8c: {  	s22 =	sadd.s32 s22, s19;
	v6 =	vld [tilespmem:s30+$0x0]  }
0x8d: {  	v7 =	vld [tilespmem:s22+$0x0];
	_ =	sdelay $0x3  }
0x8e: {  	v5 =	vadd.f32 v6, v5  }
0x8f: {  	vm4 =	vne.s32 v7, $0xFFFFFFFF  }
0x90: {  	(xrf2) =	vadd.seg.scan.f32 vm4, v5;
	_ =	sdelay $0x3  }
0x91: {  	s31 =	sadd.s32 $0x5EC0, s0;
	v5 =	vperm.xlane v4, v1  }
0x92: {  	v6 =	vld [tilespmem:s31+$0x0]  }
0x93: {  	vm5 =	veq.s32 v7, v3;
	vm6 =	veq.s32 v7, v5  }
0x94: {  	vm7 =	vgt.u32 v7, $0xFFFFFFFD;
	vm6 =	vmor vm6, vm5  }
0x95: {  	vm6 =	vmor vm6, vm7  }
0x96: {  	v9 =	vld [tilespmem:$0xA0];
	v7 =	vsel vm6, $0xFFFFFFFF, v7  }
0x97: {  	v10 =	vld [tilespmem:$0x90];
	v6 =	vsel vm5, $0x0, v6;
	v8, _, _ =	vpop (xrf2)  }
0x98: {  	v6 =	vadd.f32 v8, v6  }
0x99: {  	s0 =	sadd.s32 $0xDBC0, s0  }
0x9a: {  	vm4 =	vmand vm4, vm3;
	[tilespmem:s0+$0x0] =	vst v6;
	(ifvalue) =	ssetifvalue $0xFFFFFFFF  }
0x9b: {  	vm6 =	veq.s32 v9, $0x1;
	[hbm4b:s1+s16] =	stream.indirect_vreg.scatter [tilespmem:s0], [sflag:$0x2], $0x1, v7, vm0, $0x4038;
	v7 =	vsel vm4, $0x0, v8;
	[tilespmem:$0x11A60] =	vst v63  }
0x9c: {  	s2 =	simm.s32 $0x0;
	s22 =	sadd.s32 $0x10, s22;
	vm4 =	vmor vm6, vm5;
	v6 =	vsel vm5, v8, v10;
	v7 =	vshift.insert v7, v0, s21  }
.LBB2_7:
0x9d: {  	v8 =	vld [tilespmem:s22+$0x0];
	s30 =	sadd.s32 $0x10, s30  }
0x9e: {  	s31 =	sadd.s32 $0x10, s31;
	v9 =	vld [tilespmem:s30+$0x0]  }
0x9f: {  	s2 =	sadd.s32 $0x10, s2;
	v10 =	vld [tilespmem:s31+$0x0]  }
0xa0: {  	p2 =	slt.u32 s2, $0x1F30;
	_ =	sdelay $0x2  }
0xa1: {  	v7 =	vadd.f32 v9, v7  }
0xa2: {  	vm5 =	vne.s32 v8, $0xFFFFFFFF  }
0xa3: {  	vm6 =	vmand vm5, vm3;
	(xrf2) =	vadd.seg.scan.f32 vm5, v7;
	_ =	sdelay $0x5  }
0xa4: {  	vm7 =	veq.s32 v8, v5;
	vm5 =	veq.s32 v8, v3  }
0xa5: {  	vm8 =	vgt.u32 v8, $0xFFFFFFFD;
	vm4 =	vmor vm4, vm5;
	vm7 =	vmor vm7, vm5  }
0xa6: {  	vm7 =	vmor vm7, vm8  }
0xa7: {  	v8 =	vsel vm7, $0xFFFFFFFF, v8  }
.Ltmp5:
0xa8: {  	v7 =	vsel vm5, $0x0, v10;
	v9, _, _ =	vpop (xrf2);
	(pc) =	sbr.rel @p2 .LBB2_7-.Ltmp5, $4  }
0xa9: {  	v6 =	vsel vm5, v9, v6;
	v10 =	vadd.f32 v9, v7;
	v7 =	vsel vm6, $0x0, v9  }
0xaa: {  	s0 =	sadd.s32 $0x10, s0;
	v7 =	vshift.insert v7, v0, s21  }
0xab: {  	s22 =	sadd.s32 $0x10, s22;
	[tilespmem:s0+$0x0] =	vst v10;
	(ifvalue) =	ssetifvalue $0xFFFFFFFF  }
0xac: {  	[hbm4b:s1+s16] =	stream.indirect_vreg.scatter [tilespmem:s0], [sflag:$0x2], $0x1, v8, vm0, $0x4038;
	[tilespmem:$0x11A60] =	vst v63  }
0xad: {  	v3 =	vld [tilespmem:s29+$0xFAF0];
	_ =	sdelay $0x4  }
0xae: {  	v3 =	vshift.insert v3, v0, s21  }
0xaf: {  	s0 =	simm.s32 $0x30  }
0xb0: {  	[tilespmem:s0+$0x0] =	vst.msk $0x1, v3  }
0xb1: {  	v3 =	vsel vm4, $0x1, v1;
	[tilespmem:$0x90] =	vst v6  }
0xb2: {  	s0 =	sadd.s32 @!p1 $0xFAFF, s29;
	[tilespmem:$0xA0] =	vst v3  }
0xb3: {  	[spmem:s15] =	stream.linear.scatter @!p1 [tilespmem:s0], [sflag:$0x1], $0x1, $0x38;
	[tilespmem:$0x11A60] =	vst v63  }
0xb4: {  	s0 =	simm.s32 @!p1 $0x1  }
0xb5: {  	v3 =	vmctz.xlane @!p1 vm4;
	_ =	swait.ge @!p1 [sflag:s0], $0x1  }
0xb6: {  	(v2sf) =	vpush @!p1 v4, $0x0  }
0xb7: {  	(v2sf) =	vpush @!p1 v3, $0x0;
	_ =	sdelay $0xd  }
0xb8: {  	s2 =	spop @!p1 (v2sf)  }
0xb9: {  	s22 =	spop @!p1 (v2sf)  }
0xba: {  	p2 =	sne.s32 @!p1 s28, s2;
	p3 =	slt.s32 @!p1 s22, $0xF  }
0xbb: {  	[sflag:s0] =	ssyncset.done @!p1 $0x0;
	p2 =	por p2, p1;
	p3 =	por !p3, p1  }
0xbc: {  	[sflag:s0] =	ssyncadd.s32 @!p1 $0xFFFFFFFF;
	v3 =	vimm.s32 @!p2 $0xFFFFFFFF;
	s22 =	simm.s32 @p3 $0xF  }
0xbd: {  	[tilespmem:$0x80] =	vst @!p2 v3;
	s2 =	sadd.s32 @!p1 $0x90, s22  }
0xbe: {  	[spmem:s3] =	stream.linear.scatter @!p1 [tilespmem:s2], [sflag:$0x1], $0x1, $0x38;
	[tilespmem:$0x11A60] =	vst v63  }
0xbf: {  	_ =	swait.ge @!p1 [sflag:s0], $0x1  }
0xc0: {  	[sflag:s0] =	ssyncset.done @!p1 $0x0  }
0xc1: {  	s2 =	simm.s32 @!p1 $0x80;
	[sflag:s0] =	ssyncadd.s32 @!p1 $0xFFFFFFFF  }
0xc2: {  	[spmem:s13] =	stream.linear.scatter @!p1 [tilespmem:s2], [sflag:$0x1], $0x1, $0x38;
	[tilespmem:$0x11A60] =	vst v63  }
0xc3: {  	_ =	swait.ge @!p1 [sflag:s0], $0x1  }
0xc4: {  	[sflag:s0] =	ssyncset.done @!p1 $0x0  }
0xc5: {  	[sflag:s0] =	ssyncadd.s32 @!p1 $0xFFFFFFFF;
	(ifvalue) =	ssetifvalue $0xFFFFFFFF;
	v3 =	vld [tilespmem:s25+$0x10];
	_ =	sdelay $0x3  }
.Ltmp6:
0xc6: {  	_ = 	snop;
	(pc) =	sbr.rel .LBB2_9-.Ltmp6, $3  }
0xc7: {  	_ =	sdelay $0x1  }
0xc8: {  	(ifvalue) =	ssetifvalue $0xFFFFFFFF  }
0xc9: {  	[hbm4b:s1+s16] =	stream.indirect_vreg.scatter [tilespmem:s26], [sflag:$0x9], $0x1, v3, vm0, $0x4038;
	[tilespmem:$0x11A60] =	vst v63  }
.LBB2_10:
0xca: {  	_ =	sfence.sel $0x180000  }
0xcb: {  	s0 =	simm.s32 $0x7;
	[bflag:$0x0] =	sbarrier.arrive $0xFFFF  }
0xcc: {  	s26 =	simm.s32 $0x8;
	[sflag:s0] =	ssyncpa.u1 $0x1  }
0xcd: {  	s28 =	simm.s32 $0x9;
	[sflag:s26] =	ssyncpa.u1 $0x1  }
0xce: {  	[sflag:s28] =	ssyncpa.u1 $0x1  }
0xcf: {  	_ =	sfence.stream.spmem  }
0xd0: {  	s29 =	simm.s32 $0x3;
	[bflag:$0x0] =	sbarrier.arrive $0xFFFF  }
0xd1: {  	s30 =	simm.s32 $0x4;
	[sflag:s29] =	ssyncpa.u1 $0x1  }
0xd2: {  	s31 =	simm.s32 $0x3C;
	s2 =	stileid.u32;
	[sflag:s30] =	ssyncpa.u1 $0x1  }
0xd3: {  	p0 =	sne.s32 s2, $0x0;
	[sflag:s31] =	ssyncpa.u1 $0x1  }
0xd4: {  	s0 =	simm.s32 @p0 $0x1;
	_ =	sfence @p0  }
0xd5: {  	[sflag:s0] =	ssyncpa.u1 @p0 $0x1;
	s0 =	simm.s32 @p0 $0x2  }
0xd6: {  	[sflag:s0] =	ssyncpa.u1 @p0 $0x1  }
0xd7: {  	_ =	strace @p0 $0x90000047  }
0xd8: {  	[bflag:$0x2] =	sbarrier.arrive @p0 $0xFFFF  }
0xd9: {  	_ =	shalt @p0  }
.LBB2_11:
0xda: {  	_ =	sfence.stream.spmem;
	s0 =	simm.s32 $0x5  }
0xdb: {  	s2 =	simm.s32 $0x80;
	s3 =	simm.s32 $0xC0;
	[sflag:s0] =	ssyncpa.u1 $0x0  }
0xdc: {  	[tilespmem:s3], [sflag:$0x5] =	stream.linear.gather [spmem:s2], $0x20, $0x38;
	[tilespmem:$0x11A60] =	vst v63  }
0xdd: {  	s2 =	simm.s32 $0x0;
	s3 =	simm.s32 $0xE0  }
0xde: {  	[tilespmem:s3], [sflag:$0x5] =	stream.linear.gather [spmem:s2], $0x20, $0x38;
	[tilespmem:$0x11A60] =	vst v63  }
.Ltmp7:
0xdf: {  	_ = 	snop;
	(pc) =	sbr.rel .LBB2_12-.Ltmp7, $4  }
0xe0: {  	_ =	swait.ge [sflag:s0], $0x40  }
0xe1: {  	[sflag:s0] =	ssyncset.done $0x0  }
0xe2: {  	s31 =	simm.s32 $0x6;
	[sflag:s0] =	ssyncadd.s32 $0xFFFFFFC0  }
0xe3: {  	s4 =	simm.s32 $0x0;
	[sflag:s31] =	ssyncpa.u1 $0x0  }
.LBB2_17:
0xe4: {  	p0 =	sgt.u32 s5, $0x3D0BFF  }
0xe5: {  	s0 =	sshrl.u32 @!p0 s5, $0x3  }
0xe6: {  	s5 =	sand.u32 @!p0 $0x7, s5;
	s6 =	simm.s32 @!p0 $0xB0;
	s0 =	sadd.s32 @!p0 s1, s0  }
0xe7: {  	[tilespmem:s6], [sflag:$0x6] =	stream.linear.gather @!p0 [hbm4b:s0+s5], $0x1, $0x38;
	[tilespmem:$0x11A60] =	vst v63  }
0xe8: {  	s0 =	simm.s32 @!p0 $0x6  }
0xe9: {  	_ =	swait.ge @!p0 [sflag:s0], $0x1  }
0xea: {  	[sflag:s0] =	ssyncset.done @!p0 $0x0  }
0xeb: {  	[sflag:s0] =	ssyncadd.s32 @!p0 $0xFFFFFFFF  }
0xec: {  	v2 =	vmov @!p0 s4;
	v1 =	vld.msk @!p0 [tilespmem:$0xB0], $0x1;
	_ =	sdelay $0x3  }
0xed: {  	s0 =	simm.s32 @!p0 $0xE0  }
0xee: {  	[tilespmem:v2+s0+$0x0], v1 =	vst.idx.ret.add.f32.msk @!p0 $0x1, v1  }
0xef: {  	[tilespmem:s2+$0xC0] =	vst.msk $0x1, v0  }
0xf0: {  	v0 =	vld.msk [tilespmem:s4+$0xE0], $0x1;
	_ =	sdelay $0x4  }
0xf1: {  	[tilespmem:s2+$0xE0] =	vst.msk $0x1, v0;
	s2 =	sadd.s32 $0x1, s2  }
.LBB2_19:
0xf2: {  	s4 =	sadd.s32 $0x1, s4  }
0xf3: {  	p0 =	sne.s32 s4, $0x20  }
.Ltmp8:
0xf4: {  	_ = 	snop;
	(pc) =	sbr.rel @!p0 .LBB2_20-.Ltmp8, $1  }
0xf5: {  	_ =	sdelay $0x3  }
.LBB2_12:
0xf6: {  	v0 =	vld.msk [tilespmem:s4+$0xC0], $0x1;
	_ =	sdelay $0x4  }
0xf7: {  	(v2sf) =	vpush v0, $0x0;
	_ =	sdelay $0xe  }
0xf8: {  	s5 =	spop (v2sf)  }
0xf9: {  	p0 =	seq.s32 s5, $0xFFFFFFFF  }
.Ltmp9:
0xfa: {  	_ = 	snop;
	(pc) =	sbr.rel @p0 .LBB2_19-.Ltmp9, $1  }
0xfb: {  	_ =	sdelay $0x3  }
0xfc: {  	p0 =	slt.s32 s2, $0x1  }
.Ltmp10:
0xfd: {  	_ = 	snop;
	(pc) =	sbr.rel @p0 .LBB2_17-.Ltmp10, $1  }
0xfe: {  	_ =	sdelay $0x3  }
0xff: {  	s0 =	simm.s32 $0xC0;
	p0 =	por $0x0, $0x0  }
0x100: {  	v1 =	vld.msk @!p0 [tilespmem:s0+$0x0], $0x1;
	_ =	sdelay $0x4  }
0x101: {  	(v2sf) =	vpush @!p0 v1, $0x0;
	_ =	sdelay $0xd  }
0x102: {  	p2 =	sne.s32 s2, $0x1  }
.Ltmp11:
0x103: {  	s6 =	spop @!p0 (v2sf);
	(pc) =	sbr.rel @!p2 .LBB2_16-.Ltmp11, $4  }
0x104: {  	p1 =	seq.s32 @!p0 s5, s6  }
0x105: {  	s6 =	simm.s32 $0x0;
	p1 =	por !p1, p0  }
0x106: {  	s8 =	simm.s32 $0xFFFFFFFF;
	s6 =	simm.s32 @p1 $0xFFFFFFFF  }
0x107: {  	s7 =	simm.s32 $0x1;
	s6 =	smov.u32 @p0 s8  }
.LBB2_15:
0x108: {  	s8 =	smov.u32 s6;
	p0 =	sne.s32 s6, $0xFFFFFFFF  }
0x109: {  	s0 =	sadd.s32 $0x1, s0;
	s6 =	smov.u32 s7;
	s7 =	sadd.s32 $0x1, s7  }
0x10a: {  	p1 =	sne.s32 s2, s7;
	v1 =	vld.msk @!p0 [tilespmem:s0+$0x0], $0x1;
	_ =	sdelay $0x4  }
0x10b: {  	(v2sf) =	vpush @!p0 v1, $0x0;
	_ =	sdelay $0xe  }
.Ltmp12:
0x10c: {  	s9 =	spop @!p0 (v2sf);
	(pc) =	sbr.rel @p1 .LBB2_15-.Ltmp12, $4  }
0x10d: {  	p2 =	seq.s32 @!p0 s5, s9  }
0x10e: {  	p2 =	por !p2, p0  }
0x10f: {  	s6 =	simm.s32 @p2 $0xFFFFFFFF  }
0x110: {  	s6 =	smov.u32 @p0 s8  }
.LBB2_16:
0x111: {  	p0 =	sne.s32 s6, $0xFFFFFFFF  }
.Ltmp13:
0x112: {  	_ = 	snop;
	(pc) =	sbr.rel @!p0 .LBB2_17-.Ltmp13, $1  }
0x113: {  	_ =	sdelay $0x3  }
0x114: {  	v0 =	vld.msk [tilespmem:s4+$0xE0], $0x1;
	v1 =	vmov s6  }
.Ltmp14:
0x115: {  	_ = 	snop;
	(pc) =	sbr.rel .LBB2_19-.Ltmp14, $2  }
0x116: {  	_ =	sdelay $0x2  }
0x117: {  	[tilespmem:v1+s3+$0x0], v0 =	vst.idx.ret.add.f32.msk $0x1, v0  }
.LBB2_20:
0x118: {  	p0 =	slt.s32 s2, $0x1  }
.Ltmp15:
0x119: {  	_ = 	snop;
	(pc) =	sbr.rel @p0 .LBB2_24-.Ltmp15, $3  }
0x11a: {  	_ =	sdelay $0x1  }
0x11b: {  	s0 =	simm.s32 $0x6  }
0x11c: {  	s3 =	simm.s32 $0x0;
	[sflag:s0] =	ssyncpa.u1 $0x1  }
0x11d: {  	s0 =	simm.s32 $0xC0  }
0x11e: {  	v0 =	vld.msk [tilespmem:s0+$0x0], $0x1;
	_ =	sdelay $0x4  }
0x11f: {  	(v2sf) =	vpush v0, $0x0;
	_ =	sdelay $0xe  }
0x120: {  	s2 =	sadd.s32 $0xFFFFFFFF, s2;
	s4 =	spop (v2sf)  }
0x121: {  	p1 =	sne.s32 s2, $0x0;
	p0 =	sgt.u32 s4, $0x3D0BFF  }
.Ltmp16:
0x122: {  	s5 =	sshrl.u32 @!p0 s4, $0x3;
	(pc) =	sbr.rel @!p1 .LBB2_23-.Ltmp16, $4  }
0x123: {  	s0 =	simm.s32 $0xE0;
	s4 =	sand.u32 @!p0 $0x7, s4;
	s5 =	sadd.s32 @!p0 s1, s5  }
0x124: {  	[hbm4b:s5+s4] =	stream.linear.scatter @!p0 [tilespmem:s0], [sflag:$0x5], $0x1, $0x38;
	[tilespmem:$0x11A60] =	vst v63  }
0x125: {  	s5 =	simm.s32 $0x0  }
0x126: {  	s4 =	simm.s32 $0xC1;
	s5 =	simm.s32 @!p0 $0x4  }
.LBB2_22:
0x127: {  	v0 =	vld.msk [tilespmem:s4+$0x0], $0x1;
	s2 =	sadd.s32 $0xFFFFFFFF, s2;
	s3 =	sadd.s32 s3, s5  }
0x128: {  	p0 =	sne.s32 s2, $0x0;
	_ =	sdelay $0x3  }
0x129: {  	(v2sf) =	vpush v0, $0x0;
	_ =	sdelay $0xe  }
.Ltmp17:
0x12a: {  	s6 =	spop (v2sf);
	(pc) =	sbr.rel @p0 .LBB2_22-.Ltmp17, $4  }
0x12b: {  	s5 =	simm.s32 $0x0;
	p1 =	sgt.u32 s6, $0x3D0BFF  }
0x12c: {  	s0 =	sadd.s32 $0x1, s0;
	s5 =	simm.s32 @!p1 $0x4;
	s7 =	sshrl.u32 @!p1 s6, $0x3  }
0x12d: {  	s4 =	sadd.s32 $0x1, s4;
	s6 =	sand.u32 @!p1 $0x7, s6;
	s7 =	sadd.s32 @!p1 s1, s7  }
0x12e: {  	[hbm4b:s7+s6] =	stream.linear.scatter @!p1 [tilespmem:s0], [sflag:$0x5], $0x1, $0x38;
	[tilespmem:$0x11A60] =	vst v63  }
.LBB2_23:
0x12f: {  	s0 =	sadd.s32 s3, s5  }
0x130: {  	s3 =	sshrl.u32 s0, $0x2  }
.LBB2_24:
0x131: {  	s0 =	simm.s32 $0x5  }
0x132: {  	_ =	swait.ge [sflag:s0], s3  }
0x133: {  	s1 =	ssub.s32 $0x0, s3;
	[sflag:s0] =	ssyncset.done $0x0  }
0x134: {  	[sflag:s0] =	ssyncadd.s32 s1  }
0x135: {  	[sflag:s0] =	ssyncpa.u1 $0x1  }
0x136: {  	s29 =	simm.s32 $0x1;
	_ =	sfence  }
0x137: {  	s30 =	simm.s32 $0x2;
	[sflag:s29] =	ssyncpa.u1 $0x1  }
0x138: {  	[sflag:s30] =	ssyncpa.u1 $0x1  }
0x139: {  	_ =	strace $0x90000047  }
0x13a: {  	[bflag:$0x2] =	sbarrier.arrive $0xFFFF  }
0x13b: {  	s31 =	rddreg [dreg:$0x1]  }
0x13c: {  	s0 =	sadd.s32 $0x100000, s31  }
0x13d: {  	[sflag:s0] =	ssyncadd.tile.s32 $0x1;
	_ =	shalt  }
.Lfunc_end2:
_tile_overlayer_lowered:
.L_overlay_start_2:
0x13e: {  	(tag) =	ssettag $0x2  }
0x13f: {  	s0 =	rddreg [dreg:$0x0];
	s2 =	stileid.u32  }
0x140: {  	s1 =	rddreg [dreg:$0x1];
	p0 =	sne.s32 s2, $0x0  }
0x141: {  	s3 =	rddreg [dreg:$0x2];
	[bflag:$0x3] =	sbarrier.arrive $0xFFFF;
	s2 =	simm.s32 @!p0 $0x1C01  }
0x142: {  	[timem:s3], [sflag:s2] =	dma.local @!p0 [hbm:s0], s1  }
0x143: {  	s0 =	simm.s32 @!p0 $0x1  }
0x144: {  	_ =	swait.ge @!p0 [sflag:s0], s1  }
0x145: {  	s1 =	ssub.s32 @!p0 $0x0, s1;
	[sflag:s0] =	ssyncset.done @!p0 $0x0  }
0x146: {  	[sflag:s0] =	ssyncadd.s32 @!p0 s1  }
0x147: {  	[bflag:$0x3] =	sbarrier.arrive $0xFFFF  }
0x148: {  	_ =	shalt  }

</sc_bundles>
